<compile_context>
chip_gen: v7x
topology: tpu7x:2x2x1
jax: 0.10.2.dev20260603
libtpu: 0.0.44.dev20260713+nightly
codegen_flags: <defaults>
</compile_context>

<pallas_src>
import functools

import jax
import jax.numpy as jnp
from jax import lax
from jax.experimental import pallas as pl
from jax.experimental.pallas import tpu as pltpu
from jax.experimental.pallas import tpu_sc as plsc

N = 10000
E = 320000
D = 128
L = 128
R = E // L
NC, NS = 2, 16
NW = NC * NS
RPW = R // NW
REM = R - RPW * NW

GPW = 1250 // NS
GREM = 1250 - GPW * NS
_CHUNKS = ((0, 128), (128, 128), (256, 128), (384, 128), (512, 112))

_MESH = dict(core_axis_name="c", subcore_axis_name="s", num_cores=NC,
             num_subcores=NS)




def _worker_id():
    return lax.axis_index("s") * NC + lax.axis_index("c")


@functools.partial(
    pl.kernel,
    out_type=jax.ShapeDtypeStruct((NC, N, D), jnp.float32),
    mesh=plsc.VectorSubcoreMesh(**_MESH),
    scratch_types=[
        pltpu.VMEM((RPW, 1, L), jnp.int32),
        pltpu.VMEM((2, L, D), jnp.float32),
        pltpu.VMEM_SHARED((N, D), jnp.float32),
        pltpu.SemaphoreType.DMA,
        pltpu.SemaphoreType.DMA,
    ],
)
def _scatter(efeat_hbm, dst_hbm, mpart_hbm, idx_v, rows_v, m_sh, sem0, sem1):
    c = lax.axis_index("c")
    s = lax.axis_index("s")
    wid = _worker_id()
    sems = (sem0, sem1)
    zero = jnp.zeros((16,), jnp.float32)

    def zr(i, carry):
        for k in range(D // 16):
            rows_v[0, i, pl.ds(k * 16, 16)] = zero
        return carry

    lax.fori_loop(0, L, zr, 0)
    base_m = s * GPW * 8
    for off, n in _CHUNKS:
        pltpu.sync_copy(rows_v.at[0, pl.ds(0, n)],
                        m_sh.at[pl.ds(base_m + off, n)])

    @pl.when(s < GREM)
    def _():
        pltpu.sync_copy(rows_v.at[0, pl.ds(0, 8)],
                        m_sh.at[pl.ds((NS * GPW + s) * 8, 8)])

    plsc.subcore_barrier()

    base = wid * RPW
    pltpu.sync_copy(dst_hbm.at[pl.ds(base, RPW)], idx_v)
    pltpu.async_copy(efeat_hbm.at[pl.ds(base * L, L)], rows_v.at[0], sem0)

    def pair(g, carry):
        for b in (0, 1):
            j = 2 * g + b
            pltpu.make_async_copy(efeat_hbm.at[pl.ds((base + j) * L, L)],
                                  rows_v.at[b], sems[b]).wait()

            @pl.when(j + 1 < RPW)
            def _():
                pltpu.async_copy(
                    efeat_hbm.at[pl.ds((base + j + 1) * L, L)],
                    rows_v.at[1 - b], sems[1 - b])

            pltpu.sync_copy(rows_v.at[b], m_sh.at[idx_v.at[j, 0]], add=True)
        return carry

    lax.fori_loop(0, RPW // 2, pair, 0)

    @pl.when(wid < REM)
    def _():
        r = NW * RPW + wid
        pltpu.sync_copy(dst_hbm.at[pl.ds(r, 1)], idx_v.at[pl.ds(0, 1)])
        pltpu.sync_copy(efeat_hbm.at[pl.ds(r * L, L)], rows_v.at[0])
        pltpu.sync_copy(rows_v.at[0], m_sh.at[idx_v.at[0, 0]], add=True)

    plsc.subcore_barrier()

    for off, n in _CHUNKS:
        pltpu.sync_copy(m_sh.at[pl.ds(base_m + off, n)],
                        rows_v.at[0, pl.ds(0, n)])
        pltpu.sync_copy(rows_v.at[0, pl.ds(0, n)],
                        mpart_hbm.at[c, pl.ds(base_m + off, n)])

    @pl.when(s < GREM)
    def _():
        row = (NS * GPW + s) * 8
        pltpu.sync_copy(m_sh.at[pl.ds(row, 8)], rows_v.at[0, pl.ds(0, 8)])
        pltpu.sync_copy(rows_v.at[0, pl.ds(0, 8)],
                        mpart_hbm.at[c, pl.ds(row, 8)])


def _mw_body(mp_ref, w_ref, mw_ref):
    m = mp_ref[0] + mp_ref[1]
    mw_ref[...] = lax.dot_general(
        m, w_ref[...], (((1,), (1,)), ((), ())),
        preferred_element_type=jnp.float32)


_mw = pl.pallas_call(
    _mw_body,
    out_shape=jax.ShapeDtypeStruct((N, D), jnp.float32),
)


@functools.partial(
    pl.kernel,
    out_type=jax.ShapeDtypeStruct((E, D), jnp.float32),
    mesh=plsc.VectorSubcoreMesh(**_MESH),
    scratch_types=[
        pltpu.VMEM((RPW, 1, L), jnp.int32),
        pltpu.VMEM((2, L, D), jnp.float32),
        pltpu.VMEM_SHARED((N, D), jnp.float32),
        pltpu.SemaphoreType.DMA,
        pltpu.SemaphoreType.DMA,
    ],
)
def _gather(m_hbm, src_hbm, t_hbm, g_hbm, idx_v, rows_v, m_sh, sem0, sem1):
    del t_hbm
    s = lax.axis_index("s")
    wid = _worker_id()
    sems = (sem0, sem1)
    base_m = s * GPW * 8
    for off, n in _CHUNKS:
        pltpu.sync_copy(m_hbm.at[pl.ds(base_m + off, n)],
                        rows_v.at[0, pl.ds(0, n)])
        pltpu.sync_copy(rows_v.at[0, pl.ds(0, n)],
                        m_sh.at[pl.ds(base_m + off, n)])

    @pl.when(s < GREM)
    def _():
        row = (NS * GPW + s) * 8
        pltpu.sync_copy(m_hbm.at[pl.ds(row, 8)], rows_v.at[0, pl.ds(0, 8)])
        pltpu.sync_copy(rows_v.at[0, pl.ds(0, 8)], m_sh.at[pl.ds(row, 8)])

    plsc.subcore_barrier()

    base = wid * RPW
    pltpu.sync_copy(src_hbm.at[pl.ds(base, RPW)], idx_v)
    pltpu.async_copy(m_sh.at[idx_v.at[0, 0]], rows_v.at[0], sem0)

    def pair(g, carry):
        for b in (0, 1):
            j = 2 * g + b
            pltpu.make_async_copy(m_sh.at[idx_v.at[j, 0]],
                                  rows_v.at[b], sems[b]).wait()

            @pl.when(j + 1 < RPW)
            def _():
                pltpu.async_copy(m_sh.at[idx_v.at[j + 1, 0]],
                                 rows_v.at[1 - b], sems[1 - b])

            pltpu.sync_copy(rows_v.at[b], g_hbm.at[pl.ds((base + j) * L, L)])
        return carry

    lax.fori_loop(0, RPW // 2, pair, 0)

    @pl.when(wid < REM)
    def _():
        r = NW * RPW + wid
        pltpu.sync_copy(src_hbm.at[pl.ds(r, 1)], idx_v.at[pl.ds(0, 1)])
        pltpu.async_copy(m_sh.at[idx_v.at[0, 0]], rows_v.at[0], sem0).wait()
        pltpu.sync_copy(rows_v.at[0], g_hbm.at[pl.ds(r * L, L)])


BE = 3200


def _tkern_body(init_ref, ef_ref, w_ref, b_ref, t_ref):
    t_ref[...] = (init_ref[...] + b_ref[...] - lax.dot_general(
        ef_ref[...], w_ref[...], (((1,), (1,)), ((), ())),
        preferred_element_type=jnp.float32)).astype(jnp.bfloat16)


_tkern = pl.pallas_call(
    _tkern_body,
    grid=(E // BE,),
    in_specs=[
        pl.BlockSpec((BE, D), lambda i: (i, 0)),
        pl.BlockSpec((BE, D), lambda i: (i, 0)),
        pl.BlockSpec((D, D), lambda i: (0, 0)),
        pl.BlockSpec((1, D), lambda i: (0, 0)),
    ],
    out_specs=pl.BlockSpec((BE, D), lambda i: (i, 0)),
    out_shape=jax.ShapeDtypeStruct((E, D), jnp.bfloat16),
)


def _add_body(t_ref, g_ref, out_ref):
    out_ref[...] = t_ref[...].astype(jnp.float32) + g_ref[...]


_final_add = pl.pallas_call(
    _add_body,
    grid=(E // BE,),
    in_specs=[
        pl.BlockSpec((BE, D), lambda i: (i, 0)),
        pl.BlockSpec((BE, D), lambda i: (i, 0)),
    ],
    out_specs=pl.BlockSpec((BE, D), lambda i: (i, 0)),
    out_shape=jax.ShapeDtypeStruct((E, D), jnp.float32),
)


def kernel(efeat, initial_efeat, W, b, edge_index):
    ei = edge_index.astype(jnp.int32)
    src = ei[0].reshape(R, 1, L)
    dst = ei[1].reshape(R, 1, L)
    mpart = _scatter(efeat, dst)
    t = _tkern(initial_efeat, efeat, W, b.reshape(1, D))
    mw = _mw(mpart, W)
    g = _gather(mw, src, t)
    return _final_add(t, g)

# --- scband reference (transcript-rebuilt; emitter-appended) ---
"""Pipeline reference for scband-dmpnnconv-4810363373024 (READ-ONLY COPY).

The authoritative reference and input builder live on the scoring server;
editing this copy changes nothing except your own understanding.
"""

import jax, jax.numpy as jnp
import numpy as np

N_NODES = 10000
E = 320000
D = 128

def setup_inputs(seed: int = 0) -> dict:
    key = jax.random.key(seed)
    k1, k2, k3, k4, k5 = jax.random.split(key, 5)
    edge_index = jax.random.randint(k1, (2, E), 0, N_NODES)
    efeat = jax.random.normal(k2, (E, D), dtype=jnp.float32)
    initial_efeat = jax.random.normal(k3, (E, D), dtype=jnp.float32)
    # learned params of weight_mtx = nn.Linear(feats, feats)
    W = jax.random.normal(k4, (D, D), dtype=jnp.float32) * (1.0 / np.sqrt(D))
    b = jax.random.normal(k5, (D,), dtype=jnp.float32) * 0.01
    return {"efeat": efeat, "initial_efeat": initial_efeat, "W": W, "b": b, "edge_index": edge_index}

def reference(efeat, initial_efeat, W, b, edge_index):
    src = edge_index[0]
    dst = edge_index[1]
    # update_all(copy_e('h','s'), sum('s','m')): node m[v] = sum of efeat over edges with dst v
    m = jax.ops.segment_sum(efeat, dst, num_segments=N_NODES)
    # apply_edges: h1 = src-node message minus this edge's own feature
    h1 = jnp.take(m, src, axis=0) - efeat
    # apply_edges: h2 = h0 + Linear(h1)
    h2 = initial_efeat + h1 @ W.T + b
    return h2

if __name__ == "__main__":
    import jax
    _d = setup_inputs()
    print(jax.jit(kernel)(*tuple(_d.values())))

</pallas_src>

<mosaic_0001>
#map = affine_map<(d0, d1) -> (0, 0)>
#map1 = affine_map<(d0, d1) -> (0, 0, 0)>
module attributes {stable_mosaic.version = 14 : i64} {
  func.func @_scatter(%arg0: i32, %arg1: i32, %arg2: memref<320000x128xf32, #tpu.memory_space<hbm>>, %arg3: memref<2500x1x128xi32, #tpu.memory_space<hbm>>, %arg4: memref<2x10000x128xf32, #tpu.memory_space<hbm>>, %arg5: memref<78x1x128xi32, #tpu.memory_space<vmem>>, %arg6: memref<2x128x128xf32, #tpu.memory_space<vmem>>, %arg7: memref<10000x128xf32, #tpu.memory_space<vmem_shared>>, %arg8: memref<!tpu.dma_semaphore, #tpu.memory_space<semaphore_mem>>, %arg9: memref<!tpu.dma_semaphore, #tpu.memory_space<semaphore_mem>>) attributes {dimension_semantics = [#tpu.dimension_semantics<core_parallel>, #tpu.dimension_semantics<subcore_parallel>], iteration_bounds = array<i64: 2, 16>, scalar_prefetch = 0 : i64, scratch_operands = 5 : i64, tpu.core_type = #tpu.core_type<sc_vector_subcore>, window_params = [{transform_indices = #map}, {transform_indices = #map1}, {transform_indices = #map1}]} {
    %mul3A = arith.constant 2 : i32
    %mul3A_0 = arith.muli %arg1, %mul3A : i32
    %add3A = arith.addi %mul3A_0, %arg0 : i32
    %broadcast_in_dim3A = arith.constant 0.000000e+00 : f32
    %broadcast_in_dim3A_1 = vector.broadcast %broadcast_in_dim3A : f32 to vector<16xf32>
    %scan3A = arith.constant 0 : i32
    %scan3A_2 = arith.constant 0 : i32
    %scan3A_3 = arith.constant 128 : i32
    %scan3A_4 = arith.addi %scan3A_2, %scan3A_3 : i32
    %scan3A_5 = arith.constant 1 : i32
    scf.for %scan3A_90 = %scan3A_2 to %scan3A_4 step %scan3A_5  : i32 {
      %swap3A = arith.constant 0 : i32
      %swap3A_91 = arith.index_cast %swap3A : i32 to index
      %swap3A_92 = arith.index_cast %scan3A_90 : i32 to index
      %swap3A_93 = arith.constant 0 : index
      %swap3A_94 = tpu.vector_load %arg6[%swap3A_91, %swap3A_92, %swap3A_93] {strides = array<i32>} : memref<2x128x128xf32, #tpu.memory_space<vmem>>, vector<1x1x16xf32>,
      %swap3A_95 = vector.shape_cast %swap3A_94 : vector<1x1x16xf32> to vector<16xf32>
      %swap3A_96 = vector.shape_cast %broadcast_in_dim3A_1 : vector<16xf32> to vector<1x1x16xf32>
      tpu.vector_store %arg6[%swap3A_91, %swap3A_92, %swap3A_93], %swap3A_96 {strides = array<i32>} : memref<2x128x128xf32, #tpu.memory_space<vmem>>, vector<1x1x16xf32>,
      %swap3A_97 = arith.constant 0 : i32
      %swap3A_98 = arith.index_cast %swap3A_97 : i32 to index
      %swap3A_99 = arith.index_cast %scan3A_90 : i32 to index
      %swap3A_100 = arith.constant 16 : index
      %swap3A_101 = tpu.vector_load %arg6[%swap3A_98, %swap3A_99, %swap3A_100] {strides = array<i32>} : memref<2x128x128xf32, #tpu.memory_space<vmem>>, vector<1x1x16xf32>,
      %swap3A_102 = vector.shape_cast %swap3A_101 : vector<1x1x16xf32> to vector<16xf32>
      %swap3A_103 = vector.shape_cast %broadcast_in_dim3A_1 : vector<16xf32> to vector<1x1x16xf32>
      tpu.vector_store %arg6[%swap3A_98, %swap3A_99, %swap3A_100], %swap3A_103 {strides = array<i32>} : memref<2x128x128xf32, #tpu.memory_space<vmem>>, vector<1x1x16xf32>,
      %swap3A_104 = arith.constant 0 : i32
      %swap3A_105 = arith.index_cast %swap3A_104 : i32 to index
      %swap3A_106 = arith.index_cast %scan3A_90 : i32 to index
      %swap3A_107 = arith.constant 32 : index
      %swap3A_108 = tpu.vector_load %arg6[%swap3A_105, %swap3A_106, %swap3A_107] {strides = array<i32>} : memref<2x128x128xf32, #tpu.memory_space<vmem>>, vector<1x1x16xf32>,
      %swap3A_109 = vector.shape_cast %swap3A_108 : vector<1x1x16xf32> to vector<16xf32>
      %swap3A_110 = vector.shape_cast %broadcast_in_dim3A_1 : vector<16xf32> to vector<1x1x16xf32>
      tpu.vector_store %arg6[%swap3A_105, %swap3A_106, %swap3A_107], %swap3A_110 {strides = array<i32>} : memref<2x128x128xf32, #tpu.memory_space<vmem>>, vector<1x1x16xf32>,
      %swap3A_111 = arith.constant 0 : i32
      %swap3A_112 = arith.index_cast %swap3A_111 : i32 to index
      %swap3A_113 = arith.index_cast %scan3A_90 : i32 to index
      %swap3A_114 = arith.constant 48 : index
      %swap3A_115 = tpu.vector_load %arg6[%swap3A_112, %swap3A_113, %swap3A_114] {strides = array<i32>} : memref<2x128x128xf32, #tpu.memory_space<vmem>>, vector<1x1x16xf32>,
      %swap3A_116 = vector.shape_cast %swap3A_115 : vector<1x1x16xf32> to vector<16xf32>
      %swap3A_117 = vector.shape_cast %broadcast_in_dim3A_1 : vector<16xf32> to vector<1x1x16xf32>
      tpu.vector_store %arg6[%swap3A_112, %swap3A_113, %swap3A_114], %swap3A_117 {strides = array<i32>} : memref<2x128x128xf32, #tpu.memory_space<vmem>>, vector<1x1x16xf32>,
      %swap3A_118 = arith.constant 0 : i32
      %swap3A_119 = arith.index_cast %swap3A_118 : i32 to index
      %swap3A_120 = arith.index_cast %scan3A_90 : i32 to index
      %swap3A_121 = arith.constant 64 : index
      %swap3A_122 = tpu.vector_load %arg6[%swap3A_119, %swap3A_120, %swap3A_121] {strides = array<i32>} : memref<2x128x128xf32, #tpu.memory_space<vmem>>, vector<1x1x16xf32>,
      %swap3A_123 = vector.shape_cast %swap3A_122 : vector<1x1x16xf32> to vector<16xf32>
      %swap3A_124 = vector.shape_cast %broadcast_in_dim3A_1 : vector<16xf32> to vector<1x1x16xf32>
      tpu.vector_store %arg6[%swap3A_119, %swap3A_120, %swap3A_121], %swap3A_124 {strides = array<i32>} : memref<2x128x128xf32, #tpu.memory_space<vmem>>, vector<1x1x16xf32>,
      %swap3A_125 = arith.constant 0 : i32
      %swap3A_126 = arith.index_cast %swap3A_125 : i32 to index
      %swap3A_127 = arith.index_cast %scan3A_90 : i32 to index
      %swap3A_128 = arith.constant 80 : index
      %swap3A_129 = tpu.vector_load %arg6[%swap3A_126, %swap3A_127, %swap3A_128] {strides = array<i32>} : memref<2x128x128xf32, #tpu.memory_space<vmem>>, vector<1x1x16xf32>,
      %swap3A_130 = vector.shape_cast %swap3A_129 : vector<1x1x16xf32> to vector<16xf32>
      %swap3A_131 = vector.shape_cast %broadcast_in_dim3A_1 : vector<16xf32> to vector<1x1x16xf32>
      tpu.vector_store %arg6[%swap3A_126, %swap3A_127, %swap3A_128], %swap3A_131 {strides = array<i32>} : memref<2x128x128xf32, #tpu.memory_space<vmem>>, vector<1x1x16xf32>,
      %swap3A_132 = arith.constant 0 : i32
      %swap3A_133 = arith.index_cast %swap3A_132 : i32 to index
      %swap3A_134 = arith.index_cast %scan3A_90 : i32 to index
      %swap3A_135 = arith.constant 96 : index
      %swap3A_136 = tpu.vector_load %arg6[%swap3A_133, %swap3A_134, %swap3A_135] {strides = array<i32>} : memref<2x128x128xf32, #tpu.memory_space<vmem>>, vector<1x1x16xf32>,
      %swap3A_137 = vector.shape_cast %swap3A_136 : vector<1x1x16xf32> to vector<16xf32>
      %swap3A_138 = vector.shape_cast %broadcast_in_dim3A_1 : vector<16xf32> to vector<1x1x16xf32>
      tpu.vector_store %arg6[%swap3A_133, %swap3A_134, %swap3A_135], %swap3A_138 {strides = array<i32>} : memref<2x128x128xf32, #tpu.memory_space<vmem>>, vector<1x1x16xf32>,
      %swap3A_139 = arith.constant 0 : i32
      %swap3A_140 = arith.index_cast %swap3A_139 : i32 to index
      %swap3A_141 = arith.index_cast %scan3A_90 : i32 to index
      %swap3A_142 = arith.constant 112 : index
      %swap3A_143 = tpu.vector_load %arg6[%swap3A_140, %swap3A_141, %swap3A_142] {strides = array<i32>} : memref<2x128x128xf32, #tpu.memory_space<vmem>>, vector<1x1x16xf32>,
      %swap3A_144 = vector.shape_cast %swap3A_143 : vector<1x1x16xf32> to vector<16xf32>
      %swap3A_145 = vector.shape_cast %broadcast_in_dim3A_1 : vector<16xf32> to vector<1x1x16xf32>
      tpu.vector_store %arg6[%swap3A_140, %swap3A_141, %swap3A_142], %swap3A_145 {strides = array<i32>} : memref<2x128x128xf32, #tpu.memory_space<vmem>>, vector<1x1x16xf32>,
    }
    %scan3A_6 = arith.constant 128 : i32
    %mul3A_7 = arith.constant 78 : i32
    %mul3A_8 = arith.muli %arg1, %mul3A_7 : i32
    %mul3A_9 = arith.constant 8 : i32
    %mul3A_10 = arith.muli %mul3A_8, %mul3A_9 : i32
    %add3A_11 = arith.constant 0 : i32
    %add3A_12 = arith.addi %mul3A_10, %add3A_11 : i32
    %run_scoped3A = arith.constant 0 : i32
    "tpu.region"() ({
      %run_scoped3A_90 = tpu.sem_alloc : memref<!tpu.dma_semaphore, #tpu.memory_space<semaphore_mem>>
      %dma_start3A_91 = arith.constant 0 : i32
      %dma_start3A_92 = arith.constant 0 : i32
      %dma_start3A_93 = tpu.memref_slice %arg6[%run_scoped3A, %dma_start3A_91, %dma_start3A_92] : memref<2x128x128xf32, #tpu.memory_space<vmem>> -> memref<1x128x128xf32, #tpu.memory_space<vmem>>
      %dma_start3A_94 = tpu.memref_squeeze %dma_start3A_93 : memref<1x128x128xf32, #tpu.memory_space<vmem>> -> memref<128x128xf32, #tpu.memory_space<vmem>>
      %dma_start3A_95 = arith.constant 0 : i32
      %dma_start3A_96 = tpu.memref_slice %arg7[%add3A_12, %dma_start3A_95] : memref<10000x128xf32, #tpu.memory_space<vmem_shared>> -> memref<128x128xf32, #tpu.memory_space<vmem_shared>>
      %dma_start3A_97 = arith.constant 0 : i32
      %dma_start3A_98 = tpu.memref_slice %arg7[%add3A_12, %dma_start3A_97] : memref<10000x128xf32, #tpu.memory_space<vmem_shared>> -> memref<128x128xf32, #tpu.memory_space<vmem_shared>>
      %dma_start3A_99 = arith.constant 0 : i32
      %dma_start3A_100 = arith.constant 0 : i32
      %dma_start3A_101 = tpu.memref_slice %arg6[%run_scoped3A, %dma_start3A_99, %dma_start3A_100] : memref<2x128x128xf32, #tpu.memory_space<vmem>> -> memref<1x128x128xf32, #tpu.memory_space<vmem>>
      %dma_start3A_102 = tpu.memref_squeeze %dma_start3A_101 : memref<1x128x128xf32, #tpu.memory_space<vmem>> -> memref<128x128xf32, #tpu.memory_space<vmem>>
      tpu.enqueue_dma source(%dma_start3A_102 : memref<128x128xf32, #tpu.memory_space<vmem>>) target(%dma_start3A_98 : memref<128x128xf32, #tpu.memory_space<vmem_shared>>) target_semaphore(%run_scoped3A_90 : memref<!tpu.dma_semaphore, #tpu.memory_space<semaphore_mem>>)
      %dma_wait3A = arith.constant 0 : i32
      %dma_wait3A_103 = arith.constant 0 : i32
      %dma_wait3A_104 = tpu.memref_slice %arg6[%run_scoped3A, %dma_wait3A, %dma_wait3A_103] : memref<2x128x128xf32, #tpu.memory_space<vmem>> -> memref<1x128x128xf32, #tpu.memory_space<vmem>>
      %dma_wait3A_105 = tpu.memref_squeeze %dma_wait3A_104 : memref<1x128x128xf32, #tpu.memory_space<vmem>> -> memref<128x128xf32, #tpu.memory_space<vmem>>
      %dma_wait3A_106 = arith.constant 0 : i32
      %dma_wait3A_107 = tpu.memref_slice %arg7[%add3A_12, %dma_wait3A_106] : memref<10000x128xf32, #tpu.memory_space<vmem_shared>> -> memref<128x128xf32, #tpu.memory_space<vmem_shared>>
      %dma_wait3A_108 = arith.constant 0 : i32
      %dma_wait3A_109 = tpu.memref_slice %arg7[%add3A_12, %dma_wait3A_108] : memref<10000x128xf32, #tpu.memory_space<vmem_shared>> -> memref<128x128xf32, #tpu.memory_space<vmem_shared>>
      %dma_wait3A_110 = arith.constant 0 : i32
      %dma_wait3A_111 = arith.constant 0 : i32
      %dma_wait3A_112 = tpu.memref_slice %arg6[%run_scoped3A, %dma_wait3A_110, %dma_wait3A_111] : memref<2x128x128xf32, #tpu.memory_space<vmem>> -> memref<1x128x128xf32, #tpu.memory_space<vmem>>
      %dma_wait3A_113 = tpu.memref_squeeze %dma_wait3A_112 : memref<1x128x128xf32, #tpu.memory_space<vmem>> -> memref<128x128xf32, #tpu.memory_space<vmem>>
      tpu.wait_dma2 semaphore(%run_scoped3A_90 : memref<!tpu.dma_semaphore, #tpu.memory_space<semaphore_mem>>) src(%dma_wait3A_113 : memref<128x128xf32, #tpu.memory_space<vmem>>) dst(%dma_wait3A_109 : memref<128x128xf32, #tpu.memory_space<vmem_shared>>)
      tpu.yield
    }) : () -> ()
    %add3A_13 = arith.constant 128 : i32
    %add3A_14 = arith.addi %mul3A_10, %add3A_13 : i32
    %run_scoped3A_15 = arith.constant 0 : i32
    "tpu.region"() ({
      %run_scoped3A_90 = tpu.sem_alloc : memref<!tpu.dma_semaphore, #tpu.memory_space<semaphore_mem>>
      %dma_start3A_91 = arith.constant 0 : i32
      %dma_start3A_92 = arith.constant 0 : i32
      %dma_start3A_93 = tpu.memref_slice %arg6[%run_scoped3A_15, %dma_start3A_91, %dma_start3A_92] : memref<2x128x128xf32, #tpu.memory_space<vmem>> -> memref<1x128x128xf32, #tpu.memory_space<vmem>>
      %dma_start3A_94 = tpu.memref_squeeze %dma_start3A_93 : memref<1x128x128xf32, #tpu.memory_space<vmem>> -> memref<128x128xf32, #tpu.memory_space<vmem>>
      %dma_start3A_95 = arith.constant 0 : i32
      %dma_start3A_96 = tpu.memref_slice %arg7[%add3A_14, %dma_start3A_95] : memref<10000x128xf32, #tpu.memory_space<vmem_shared>> -> memref<128x128xf32, #tpu.memory_space<vmem_shared>>
      %dma_start3A_97 = arith.constant 0 : i32
      %dma_start3A_98 = tpu.memref_slice %arg7[%add3A_14, %dma_start3A_97] : memref<10000x128xf32, #tpu.memory_space<vmem_shared>> -> memref<128x128xf32, #tpu.memory_space<vmem_shared>>
      %dma_start3A_99 = arith.constant 0 : i32
      %dma_start3A_100 = arith.constant 0 : i32
      %dma_start3A_101 = tpu.memref_slice %arg6[%run_scoped3A_15, %dma_start3A_99, %dma_start3A_100] : memref<2x128x128xf32, #tpu.memory_space<vmem>> -> memref<1x128x128xf32, #tpu.memory_space<vmem>>
      %dma_start3A_102 = tpu.memref_squeeze %dma_start3A_101 : memref<1x128x128xf32, #tpu.memory_space<vmem>> -> memref<128x128xf32, #tpu.memory_space<vmem>>
      tpu.enqueue_dma source(%dma_start3A_102 : memref<128x128xf32, #tpu.memory_space<vmem>>) target(%dma_start3A_98 : memref<128x128xf32, #tpu.memory_space<vmem_shared>>) target_semaphore(%run_scoped3A_90 : memref<!tpu.dma_semaphore, #tpu.memory_space<semaphore_mem>>)
      %dma_wait3A = arith.constant 0 : i32
      %dma_wait3A_103 = arith.constant 0 : i32
      %dma_wait3A_104 = tpu.memref_slice %arg6[%run_scoped3A_15, %dma_wait3A, %dma_wait3A_103] : memref<2x128x128xf32, #tpu.memory_space<vmem>> -> memref<1x128x128xf32, #tpu.memory_space<vmem>>
      %dma_wait3A_105 = tpu.memref_squeeze %dma_wait3A_104 : memref<1x128x128xf32, #tpu.memory_space<vmem>> -> memref<128x128xf32, #tpu.memory_space<vmem>>
      %dma_wait3A_106 = arith.constant 0 : i32
      %dma_wait3A_107 = tpu.memref_slice %arg7[%add3A_14, %dma_wait3A_106] : memref<10000x128xf32, #tpu.memory_space<vmem_shared>> -> memref<128x128xf32, #tpu.memory_space<vmem_shared>>
      %dma_wait3A_108 = arith.constant 0 : i32
      %dma_wait3A_109 = tpu.memref_slice %arg7[%add3A_14, %dma_wait3A_108] : memref<10000x128xf32, #tpu.memory_space<vmem_shared>> -> memref<128x128xf32, #tpu.memory_space<vmem_shared>>
      %dma_wait3A_110 = arith.constant 0 : i32
      %dma_wait3A_111 = arith.constant 0 : i32
      %dma_wait3A_112 = tpu.memref_slice %arg6[%run_scoped3A_15, %dma_wait3A_110, %dma_wait3A_111] : memref<2x128x128xf32, #tpu.memory_space<vmem>> -> memref<1x128x128xf32, #tpu.memory_space<vmem>>
      %dma_wait3A_113 = tpu.memref_squeeze %dma_wait3A_112 : memref<1x128x128xf32, #tpu.memory_space<vmem>> -> memref<128x128xf32, #tpu.memory_space<vmem>>
      tpu.wait_dma2 semaphore(%run_scoped3A_90 : memref<!tpu.dma_semaphore, #tpu.memory_space<semaphore_mem>>) src(%dma_wait3A_113 : memref<128x128xf32, #tpu.memory_space<vmem>>) dst(%dma_wait3A_109 : memref<128x128xf32, #tpu.memory_space<vmem_shared>>)
      tpu.yield
    }) : () -> ()
    %add3A_16 = arith.constant 256 : i32
    %add3A_17 = arith.addi %mul3A_10, %add3A_16 : i32
    %run_scoped3A_18 = arith.constant 0 : i32
    "tpu.region"() ({
      %run_scoped3A_90 = tpu.sem_alloc : memref<!tpu.dma_semaphore, #tpu.memory_space<semaphore_mem>>
      %dma_start3A_91 = arith.constant 0 : i32
      %dma_start3A_92 = arith.constant 0 : i32
      %dma_start3A_93 = tpu.memref_slice %arg6[%run_scoped3A_18, %dma_start3A_91, %dma_start3A_92] : memref<2x128x128xf32, #tpu.memory_space<vmem>> -> memref<1x128x128xf32, #tpu.memory_space<vmem>>
      %dma_start3A_94 = tpu.memref_squeeze %dma_start3A_93 : memref<1x128x128xf32, #tpu.memory_space<vmem>> -> memref<128x128xf32, #tpu.memory_space<vmem>>
      %dma_start3A_95 = arith.constant 0 : i32
      %dma_start3A_96 = tpu.memref_slice %arg7[%add3A_17, %dma_start3A_95] : memref<10000x128xf32, #tpu.memory_space<vmem_shared>> -> memref<128x128xf32, #tpu.memory_space<vmem_shared>>
      %dma_start3A_97 = arith.constant 0 : i32
      %dma_start3A_98 = tpu.memref_slice %arg7[%add3A_17, %dma_start3A_97] : memref<10000x128xf32, #tpu.memory_space<vmem_shared>> -> memref<128x128xf32, #tpu.memory_space<vmem_shared>>
      %dma_start3A_99 = arith.constant 0 : i32
      %dma_start3A_100 = arith.constant 0 : i32
      %dma_start3A_101 = tpu.memref_slice %arg6[%run_scoped3A_18, %dma_start3A_99, %dma_start3A_100] : memref<2x128x128xf32, #tpu.memory_space<vmem>> -> memref<1x128x128xf32, #tpu.memory_space<vmem>>
      %dma_start3A_102 = tpu.memref_squeeze %dma_start3A_101 : memref<1x128x128xf32, #tpu.memory_space<vmem>> -> memref<128x128xf32, #tpu.memory_space<vmem>>
      tpu.enqueue_dma source(%dma_start3A_102 : memref<128x128xf32, #tpu.memory_space<vmem>>) target(%dma_start3A_98 : memref<128x128xf32, #tpu.memory_space<vmem_shared>>) target_semaphore(%run_scoped3A_90 : memref<!tpu.dma_semaphore, #tpu.memory_space<semaphore_mem>>)
      %dma_wait3A = arith.constant 0 : i32
      %dma_wait3A_103 = arith.constant 0 : i32
      %dma_wait3A_104 = tpu.memref_slice %arg6[%run_scoped3A_18, %dma_wait3A, %dma_wait3A_103] : memref<2x128x128xf32, #tpu.memory_space<vmem>> -> memref<1x128x128xf32, #tpu.memory_space<vmem>>
      %dma_wait3A_105 = tpu.memref_squeeze %dma_wait3A_104 : memref<1x128x128xf32, #tpu.memory_space<vmem>> -> memref<128x128xf32, #tpu.memory_space<vmem>>
      %dma_wait3A_106 = arith.constant 0 : i32
      %dma_wait3A_107 = tpu.memref_slice %arg7[%add3A_17, %dma_wait3A_106] : memref<10000x128xf32, #tpu.memory_space<vmem_shared>> -> memref<128x128xf32, #tpu.memory_space<vmem_shared>>
      %dma_wait3A_108 = arith.constant 0 : i32
      %dma_wait3A_109 = tpu.memref_slice %arg7[%add3A_17, %dma_wait3A_108] : memref<10000x128xf32, #tpu.memory_space<vmem_shared>> -> memref<128x128xf32, #tpu.memory_space<vmem_shared>>
      %dma_wait3A_110 = arith.constant 0 : i32
      %dma_wait3A_111 = arith.constant 0 : i32
      %dma_wait3A_112 = tpu.memref_slice %arg6[%run_scoped3A_18, %dma_wait3A_110, %dma_wait3A_111] : memref<2x128x128xf32, #tpu.memory_space<vmem>> -> memref<1x128x128xf32, #tpu.memory_space<vmem>>
      %dma_wait3A_113 = tpu.memref_squeeze %dma_wait3A_112 : memref<1x128x128xf32, #tpu.memory_space<vmem>> -> memref<128x128xf32, #tpu.memory_space<vmem>>
      tpu.wait_dma2 semaphore(%run_scoped3A_90 : memref<!tpu.dma_semaphore, #tpu.memory_space<semaphore_mem>>) src(%dma_wait3A_113 : memref<128x128xf32, #tpu.memory_space<vmem>>) dst(%dma_wait3A_109 : memref<128x128xf32, #tpu.memory_space<vmem_shared>>)
      tpu.yield
    }) : () -> ()
    %add3A_19 = arith.constant 384 : i32
    %add3A_20 = arith.addi %mul3A_10, %add3A_19 : i32
    %run_scoped3A_21 = arith.constant 0 : i32
    "tpu.region"() ({
      %run_scoped3A_90 = tpu.sem_alloc : memref<!tpu.dma_semaphore, #tpu.memory_space<semaphore_mem>>
      %dma_start3A_91 = arith.constant 0 : i32
      %dma_start3A_92 = arith.constant 0 : i32
      %dma_start3A_93 = tpu.memref_slice %arg6[%run_scoped3A_21, %dma_start3A_91, %dma_start3A_92] : memref<2x128x128xf32, #tpu.memory_space<vmem>> -> memref<1x128x128xf32, #tpu.memory_space<vmem>>
      %dma_start3A_94 = tpu.memref_squeeze %dma_start3A_93 : memref<1x128x128xf32, #tpu.memory_space<vmem>> -> memref<128x128xf32, #tpu.memory_space<vmem>>
      %dma_start3A_95 = arith.constant 0 : i32
      %dma_start3A_96 = tpu.memref_slice %arg7[%add3A_20, %dma_start3A_95] : memref<10000x128xf32, #tpu.memory_space<vmem_shared>> -> memref<128x128xf32, #tpu.memory_space<vmem_shared>>
      %dma_start3A_97 = arith.constant 0 : i32
      %dma_start3A_98 = tpu.memref_slice %arg7[%add3A_20, %dma_start3A_97] : memref<10000x128xf32, #tpu.memory_space<vmem_shared>> -> memref<128x128xf32, #tpu.memory_space<vmem_shared>>
      %dma_start3A_99 = arith.constant 0 : i32
      %dma_start3A_100 = arith.constant 0 : i32
      %dma_start3A_101 = tpu.memref_slice %arg6[%run_scoped3A_21, %dma_start3A_99, %dma_start3A_100] : memref<2x128x128xf32, #tpu.memory_space<vmem>> -> memref<1x128x128xf32, #tpu.memory_space<vmem>>
      %dma_start3A_102 = tpu.memref_squeeze %dma_start3A_101 : memref<1x128x128xf32, #tpu.memory_space<vmem>> -> memref<128x128xf32, #tpu.memory_space<vmem>>
      tpu.enqueue_dma source(%dma_start3A_102 : memref<128x128xf32, #tpu.memory_space<vmem>>) target(%dma_start3A_98 : memref<128x128xf32, #tpu.memory_space<vmem_shared>>) target_semaphore(%run_scoped3A_90 : memref<!tpu.dma_semaphore, #tpu.memory_space<semaphore_mem>>)
      %dma_wait3A = arith.constant 0 : i32
      %dma_wait3A_103 = arith.constant 0 : i32
      %dma_wait3A_104 = tpu.memref_slice %arg6[%run_scoped3A_21, %dma_wait3A, %dma_wait3A_103] : memref<2x128x128xf32, #tpu.memory_space<vmem>> -> memref<1x128x128xf32, #tpu.memory_space<vmem>>
      %dma_wait3A_105 = tpu.memref_squeeze %dma_wait3A_104 : memref<1x128x128xf32, #tpu.memory_space<vmem>> -> memref<128x128xf32, #tpu.memory_space<vmem>>
      %dma_wait3A_106 = arith.constant 0 : i32
      %dma_wait3A_107 = tpu.memref_slice %arg7[%add3A_20, %dma_wait3A_106] : memref<10000x128xf32, #tpu.memory_space<vmem_shared>> -> memref<128x128xf32, #tpu.memory_space<vmem_shared>>
      %dma_wait3A_108 = arith.constant 0 : i32
      %dma_wait3A_109 = tpu.memref_slice %arg7[%add3A_20, %dma_wait3A_108] : memref<10000x128xf32, #tpu.memory_space<vmem_shared>> -> memref<128x128xf32, #tpu.memory_space<vmem_shared>>
      %dma_wait3A_110 = arith.constant 0 : i32
      %dma_wait3A_111 = arith.constant 0 : i32
      %dma_wait3A_112 = tpu.memref_slice %arg6[%run_scoped3A_21, %dma_wait3A_110, %dma_wait3A_111] : memref<2x128x128xf32, #tpu.memory_space<vmem>> -> memref<1x128x128xf32, #tpu.memory_space<vmem>>
      %dma_wait3A_113 = tpu.memref_squeeze %dma_wait3A_112 : memref<1x128x128xf32, #tpu.memory_space<vmem>> -> memref<128x128xf32, #tpu.memory_space<vmem>>
      tpu.wait_dma2 semaphore(%run_scoped3A_90 : memref<!tpu.dma_semaphore, #tpu.memory_space<semaphore_mem>>) src(%dma_wait3A_113 : memref<128x128xf32, #tpu.memory_space<vmem>>) dst(%dma_wait3A_109 : memref<128x128xf32, #tpu.memory_space<vmem_shared>>)
      tpu.yield
    }) : () -> ()
    %add3A_22 = arith.constant 512 : i32
    %add3A_23 = arith.addi %mul3A_10, %add3A_22 : i32
    %run_scoped3A_24 = arith.constant 0 : i32
    "tpu.region"() ({
      %run_scoped3A_90 = tpu.sem_alloc : memref<!tpu.dma_semaphore, #tpu.memory_space<semaphore_mem>>
      %dma_start3A_91 = arith.constant 0 : i32
      %dma_start3A_92 = arith.constant 0 : i32
      %dma_start3A_93 = tpu.memref_slice %arg6[%run_scoped3A_24, %dma_start3A_91, %dma_start3A_92] : memref<2x128x128xf32, #tpu.memory_space<vmem>> -> memref<1x112x128xf32, #tpu.memory_space<vmem>>
      %dma_start3A_94 = tpu.memref_squeeze %dma_start3A_93 : memref<1x112x128xf32, #tpu.memory_space<vmem>> -> memref<112x128xf32, #tpu.memory_space<vmem>>
      %dma_start3A_95 = arith.constant 0 : i32
      %dma_start3A_96 = tpu.memref_slice %arg7[%add3A_23, %dma_start3A_95] : memref<10000x128xf32, #tpu.memory_space<vmem_shared>> -> memref<112x128xf32, #tpu.memory_space<vmem_shared>>
      %dma_start3A_97 = arith.constant 0 : i32
      %dma_start3A_98 = tpu.memref_slice %arg7[%add3A_23, %dma_start3A_97] : memref<10000x128xf32, #tpu.memory_space<vmem_shared>> -> memref<112x128xf32, #tpu.memory_space<vmem_shared>>
      %dma_start3A_99 = arith.constant 0 : i32
      %dma_start3A_100 = arith.constant 0 : i32
      %dma_start3A_101 = tpu.memref_slice %arg6[%run_scoped3A_24, %dma_start3A_99, %dma_start3A_100] : memref<2x128x128xf32, #tpu.memory_space<vmem>> -> memref<1x112x128xf32, #tpu.memory_space<vmem>>
      %dma_start3A_102 = tpu.memref_squeeze %dma_start3A_101 : memref<1x112x128xf32, #tpu.memory_space<vmem>> -> memref<112x128xf32, #tpu.memory_space<vmem>>
      tpu.enqueue_dma source(%dma_start3A_102 : memref<112x128xf32, #tpu.memory_space<vmem>>) target(%dma_start3A_98 : memref<112x128xf32, #tpu.memory_space<vmem_shared>>) target_semaphore(%run_scoped3A_90 : memref<!tpu.dma_semaphore, #tpu.memory_space<semaphore_mem>>)
      %dma_wait3A = arith.constant 0 : i32
      %dma_wait3A_103 = arith.constant 0 : i32
      %dma_wait3A_104 = tpu.memref_slice %arg6[%run_scoped3A_24, %dma_wait3A, %dma_wait3A_103] : memref<2x128x128xf32, #tpu.memory_space<vmem>> -> memref<1x112x128xf32, #tpu.memory_space<vmem>>
      %dma_wait3A_105 = tpu.memref_squeeze %dma_wait3A_104 : memref<1x112x128xf32, #tpu.memory_space<vmem>> -> memref<112x128xf32, #tpu.memory_space<vmem>>
      %dma_wait3A_106 = arith.constant 0 : i32
      %dma_wait3A_107 = tpu.memref_slice %arg7[%add3A_23, %dma_wait3A_106] : memref<10000x128xf32, #tpu.memory_space<vmem_shared>> -> memref<112x128xf32, #tpu.memory_space<vmem_shared>>
      %dma_wait3A_108 = arith.constant 0 : i32
      %dma_wait3A_109 = tpu.memref_slice %arg7[%add3A_23, %dma_wait3A_108] : memref<10000x128xf32, #tpu.memory_space<vmem_shared>> -> memref<112x128xf32, #tpu.memory_space<vmem_shared>>
      %dma_wait3A_110 = arith.constant 0 : i32
      %dma_wait3A_111 = arith.constant 0 : i32
      %dma_wait3A_112 = tpu.memref_slice %arg6[%run_scoped3A_24, %dma_wait3A_110, %dma_wait3A_111] : memref<2x128x128xf32, #tpu.memory_space<vmem>> -> memref<1x112x128xf32, #tpu.memory_space<vmem>>
      %dma_wait3A_113 = tpu.memref_squeeze %dma_wait3A_112 : memref<1x112x128xf32, #tpu.memory_space<vmem>> -> memref<112x128xf32, #tpu.memory_space<vmem>>
      tpu.wait_dma2 semaphore(%run_scoped3A_90 : memref<!tpu.dma_semaphore, #tpu.memory_space<semaphore_mem>>) src(%dma_wait3A_113 : memref<112x128xf32, #tpu.memory_space<vmem>>) dst(%dma_wait3A_109 : memref<112x128xf32, #tpu.memory_space<vmem_shared>>)
      tpu.yield
    }) : () -> ()
    %lt3A = arith.constant 2 : i32
    %lt3A_25 = arith.cmpi slt, %arg1, %lt3A : i32
    %convert_element_type3A = arith.extui %lt3A_25 : i1 to i32
    %cond3A = arith.constant 0 : i32
    %cond3A_26 = arith.cmpi ne, %convert_element_type3A, %cond3A : i32
    scf.if %cond3A_26 {
      %add3A_90 = arith.constant 1248 : i32
      %add3A_91 = arith.addi %add3A_90, %arg1 : i32
      %mul3A_92 = arith.constant 8 : i32
      %mul3A_93 = arith.muli %add3A_91, %mul3A_92 : i32
      %run_scoped3A_94 = arith.constant 0 : i32
      "tpu.region"() ({
        %run_scoped3A_95 = tpu.sem_alloc : memref<!tpu.dma_semaphore, #tpu.memory_space<semaphore_mem>>
        %dma_start3A_96 = arith.constant 0 : i32
        %dma_start3A_97 = arith.constant 0 : i32
        %dma_start3A_98 = tpu.memref_slice %arg6[%run_scoped3A_94, %dma_start3A_96, %dma_start3A_97] : memref<2x128x128xf32, #tpu.memory_space<vmem>> -> memref<1x8x128xf32, #tpu.memory_space<vmem>>
        %dma_start3A_99 = tpu.memref_squeeze %dma_start3A_98 : memref<1x8x128xf32, #tpu.memory_space<vmem>> -> memref<8x128xf32, #tpu.memory_space<vmem>>
        %dma_start3A_100 = arith.constant 0 : i32
        %dma_start3A_101 = tpu.memref_slice %arg7[%mul3A_93, %dma_start3A_100] : memref<10000x128xf32, #tpu.memory_space<vmem_shared>> -> memref<8x128xf32, #tpu.memory_space<vmem_shared>>
        %dma_start3A_102 = arith.constant 0 : i32
        %dma_start3A_103 = tpu.memref_slice %arg7[%mul3A_93, %dma_start3A_102] : memref<10000x128xf32, #tpu.memory_space<vmem_shared>> -> memref<8x128xf32, #tpu.memory_space<vmem_shared>>
        %dma_start3A_104 = arith.constant 0 : i32
        %dma_start3A_105 = arith.constant 0 : i32
        %dma_start3A_106 = tpu.memref_slice %arg6[%run_scoped3A_94, %dma_start3A_104, %dma_start3A_105] : memref<2x128x128xf32, #tpu.memory_space<vmem>> -> memref<1x8x128xf32, #tpu.memory_space<vmem>>
        %dma_start3A_107 = tpu.memref_squeeze %dma_start3A_106 : memref<1x8x128xf32, #tpu.memory_space<vmem>> -> memref<8x128xf32, #tpu.memory_space<vmem>>
        tpu.enqueue_dma source(%dma_start3A_107 : memref<8x128xf32, #tpu.memory_space<vmem>>) target(%dma_start3A_103 : memref<8x128xf32, #tpu.memory_space<vmem_shared>>) target_semaphore(%run_scoped3A_95 : memref<!tpu.dma_semaphore, #tpu.memory_space<semaphore_mem>>)
        %dma_wait3A = arith.constant 0 : i32
        %dma_wait3A_108 = arith.constant 0 : i32
        %dma_wait3A_109 = tpu.memref_slice %arg6[%run_scoped3A_94, %dma_wait3A, %dma_wait3A_108] : memref<2x128x128xf32, #tpu.memory_space<vmem>> -> memref<1x8x128xf32, #tpu.memory_space<vmem>>
        %dma_wait3A_110 = tpu.memref_squeeze %dma_wait3A_109 : memref<1x8x128xf32, #tpu.memory_space<vmem>> -> memref<8x128xf32, #tpu.memory_space<vmem>>
        %dma_wait3A_111 = arith.constant 0 : i32
        %dma_wait3A_112 = tpu.memref_slice %arg7[%mul3A_93, %dma_wait3A_111] : memref<10000x128xf32, #tpu.memory_space<vmem_shared>> -> memref<8x128xf32, #tpu.memory_space<vmem_shared>>
        %dma_wait3A_113 = arith.constant 0 : i32
        %dma_wait3A_114 = tpu.memref_slice %arg7[%mul3A_93, %dma_wait3A_113] : memref<10000x128xf32, #tpu.memory_space<vmem_shared>> -> memref<8x128xf32, #tpu.memory_space<vmem_shared>>
        %dma_wait3A_115 = arith.constant 0 : i32
        %dma_wait3A_116 = arith.constant 0 : i32
        %dma_wait3A_117 = tpu.memref_slice %arg6[%run_scoped3A_94, %dma_wait3A_115, %dma_wait3A_116] : memref<2x128x128xf32, #tpu.memory_space<vmem>> -> memref<1x8x128xf32, #tpu.memory_space<vmem>>
        %dma_wait3A_118 = tpu.memref_squeeze %dma_wait3A_117 : memref<1x8x128xf32, #tpu.memory_space<vmem>> -> memref<8x128xf32, #tpu.memory_space<vmem>>
        tpu.wait_dma2 semaphore(%run_scoped3A_95 : memref<!tpu.dma_semaphore, #tpu.memory_space<semaphore_mem>>) src(%dma_wait3A_118 : memref<8x128xf32, #tpu.memory_space<vmem>>) dst(%dma_wait3A_114 : memref<8x128xf32, #tpu.memory_space<vmem_shared>>)
        tpu.yield
      }) : () -> ()
    } else {
    }
    %barrier3A = arith.constant 0 : index
    tpu.barrier barrier_id(%barrier3A)
    %mul3A_27 = arith.constant 78 : i32
    %mul3A_28 = arith.muli %add3A, %mul3A_27 : i32
    "tpu.region"() ({
      %run_scoped3A_90 = tpu.sem_alloc : memref<!tpu.dma_semaphore, #tpu.memory_space<semaphore_mem>>
      %dma_start3A_91 = arith.constant 0 : i32
      %dma_start3A_92 = arith.constant 0 : i32
      %dma_start3A_93 = tpu.memref_slice %arg3[%mul3A_28, %dma_start3A_91, %dma_start3A_92] : memref<2500x1x128xi32, #tpu.memory_space<hbm>> -> memref<78x1x128xi32, #tpu.memory_space<hbm>>
      %dma_start3A_94 = arith.constant 0 : i32
      %dma_start3A_95 = arith.constant 0 : i32
      %dma_start3A_96 = tpu.memref_slice %arg3[%mul3A_28, %dma_start3A_94, %dma_start3A_95] : memref<2500x1x128xi32, #tpu.memory_space<hbm>> -> memref<78x1x128xi32, #tpu.memory_space<hbm>>
      tpu.enqueue_dma source(%dma_start3A_96 : memref<78x1x128xi32, #tpu.memory_space<hbm>>) target(%arg5 : memref<78x1x128xi32, #tpu.memory_space<vmem>>) target_semaphore(%run_scoped3A_90 : memref<!tpu.dma_semaphore, #tpu.memory_space<semaphore_mem>>)
      %dma_wait3A = arith.constant 0 : i32
      %dma_wait3A_97 = arith.constant 0 : i32
      %dma_wait3A_98 = tpu.memref_slice %arg3[%mul3A_28, %dma_wait3A, %dma_wait3A_97] : memref<2500x1x128xi32, #tpu.memory_space<hbm>> -> memref<78x1x128xi32, #tpu.memory_space<hbm>>
      %dma_wait3A_99 = arith.constant 0 : i32
      %dma_wait3A_100 = arith.constant 0 : i32
      %dma_wait3A_101 = tpu.memref_slice %arg3[%mul3A_28, %dma_wait3A_99, %dma_wait3A_100] : memref<2500x1x128xi32, #tpu.memory_space<hbm>> -> memref<78x1x128xi32, #tpu.memory_space<hbm>>
      tpu.wait_dma2 semaphore(%run_scoped3A_90 : memref<!tpu.dma_semaphore, #tpu.memory_space<semaphore_mem>>) src(%dma_wait3A_101 : memref<78x1x128xi32, #tpu.memory_space<hbm>>) dst(%arg5 : memref<78x1x128xi32, #tpu.memory_space<vmem>>)
      tpu.yield
    }) : () -> ()
    %mul3A_29 = arith.constant 128 : i32
    %mul3A_30 = arith.muli %mul3A_28, %mul3A_29 : i32
    %dma_start3A = arith.constant 0 : i32
    %dma_start3A_31 = arith.constant 0 : i32
    %dma_start3A_32 = arith.constant 0 : i32
    %dma_start3A_33 = tpu.memref_slice %arg6[%dma_start3A, %dma_start3A_31, %dma_start3A_32] : memref<2x128x128xf32, #tpu.memory_space<vmem>> -> memref<1x128x128xf32, #tpu.memory_space<vmem>>
    %dma_start3A_34 = tpu.memref_squeeze %dma_start3A_33 : memref<1x128x128xf32, #tpu.memory_space<vmem>> -> memref<128x128xf32, #tpu.memory_space<vmem>>
    %dma_start3A_35 = arith.constant 0 : i32
    %dma_start3A_36 = tpu.memref_slice %arg2[%mul3A_30, %dma_start3A_35] : memref<320000x128xf32, #tpu.memory_space<hbm>> -> memref<128x128xf32, #tpu.memory_space<hbm>>
    %dma_start3A_37 = arith.constant 0 : i32
    %dma_start3A_38 = arith.constant 0 : i32
    %dma_start3A_39 = tpu.memref_slice %arg6[%dma_start3A, %dma_start3A_37, %dma_start3A_38] : memref<2x128x128xf32, #tpu.memory_space<vmem>> -> memref<1x128x128xf32, #tpu.memory_space<vmem>>
    %dma_start3A_40 = tpu.memref_squeeze %dma_start3A_39 : memref<1x128x128xf32, #tpu.memory_space<vmem>> -> memref<128x128xf32, #tpu.memory_space<vmem>>
    %dma_start3A_41 = arith.constant 0 : i32
    %dma_start3A_42 = tpu.memref_slice %arg2[%mul3A_30, %dma_start3A_41] : memref<320000x128xf32, #tpu.memory_space<hbm>> -> memref<128x128xf32, #tpu.memory_space<hbm>>
    tpu.enqueue_dma source(%dma_start3A_42 : memref<128x128xf32, #tpu.memory_space<hbm>>) target(%dma_start3A_40 : memref<128x128xf32, #tpu.memory_space<vmem>>) target_semaphore(%arg8 : memref<!tpu.dma_semaphore, #tpu.memory_space<semaphore_mem>>)
    %scan3A_43 = arith.constant 0 : i32
    %scan3A_44 = arith.constant 0 : i32
    %scan3A_45 = arith.constant 39 : i32
    %scan3A_46 = arith.addi %scan3A_44, %scan3A_45 : i32
    %scan3A_47 = arith.constant 1 : i32
    scf.for %scan3A_90 = %scan3A_44 to %scan3A_46 step %scan3A_47  : i32 {
      %mul3A_91 = arith.constant 2 : i32
      %mul3A_92 = arith.muli %mul3A_91, %scan3A_90 : i32
      %add3A_93 = arith.constant 0 : i32
      %add3A_94 = arith.addi %mul3A_92, %add3A_93 : i32
      %add3A_95 = arith.addi %mul3A_28, %add3A_94 : i32
      %mul3A_96 = arith.constant 128 : i32
      %mul3A_97 = arith.muli %add3A_95, %mul3A_96 : i32
      %dma_wait3A = arith.constant 0 : i32
      %dma_wait3A_98 = arith.constant 0 : i32
      %dma_wait3A_99 = arith.constant 0 : i32
      %dma_wait3A_100 = tpu.memref_slice %arg6[%dma_wait3A, %dma_wait3A_98, %dma_wait3A_99] : memref<2x128x128xf32, #tpu.memory_space<vmem>> -> memref<1x128x128xf32, #tpu.memory_space<vmem>>
      %dma_wait3A_101 = tpu.memref_squeeze %dma_wait3A_100 : memref<1x128x128xf32, #tpu.memory_space<vmem>> -> memref<128x128xf32, #tpu.memory_space<vmem>>
      %dma_wait3A_102 = arith.constant 0 : i32
      %dma_wait3A_103 = tpu.memref_slice %arg2[%mul3A_97, %dma_wait3A_102] : memref<320000x128xf32, #tpu.memory_space<hbm>> -> memref<128x128xf32, #tpu.memory_space<hbm>>
      %dma_wait3A_104 = arith.constant 0 : i32
      %dma_wait3A_105 = arith.constant 0 : i32
      %dma_wait3A_106 = tpu.memref_slice %arg6[%dma_wait3A, %dma_wait3A_104, %dma_wait3A_105] : memref<2x128x128xf32, #tpu.memory_space<vmem>> -> memref<1x128x128xf32, #tpu.memory_space<vmem>>
      %dma_wait3A_107 = tpu.memref_squeeze %dma_wait3A_106 : memref<1x128x128xf32, #tpu.memory_space<vmem>> -> memref<128x128xf32, #tpu.memory_space<vmem>>
      %dma_wait3A_108 = arith.constant 0 : i32
      %dma_wait3A_109 = tpu.memref_slice %arg2[%mul3A_97, %dma_wait3A_108] : memref<320000x128xf32, #tpu.memory_space<hbm>> -> memref<128x128xf32, #tpu.memory_space<hbm>>
      tpu.wait_dma2 semaphore(%arg8 : memref<!tpu.dma_semaphore, #tpu.memory_space<semaphore_mem>>) src(%dma_wait3A_109 : memref<128x128xf32, #tpu.memory_space<hbm>>) dst(%dma_wait3A_107 : memref<128x128xf32, #tpu.memory_space<vmem>>)
      %add3A_110 = arith.constant 1 : i32
      %add3A_111 = arith.addi %add3A_94, %add3A_110 : i32
      %lt3A_112 = arith.constant 78 : i32
      %lt3A_113 = arith.cmpi slt, %add3A_111, %lt3A_112 : i32
      %convert_element_type3A_114 = arith.extui %lt3A_113 : i1 to i32
      %cond3A_115 = arith.constant 0 : i32
      %cond3A_116 = arith.cmpi ne, %convert_element_type3A_114, %cond3A_115 : i32
      scf.if %cond3A_116 {
        %add3A_148 = arith.addi %mul3A_28, %add3A_94 : i32
        %add3A_149 = arith.constant 1 : i32
        %add3A_150 = arith.addi %add3A_148, %add3A_149 : i32
        %mul3A_151 = arith.constant 128 : i32
        %mul3A_152 = arith.muli %add3A_150, %mul3A_151 : i32
        %dma_start3A_153 = arith.constant 1 : i32
        %dma_start3A_154 = arith.constant 0 : i32
        %dma_start3A_155 = arith.constant 0 : i32
        %dma_start3A_156 = tpu.memref_slice %arg6[%dma_start3A_153, %dma_start3A_154, %dma_start3A_155] : memref<2x128x128xf32, #tpu.memory_space<vmem>> -> memref<1x128x128xf32, #tpu.memory_space<vmem>>
        %dma_start3A_157 = tpu.memref_squeeze %dma_start3A_156 : memref<1x128x128xf32, #tpu.memory_space<vmem>> -> memref<128x128xf32, #tpu.memory_space<vmem>>
        %dma_start3A_158 = arith.constant 0 : i32
        %dma_start3A_159 = tpu.memref_slice %arg2[%mul3A_152, %dma_start3A_158] : memref<320000x128xf32, #tpu.memory_space<hbm>> -> memref<128x128xf32, #tpu.memory_space<hbm>>
        %dma_start3A_160 = arith.constant 0 : i32
        %dma_start3A_161 = arith.constant 0 : i32
        %dma_start3A_162 = tpu.memref_slice %arg6[%dma_start3A_153, %dma_start3A_160, %dma_start3A_161] : memref<2x128x128xf32, #tpu.memory_space<vmem>> -> memref<1x128x128xf32, #tpu.memory_space<vmem>>
        %dma_start3A_163 = tpu.memref_squeeze %dma_start3A_162 : memref<1x128x128xf32, #tpu.memory_space<vmem>> -> memref<128x128xf32, #tpu.memory_space<vmem>>
        %dma_start3A_164 = arith.constant 0 : i32
        %dma_start3A_165 = tpu.memref_slice %arg2[%mul3A_152, %dma_start3A_164] : memref<320000x128xf32, #tpu.memory_space<hbm>> -> memref<128x128xf32, #tpu.memory_space<hbm>>
        tpu.enqueue_dma source(%dma_start3A_165 : memref<128x128xf32, #tpu.memory_space<hbm>>) target(%dma_start3A_163 : memref<128x128xf32, #tpu.memory_space<vmem>>) target_semaphore(%arg9 : memref<!tpu.dma_semaphore, #tpu.memory_space<semaphore_mem>>)
      } else {
      }
      %run_scoped3A_117 = arith.constant 0 : i32
      %run_scoped3A_118 = arith.constant 0 : i32
      "tpu.region"() ({
        %run_scoped3A_148 = tpu.sem_alloc : memref<!tpu.dma_semaphore, #tpu.memory_space<semaphore_mem>>
        %dma_start3A_149 = arith.constant 0 : i32
        %dma_start3A_150 = arith.constant 0 : i32
        %dma_start3A_151 = tpu.memref_slice %arg6[%run_scoped3A_117, %dma_start3A_149, %dma_start3A_150] : memref<2x128x128xf32, #tpu.memory_space<vmem>> -> memref<1x128x128xf32, #tpu.memory_space<vmem>>
        %dma_start3A_152 = tpu.memref_squeeze %dma_start3A_151 : memref<1x128x128xf32, #tpu.memory_space<vmem>> -> memref<128x128xf32, #tpu.memory_space<vmem>>
        %dma_start3A_153 = arith.constant 0 : i32
        %dma_start3A_154 = tpu.memref_slice %arg5[%add3A_94, %run_scoped3A_118, %dma_start3A_153] : memref<78x1x128xi32, #tpu.memory_space<vmem>> -> memref<1x1x128xi32, #tpu.memory_space<vmem>>
        %dma_start3A_155 = tpu.memref_squeeze %dma_start3A_154 : memref<1x1x128xi32, #tpu.memory_space<vmem>> -> memref<128xi32, #tpu.memory_space<vmem>>
        %dma_start3A_156 = arith.constant 0 : i32
        %dma_start3A_157 = arith.constant 0 : i32
        %dma_start3A_158 = tpu.memref_slice %arg7[%dma_start3A_156, %dma_start3A_157] : memref<10000x128xf32, #tpu.memory_space<vmem_shared>> -> memref<10000x128xf32, #tpu.memory_space<vmem_shared>>
        tpu.enqueue_indirect_dma source(%dma_start3A_152 : memref<128x128xf32, #tpu.memory_space<vmem>>) target(%dma_start3A_158 : memref<10000x128xf32, #tpu.memory_space<vmem_shared>>) offsets(%dma_start3A_155 : memref<128xi32, #tpu.memory_space<vmem>>) semaphore(%run_scoped3A_148 : memref<!tpu.dma_semaphore, #tpu.memory_space<semaphore_mem>>) {add = true}
        %dma_wait3A_159 = arith.constant 0 : i32
        %dma_wait3A_160 = arith.constant 0 : i32
        %dma_wait3A_161 = tpu.memref_slice %arg6[%run_scoped3A_117, %dma_wait3A_159, %dma_wait3A_160] : memref<2x128x128xf32, #tpu.memory_space<vmem>> -> memref<1x128x128xf32, #tpu.memory_space<vmem>>
        %dma_wait3A_162 = tpu.memref_squeeze %dma_wait3A_161 : memref<1x128x128xf32, #tpu.memory_space<vmem>> -> memref<128x128xf32, #tpu.memory_space<vmem>>
        %dma_wait3A_163 = arith.constant 0 : i32
        %dma_wait3A_164 = tpu.memref_slice %arg5[%add3A_94, %run_scoped3A_118, %dma_wait3A_163] : memref<78x1x128xi32, #tpu.memory_space<vmem>> -> memref<1x1x128xi32, #tpu.memory_space<vmem>>
        %dma_wait3A_165 = tpu.memref_squeeze %dma_wait3A_164 : memref<1x1x128xi32, #tpu.memory_space<vmem>> -> memref<128xi32, #tpu.memory_space<vmem>>
        %dma_wait3A_166 = arith.constant 0 : i32
        %dma_wait3A_167 = arith.constant 0 : i32
        %dma_wait3A_168 = tpu.memref_slice %arg7[%dma_wait3A_166, %dma_wait3A_167] : memref<10000x128xf32, #tpu.memory_space<vmem_shared>> -> memref<10000x128xf32, #tpu.memory_space<vmem_shared>>
        tpu.wait_indirect_dma semaphore(%run_scoped3A_148 : memref<!tpu.dma_semaphore, #tpu.memory_space<semaphore_mem>>) src(%dma_wait3A_162 : memref<128x128xf32, #tpu.memory_space<vmem>>) dst(%dma_wait3A_168 : memref<10000x128xf32, #tpu.memory_space<vmem_shared>>)
        tpu.yield
      }) : () -> ()
      %mul3A_119 = arith.constant 2 : i32
      %mul3A_120 = arith.muli %mul3A_119, %scan3A_90 : i32
      %add3A_121 = arith.constant 1 : i32
      %add3A_122 = arith.addi %mul3A_120, %add3A_121 : i32
      %add3A_123 = arith.addi %mul3A_28, %add3A_122 : i32
      %mul3A_124 = arith.constant 128 : i32
      %mul3A_125 = arith.muli %add3A_123, %mul3A_124 : i32
      %dma_wait3A_126 = arith.constant 1 : i32
      %dma_wait3A_127 = arith.constant 0 : i32
      %dma_wait3A_128 = arith.constant 0 : i32
      %dma_wait3A_129 = tpu.memref_slice %arg6[%dma_wait3A_126, %dma_wait3A_127, %dma_wait3A_128] : memref<2x128x128xf32, #tpu.memory_space<vmem>> -> memref<1x128x128xf32, #tpu.memory_space<vmem>>
      %dma_wait3A_130 = tpu.memref_squeeze %dma_wait3A_129 : memref<1x128x128xf32, #tpu.memory_space<vmem>> -> memref<128x128xf32, #tpu.memory_space<vmem>>
      %dma_wait3A_131 = arith.constant 0 : i32
      %dma_wait3A_132 = tpu.memref_slice %arg2[%mul3A_125, %dma_wait3A_131] : memref<320000x128xf32, #tpu.memory_space<hbm>> -> memref<128x128xf32, #tpu.memory_space<hbm>>
      %dma_wait3A_133 = arith.constant 0 : i32
      %dma_wait3A_134 = arith.constant 0 : i32
      %dma_wait3A_135 = tpu.memref_slice %arg6[%dma_wait3A_126, %dma_wait3A_133, %dma_wait3A_134] : memref<2x128x128xf32, #tpu.memory_space<vmem>> -> memref<1x128x128xf32, #tpu.memory_space<vmem>>
      %dma_wait3A_136 = tpu.memref_squeeze %dma_wait3A_135 : memref<1x128x128xf32, #tpu.memory_space<vmem>> -> memref<128x128xf32, #tpu.memory_space<vmem>>
      %dma_wait3A_137 = arith.constant 0 : i32
      %dma_wait3A_138 = tpu.memref_slice %arg2[%mul3A_125, %dma_wait3A_137] : memref<320000x128xf32, #tpu.memory_space<hbm>> -> memref<128x128xf32, #tpu.memory_space<hbm>>
      tpu.wait_dma2 semaphore(%arg9 : memref<!tpu.dma_semaphore, #tpu.memory_space<semaphore_mem>>) src(%dma_wait3A_138 : memref<128x128xf32, #tpu.memory_space<hbm>>) dst(%dma_wait3A_136 : memref<128x128xf32, #tpu.memory_space<vmem>>)
      %add3A_139 = arith.constant 1 : i32
      %add3A_140 = arith.addi %add3A_122, %add3A_139 : i32
      %lt3A_141 = arith.constant 78 : i32
      %lt3A_142 = arith.cmpi slt, %add3A_140, %lt3A_141 : i32
      %convert_element_type3A_143 = arith.extui %lt3A_142 : i1 to i32
      %cond3A_144 = arith.constant 0 : i32
      %cond3A_145 = arith.cmpi ne, %convert_element_type3A_143, %cond3A_144 : i32
      scf.if %cond3A_145 {
        %add3A_148 = arith.addi %mul3A_28, %add3A_122 : i32
        %add3A_149 = arith.constant 1 : i32
        %add3A_150 = arith.addi %add3A_148, %add3A_149 : i32
        %mul3A_151 = arith.constant 128 : i32
        %mul3A_152 = arith.muli %add3A_150, %mul3A_151 : i32
        %dma_start3A_153 = arith.constant 0 : i32
        %dma_start3A_154 = arith.constant 0 : i32
        %dma_start3A_155 = arith.constant 0 : i32
        %dma_start3A_156 = tpu.memref_slice %arg6[%dma_start3A_153, %dma_start3A_154, %dma_start3A_155] : memref<2x128x128xf32, #tpu.memory_space<vmem>> -> memref<1x128x128xf32, #tpu.memory_space<vmem>>
        %dma_start3A_157 = tpu.memref_squeeze %dma_start3A_156 : memref<1x128x128xf32, #tpu.memory_space<vmem>> -> memref<128x128xf32, #tpu.memory_space<vmem>>
        %dma_start3A_158 = arith.constant 0 : i32
        %dma_start3A_159 = tpu.memref_slice %arg2[%mul3A_152, %dma_start3A_158] : memref<320000x128xf32, #tpu.memory_space<hbm>> -> memref<128x128xf32, #tpu.memory_space<hbm>>
        %dma_start3A_160 = arith.constant 0 : i32
        %dma_start3A_161 = arith.constant 0 : i32
        %dma_start3A_162 = tpu.memref_slice %arg6[%dma_start3A_153, %dma_start3A_160, %dma_start3A_161] : memref<2x128x128xf32, #tpu.memory_space<vmem>> -> memref<1x128x128xf32, #tpu.memory_space<vmem>>
        %dma_start3A_163 = tpu.memref_squeeze %dma_start3A_162 : memref<1x128x128xf32, #tpu.memory_space<vmem>> -> memref<128x128xf32, #tpu.memory_space<vmem>>
        %dma_start3A_164 = arith.constant 0 : i32
        %dma_start3A_165 = tpu.memref_slice %arg2[%mul3A_152, %dma_start3A_164] : memref<320000x128xf32, #tpu.memory_space<hbm>> -> memref<128x128xf32, #tpu.memory_space<hbm>>
        tpu.enqueue_dma source(%dma_start3A_165 : memref<128x128xf32, #tpu.memory_space<hbm>>) target(%dma_start3A_163 : memref<128x128xf32, #tpu.memory_space<vmem>>) target_semaphore(%arg8 : memref<!tpu.dma_semaphore, #tpu.memory_space<semaphore_mem>>)
      } else {
      }
      %run_scoped3A_146 = arith.constant 1 : i32
      %run_scoped3A_147 = arith.constant 0 : i32
      "tpu.region"() ({
        %run_scoped3A_148 = tpu.sem_alloc : memref<!tpu.dma_semaphore, #tpu.memory_space<semaphore_mem>>
        %dma_start3A_149 = arith.constant 0 : i32
        %dma_start3A_150 = arith.constant 0 : i32
        %dma_start3A_151 = tpu.memref_slice %arg6[%run_scoped3A_146, %dma_start3A_149, %dma_start3A_150] : memref<2x128x128xf32, #tpu.memory_space<vmem>> -> memref<1x128x128xf32, #tpu.memory_space<vmem>>
        %dma_start3A_152 = tpu.memref_squeeze %dma_start3A_151 : memref<1x128x128xf32, #tpu.memory_space<vmem>> -> memref<128x128xf32, #tpu.memory_space<vmem>>
        %dma_start3A_153 = arith.constant 0 : i32
        %dma_start3A_154 = tpu.memref_slice %arg5[%add3A_122, %run_scoped3A_147, %dma_start3A_153] : memref<78x1x128xi32, #tpu.memory_space<vmem>> -> memref<1x1x128xi32, #tpu.memory_space<vmem>>
        %dma_start3A_155 = tpu.memref_squeeze %dma_start3A_154 : memref<1x1x128xi32, #tpu.memory_space<vmem>> -> memref<128xi32, #tpu.memory_space<vmem>>
        %dma_start3A_156 = arith.constant 0 : i32
        %dma_start3A_157 = arith.constant 0 : i32
        %dma_start3A_158 = tpu.memref_slice %arg7[%dma_start3A_156, %dma_start3A_157] : memref<10000x128xf32, #tpu.memory_space<vmem_shared>> -> memref<10000x128xf32, #tpu.memory_space<vmem_shared>>
        tpu.enqueue_indirect_dma source(%dma_start3A_152 : memref<128x128xf32, #tpu.memory_space<vmem>>) target(%dma_start3A_158 : memref<10000x128xf32, #tpu.memory_space<vmem_shared>>) offsets(%dma_start3A_155 : memref<128xi32, #tpu.memory_space<vmem>>) semaphore(%run_scoped3A_148 : memref<!tpu.dma_semaphore, #tpu.memory_space<semaphore_mem>>) {add = true}
        %dma_wait3A_159 = arith.constant 0 : i32
        %dma_wait3A_160 = arith.constant 0 : i32
        %dma_wait3A_161 = tpu.memref_slice %arg6[%run_scoped3A_146, %dma_wait3A_159, %dma_wait3A_160] : memref<2x128x128xf32, #tpu.memory_space<vmem>> -> memref<1x128x128xf32, #tpu.memory_space<vmem>>
        %dma_wait3A_162 = tpu.memref_squeeze %dma_wait3A_161 : memref<1x128x128xf32, #tpu.memory_space<vmem>> -> memref<128x128xf32, #tpu.memory_space<vmem>>
        %dma_wait3A_163 = arith.constant 0 : i32
        %dma_wait3A_164 = tpu.memref_slice %arg5[%add3A_122, %run_scoped3A_147, %dma_wait3A_163] : memref<78x1x128xi32, #tpu.memory_space<vmem>> -> memref<1x1x128xi32, #tpu.memory_space<vmem>>
        %dma_wait3A_165 = tpu.memref_squeeze %dma_wait3A_164 : memref<1x1x128xi32, #tpu.memory_space<vmem>> -> memref<128xi32, #tpu.memory_space<vmem>>
        %dma_wait3A_166 = arith.constant 0 : i32
        %dma_wait3A_167 = arith.constant 0 : i32
        %dma_wait3A_168 = tpu.memref_slice %arg7[%dma_wait3A_166, %dma_wait3A_167] : memref<10000x128xf32, #tpu.memory_space<vmem_shared>> -> memref<10000x128xf32, #tpu.memory_space<vmem_shared>>
        tpu.wait_indirect_dma semaphore(%run_scoped3A_148 : memref<!tpu.dma_semaphore, #tpu.memory_space<semaphore_mem>>) src(%dma_wait3A_162 : memref<128x128xf32, #tpu.memory_space<vmem>>) dst(%dma_wait3A_168 : memref<10000x128xf32, #tpu.memory_space<vmem_shared>>)
        tpu.yield
      }) : () -> ()
    }
    %scan3A_48 = arith.constant 39 : i32
    %lt3A_49 = arith.constant 4 : i32
    %lt3A_50 = arith.cmpi slt, %add3A, %lt3A_49 : i32
    %convert_element_type3A_51 = arith.extui %lt3A_50 : i1 to i32
    %cond3A_52 = arith.constant 0 : i32
    %cond3A_53 = arith.cmpi ne, %convert_element_type3A_51, %cond3A_52 : i32
    scf.if %cond3A_53 {
      %add3A_90 = arith.constant 2496 : i32
      %add3A_91 = arith.addi %add3A_90, %add3A : i32
      "tpu.region"() ({
        %run_scoped3A_98 = tpu.sem_alloc : memref<!tpu.dma_semaphore, #tpu.memory_space<semaphore_mem>>
        %dma_start3A_99 = arith.constant 0 : i32
        %dma_start3A_100 = arith.constant 0 : i32
        %dma_start3A_101 = arith.constant 0 : i32
        %dma_start3A_102 = tpu.memref_slice %arg5[%dma_start3A_99, %dma_start3A_100, %dma_start3A_101] : memref<78x1x128xi32, #tpu.memory_space<vmem>> -> memref<1x1x128xi32, #tpu.memory_space<vmem>>
        %dma_start3A_103 = arith.constant 0 : i32
        %dma_start3A_104 = arith.constant 0 : i32
        %dma_start3A_105 = tpu.memref_slice %arg3[%add3A_91, %dma_start3A_103, %dma_start3A_104] : memref<2500x1x128xi32, #tpu.memory_space<hbm>> -> memref<1x1x128xi32, #tpu.memory_space<hbm>>
        %dma_start3A_106 = arith.constant 0 : i32
        %dma_start3A_107 = arith.constant 0 : i32
        %dma_start3A_108 = arith.constant 0 : i32
        %dma_start3A_109 = tpu.memref_slice %arg5[%dma_start3A_106, %dma_start3A_107, %dma_start3A_108] : memref<78x1x128xi32, #tpu.memory_space<vmem>> -> memref<1x1x128xi32, #tpu.memory_space<vmem>>
        %dma_start3A_110 = arith.constant 0 : i32
        %dma_start3A_111 = arith.constant 0 : i32
        %dma_start3A_112 = tpu.memref_slice %arg3[%add3A_91, %dma_start3A_110, %dma_start3A_111] : memref<2500x1x128xi32, #tpu.memory_space<hbm>> -> memref<1x1x128xi32, #tpu.memory_space<hbm>>
        tpu.enqueue_dma source(%dma_start3A_112 : memref<1x1x128xi32, #tpu.memory_space<hbm>>) target(%dma_start3A_109 : memref<1x1x128xi32, #tpu.memory_space<vmem>>) target_semaphore(%run_scoped3A_98 : memref<!tpu.dma_semaphore, #tpu.memory_space<semaphore_mem>>)
        %dma_wait3A = arith.constant 0 : i32
        %dma_wait3A_113 = arith.constant 0 : i32
        %dma_wait3A_114 = arith.constant 0 : i32
        %dma_wait3A_115 = tpu.memref_slice %arg5[%dma_wait3A, %dma_wait3A_113, %dma_wait3A_114] : memref<78x1x128xi32, #tpu.memory_space<vmem>> -> memref<1x1x128xi32, #tpu.memory_space<vmem>>
        %dma_wait3A_116 = arith.constant 0 : i32
        %dma_wait3A_117 = arith.constant 0 : i32
        %dma_wait3A_118 = tpu.memref_slice %arg3[%add3A_91, %dma_wait3A_116, %dma_wait3A_117] : memref<2500x1x128xi32, #tpu.memory_space<hbm>> -> memref<1x1x128xi32, #tpu.memory_space<hbm>>
        %dma_wait3A_119 = arith.constant 0 : i32
        %dma_wait3A_120 = arith.constant 0 : i32
        %dma_wait3A_121 = arith.constant 0 : i32
        %dma_wait3A_122 = tpu.memref_slice %arg5[%dma_wait3A_119, %dma_wait3A_120, %dma_wait3A_121] : memref<78x1x128xi32, #tpu.memory_space<vmem>> -> memref<1x1x128xi32, #tpu.memory_space<vmem>>
        %dma_wait3A_123 = arith.constant 0 : i32
        %dma_wait3A_124 = arith.constant 0 : i32
        %dma_wait3A_125 = tpu.memref_slice %arg3[%add3A_91, %dma_wait3A_123, %dma_wait3A_124] : memref<2500x1x128xi32, #tpu.memory_space<hbm>> -> memref<1x1x128xi32, #tpu.memory_space<hbm>>
        tpu.wait_dma2 semaphore(%run_scoped3A_98 : memref<!tpu.dma_semaphore, #tpu.memory_space<semaphore_mem>>) src(%dma_wait3A_125 : memref<1x1x128xi32, #tpu.memory_space<hbm>>) dst(%dma_wait3A_122 : memref<1x1x128xi32, #tpu.memory_space<vmem>>)
        tpu.yield
      }) : () -> ()
      %mul3A_92 = arith.constant 128 : i32
      %mul3A_93 = arith.muli %add3A_91, %mul3A_92 : i32
      %run_scoped3A_94 = arith.constant 0 : i32
      "tpu.region"() ({
        %run_scoped3A_98 = tpu.sem_alloc : memref<!tpu.dma_semaphore, #tpu.memory_space<semaphore_mem>>
        %dma_start3A_99 = arith.constant 0 : i32
        %dma_start3A_100 = arith.constant 0 : i32
        %dma_start3A_101 = tpu.memref_slice %arg6[%run_scoped3A_94, %dma_start3A_99, %dma_start3A_100] : memref<2x128x128xf32, #tpu.memory_space<vmem>> -> memref<1x128x128xf32, #tpu.memory_space<vmem>>
        %dma_start3A_102 = tpu.memref_squeeze %dma_start3A_101 : memref<1x128x128xf32, #tpu.memory_space<vmem>> -> memref<128x128xf32, #tpu.memory_space<vmem>>
        %dma_start3A_103 = arith.constant 0 : i32
        %dma_start3A_104 = tpu.memref_slice %arg2[%mul3A_93, %dma_start3A_103] : memref<320000x128xf32, #tpu.memory_space<hbm>> -> memref<128x128xf32, #tpu.memory_space<hbm>>
        %dma_start3A_105 = arith.constant 0 : i32
        %dma_start3A_106 = arith.constant 0 : i32
        %dma_start3A_107 = tpu.memref_slice %arg6[%run_scoped3A_94, %dma_start3A_105, %dma_start3A_106] : memref<2x128x128xf32, #tpu.memory_space<vmem>> -> memref<1x128x128xf32, #tpu.memory_space<vmem>>
        %dma_start3A_108 = tpu.memref_squeeze %dma_start3A_107 : memref<1x128x128xf32, #tpu.memory_space<vmem>> -> memref<128x128xf32, #tpu.memory_space<vmem>>
        %dma_start3A_109 = arith.constant 0 : i32
        %dma_start3A_110 = tpu.memref_slice %arg2[%mul3A_93, %dma_start3A_109] : memref<320000x128xf32, #tpu.memory_space<hbm>> -> memref<128x128xf32, #tpu.memory_space<hbm>>
        tpu.enqueue_dma source(%dma_start3A_110 : memref<128x128xf32, #tpu.memory_space<hbm>>) target(%dma_start3A_108 : memref<128x128xf32, #tpu.memory_space<vmem>>) target_semaphore(%run_scoped3A_98 : memref<!tpu.dma_semaphore, #tpu.memory_space<semaphore_mem>>)
        %dma_wait3A = arith.constant 0 : i32
        %dma_wait3A_111 = arith.constant 0 : i32
        %dma_wait3A_112 = tpu.memref_slice %arg6[%run_scoped3A_94, %dma_wait3A, %dma_wait3A_111] : memref<2x128x128xf32, #tpu.memory_space<vmem>> -> memref<1x128x128xf32, #tpu.memory_space<vmem>>
        %dma_wait3A_113 = tpu.memref_squeeze %dma_wait3A_112 : memref<1x128x128xf32, #tpu.memory_space<vmem>> -> memref<128x128xf32, #tpu.memory_space<vmem>>
        %dma_wait3A_114 = arith.constant 0 : i32
        %dma_wait3A_115 = tpu.memref_slice %arg2[%mul3A_93, %dma_wait3A_114] : memref<320000x128xf32, #tpu.memory_space<hbm>> -> memref<128x128xf32, #tpu.memory_space<hbm>>
        %dma_wait3A_116 = arith.constant 0 : i32
        %dma_wait3A_117 = arith.constant 0 : i32
        %dma_wait3A_118 = tpu.memref_slice %arg6[%run_scoped3A_94, %dma_wait3A_116, %dma_wait3A_117] : memref<2x128x128xf32, #tpu.memory_space<vmem>> -> memref<1x128x128xf32, #tpu.memory_space<vmem>>
        %dma_wait3A_119 = tpu.memref_squeeze %dma_wait3A_118 : memref<1x128x128xf32, #tpu.memory_space<vmem>> -> memref<128x128xf32, #tpu.memory_space<vmem>>
        %dma_wait3A_120 = arith.constant 0 : i32
        %dma_wait3A_121 = tpu.memref_slice %arg2[%mul3A_93, %dma_wait3A_120] : memref<320000x128xf32, #tpu.memory_space<hbm>> -> memref<128x128xf32, #tpu.memory_space<hbm>>
        tpu.wait_dma2 semaphore(%run_scoped3A_98 : memref<!tpu.dma_semaphore, #tpu.memory_space<semaphore_mem>>) src(%dma_wait3A_121 : memref<128x128xf32, #tpu.memory_space<hbm>>) dst(%dma_wait3A_119 : memref<128x128xf32, #tpu.memory_space<vmem>>)
        tpu.yield
      }) : () -> ()
      %run_scoped3A_95 = arith.constant 0 : i32
      %run_scoped3A_96 = arith.constant 0 : i32
      %run_scoped3A_97 = arith.constant 0 : i32
      "tpu.region"() ({
        %run_scoped3A_98 = tpu.sem_alloc : memref<!tpu.dma_semaphore, #tpu.memory_space<semaphore_mem>>
        %dma_start3A_99 = arith.constant 0 : i32
        %dma_start3A_100 = arith.constant 0 : i32
        %dma_start3A_101 = tpu.memref_slice %arg6[%run_scoped3A_95, %dma_start3A_99, %dma_start3A_100] : memref<2x128x128xf32, #tpu.memory_space<vmem>> -> memref<1x128x128xf32, #tpu.memory_space<vmem>>
        %dma_start3A_102 = tpu.memref_squeeze %dma_start3A_101 : memref<1x128x128xf32, #tpu.memory_space<vmem>> -> memref<128x128xf32, #tpu.memory_space<vmem>>
        %dma_start3A_103 = arith.constant 0 : i32
        %dma_start3A_104 = tpu.memref_slice %arg5[%run_scoped3A_96, %run_scoped3A_97, %dma_start3A_103] : memref<78x1x128xi32, #tpu.memory_space<vmem>> -> memref<1x1x128xi32, #tpu.memory_space<vmem>>
        %dma_start3A_105 = tpu.memref_squeeze %dma_start3A_104 : memref<1x1x128xi32, #tpu.memory_space<vmem>> -> memref<128xi32, #tpu.memory_space<vmem>>
        %dma_start3A_106 = arith.constant 0 : i32
        %dma_start3A_107 = arith.constant 0 : i32
        %dma_start3A_108 = tpu.memref_slice %arg7[%dma_start3A_106, %dma_start3A_107] : memref<10000x128xf32, #tpu.memory_space<vmem_shared>> -> memref<10000x128xf32, #tpu.memory_space<vmem_shared>>
        tpu.enqueue_indirect_dma source(%dma_start3A_102 : memref<128x128xf32, #tpu.memory_space<vmem>>) target(%dma_start3A_108 : memref<10000x128xf32, #tpu.memory_space<vmem_shared>>) offsets(%dma_start3A_105 : memref<128xi32, #tpu.memory_space<vmem>>) semaphore(%run_scoped3A_98 : memref<!tpu.dma_semaphore, #tpu.memory_space<semaphore_mem>>) {add = true}
        %dma_wait3A = arith.constant 0 : i32
        %dma_wait3A_109 = arith.constant 0 : i32
        %dma_wait3A_110 = tpu.memref_slice %arg6[%run_scoped3A_95, %dma_wait3A, %dma_wait3A_109] : memref<2x128x128xf32, #tpu.memory_space<vmem>> -> memref<1x128x128xf32, #tpu.memory_space<vmem>>
        %dma_wait3A_111 = tpu.memref_squeeze %dma_wait3A_110 : memref<1x128x128xf32, #tpu.memory_space<vmem>> -> memref<128x128xf32, #tpu.memory_space<vmem>>
        %dma_wait3A_112 = arith.constant 0 : i32
        %dma_wait3A_113 = tpu.memref_slice %arg5[%run_scoped3A_96, %run_scoped3A_97, %dma_wait3A_112] : memref<78x1x128xi32, #tpu.memory_space<vmem>> -> memref<1x1x128xi32, #tpu.memory_space<vmem>>
        %dma_wait3A_114 = tpu.memref_squeeze %dma_wait3A_113 : memref<1x1x128xi32, #tpu.memory_space<vmem>> -> memref<128xi32, #tpu.memory_space<vmem>>
        %dma_wait3A_115 = arith.constant 0 : i32
        %dma_wait3A_116 = arith.constant 0 : i32
        %dma_wait3A_117 = tpu.memref_slice %arg7[%dma_wait3A_115, %dma_wait3A_116] : memref<10000x128xf32, #tpu.memory_space<vmem_shared>> -> memref<10000x128xf32, #tpu.memory_space<vmem_shared>>
        tpu.wait_indirect_dma semaphore(%run_scoped3A_98 : memref<!tpu.dma_semaphore, #tpu.memory_space<semaphore_mem>>) src(%dma_wait3A_111 : memref<128x128xf32, #tpu.memory_space<vmem>>) dst(%dma_wait3A_117 : memref<10000x128xf32, #tpu.memory_space<vmem_shared>>)
        tpu.yield
      }) : () -> ()
    } else {
    }
    %barrier3A_54 = arith.constant 0 : index
    tpu.barrier barrier_id(%barrier3A_54)
    %add3A_55 = arith.constant 0 : i32
    %add3A_56 = arith.addi %mul3A_10, %add3A_55 : i32
    %run_scoped3A_57 = arith.constant 0 : i32
    "tpu.region"() ({
      %run_scoped3A_90 = tpu.sem_alloc : memref<!tpu.dma_semaphore, #tpu.memory_space<semaphore_mem>>
      %dma_start3A_91 = arith.constant 0 : i32
      %dma_start3A_92 = arith.constant 0 : i32
      %dma_start3A_93 = tpu.memref_slice %arg6[%run_scoped3A_57, %dma_start3A_91, %dma_start3A_92] : memref<2x128x128xf32, #tpu.memory_space<vmem>> -> memref<1x128x128xf32, #tpu.memory_space<vmem>>
      %dma_start3A_94 = tpu.memref_squeeze %dma_start3A_93 : memref<1x128x128xf32, #tpu.memory_space<vmem>> -> memref<128x128xf32, #tpu.memory_space<vmem>>
      %dma_start3A_95 = arith.constant 0 : i32
      %dma_start3A_96 = tpu.memref_slice %arg7[%add3A_56, %dma_start3A_95] : memref<10000x128xf32, #tpu.memory_space<vmem_shared>> -> memref<128x128xf32, #tpu.memory_space<vmem_shared>>
      %dma_start3A_97 = arith.constant 0 : i32
      %dma_start3A_98 = arith.constant 0 : i32
      %dma_start3A_99 = tpu.memref_slice %arg6[%run_scoped3A_57, %dma_start3A_97, %dma_start3A_98] : memref<2x128x128xf32, #tpu.memory_space<vmem>> -> memref<1x128x128xf32, #tpu.memory_space<vmem>>
      %dma_start3A_100 = tpu.memref_squeeze %dma_start3A_99 : memref<1x128x128xf32, #tpu.memory_space<vmem>> -> memref<128x128xf32, #tpu.memory_space<vmem>>
      %dma_start3A_101 = arith.constant 0 : i32
      %dma_start3A_102 = tpu.memref_slice %arg7[%add3A_56, %dma_start3A_101] : memref<10000x128xf32, #tpu.memory_space<vmem_shared>> -> memref<128x128xf32, #tpu.memory_space<vmem_shared>>
      tpu.enqueue_dma source(%dma_start3A_102 : memref<128x128xf32, #tpu.memory_space<vmem_shared>>) target(%dma_start3A_100 : memref<128x128xf32, #tpu.memory_space<vmem>>) target_semaphore(%run_scoped3A_90 : memref<!tpu.dma_semaphore, #tpu.memory_space<semaphore_mem>>)
      %dma_wait3A = arith.constant 0 : i32
      %dma_wait3A_103 = arith.constant 0 : i32
      %dma_wait3A_104 = tpu.memref_slice %arg6[%run_scoped3A_57, %dma_wait3A, %dma_wait3A_103] : memref<2x128x128xf32, #tpu.memory_space<vmem>> -> memref<1x128x128xf32, #tpu.memory_space<vmem>>
      %dma_wait3A_105 = tpu.memref_squeeze %dma_wait3A_104 : memref<1x128x128xf32, #tpu.memory_space<vmem>> -> memref<128x128xf32, #tpu.memory_space<vmem>>
      %dma_wait3A_106 = arith.constant 0 : i32
      %dma_wait3A_107 = tpu.memref_slice %arg7[%add3A_56, %dma_wait3A_106] : memref<10000x128xf32, #tpu.memory_space<vmem_shared>> -> memref<128x128xf32, #tpu.memory_space<vmem_shared>>
      %dma_wait3A_108 = arith.constant 0 : i32
      %dma_wait3A_109 = arith.constant 0 : i32
      %dma_wait3A_110 = tpu.memref_slice %arg6[%run_scoped3A_57, %dma_wait3A_108, %dma_wait3A_109] : memref<2x128x128xf32, #tpu.memory_space<vmem>> -> memref<1x128x128xf32, #tpu.memory_space<vmem>>
      %dma_wait3A_111 = tpu.memref_squeeze %dma_wait3A_110 : memref<1x128x128xf32, #tpu.memory_space<vmem>> -> memref<128x128xf32, #tpu.memory_space<vmem>>
      %dma_wait3A_112 = arith.constant 0 : i32
      %dma_wait3A_113 = tpu.memref_slice %arg7[%add3A_56, %dma_wait3A_112] : memref<10000x128xf32, #tpu.memory_space<vmem_shared>> -> memref<128x128xf32, #tpu.memory_space<vmem_shared>>
      tpu.wait_dma2 semaphore(%run_scoped3A_90 : memref<!tpu.dma_semaphore, #tpu.memory_space<semaphore_mem>>) src(%dma_wait3A_113 : memref<128x128xf32, #tpu.memory_space<vmem_shared>>) dst(%dma_wait3A_111 : memref<128x128xf32, #tpu.memory_space<vmem>>)
      tpu.yield
    }) : () -> ()
    %add3A_58 = arith.constant 0 : i32
    %add3A_59 = arith.addi %mul3A_10, %add3A_58 : i32
    %run_scoped3A_60 = arith.constant 0 : i32
    "tpu.region"() ({
      %run_scoped3A_90 = tpu.sem_alloc : memref<!tpu.dma_semaphore, #tpu.memory_space<semaphore_mem>>
      %dma_start3A_91 = arith.constant 0 : i32
      %dma_start3A_92 = arith.constant 0 : i32
      %dma_start3A_93 = tpu.memref_slice %arg6[%run_scoped3A_60, %dma_start3A_91, %dma_start3A_92] : memref<2x128x128xf32, #tpu.memory_space<vmem>> -> memref<1x128x128xf32, #tpu.memory_space<vmem>>
      %dma_start3A_94 = tpu.memref_squeeze %dma_start3A_93 : memref<1x128x128xf32, #tpu.memory_space<vmem>> -> memref<128x128xf32, #tpu.memory_space<vmem>>
      %dma_start3A_95 = arith.constant 0 : i32
      %dma_start3A_96 = tpu.memref_slice %arg4[%arg0, %add3A_59, %dma_start3A_95] : memref<2x10000x128xf32, #tpu.memory_space<hbm>> -> memref<1x128x128xf32, #tpu.memory_space<hbm>>
      %dma_start3A_97 = tpu.memref_squeeze %dma_start3A_96 : memref<1x128x128xf32, #tpu.memory_space<hbm>> -> memref<128x128xf32, #tpu.memory_space<hbm>>
      %dma_start3A_98 = arith.constant 0 : i32
      %dma_start3A_99 = tpu.memref_slice %arg4[%arg0, %add3A_59, %dma_start3A_98] : memref<2x10000x128xf32, #tpu.memory_space<hbm>> -> memref<1x128x128xf32, #tpu.memory_space<hbm>>
      %dma_start3A_100 = tpu.memref_squeeze %dma_start3A_99 : memref<1x128x128xf32, #tpu.memory_space<hbm>> -> memref<128x128xf32, #tpu.memory_space<hbm>>
      %dma_start3A_101 = arith.constant 0 : i32
      %dma_start3A_102 = arith.constant 0 : i32
      %dma_start3A_103 = tpu.memref_slice %arg6[%run_scoped3A_60, %dma_start3A_101, %dma_start3A_102] : memref<2x128x128xf32, #tpu.memory_space<vmem>> -> memref<1x128x128xf32, #tpu.memory_space<vmem>>
      %dma_start3A_104 = tpu.memref_squeeze %dma_start3A_103 : memref<1x128x128xf32, #tpu.memory_space<vmem>> -> memref<128x128xf32, #tpu.memory_space<vmem>>
      tpu.enqueue_dma source(%dma_start3A_104 : memref<128x128xf32, #tpu.memory_space<vmem>>) target(%dma_start3A_100 : memref<128x128xf32, #tpu.memory_space<hbm>>) target_semaphore(%run_scoped3A_90 : memref<!tpu.dma_semaphore, #tpu.memory_space<semaphore_mem>>)
      %dma_wait3A = arith.constant 0 : i32
      %dma_wait3A_105 = arith.constant 0 : i32
      %dma_wait3A_106 = tpu.memref_slice %arg6[%run_scoped3A_60, %dma_wait3A, %dma_wait3A_105] : memref<2x128x128xf32, #tpu.memory_space<vmem>> -> memref<1x128x128xf32, #tpu.memory_space<vmem>>
      %dma_wait3A_107 = tpu.memref_squeeze %dma_wait3A_106 : memref<1x128x128xf32, #tpu.memory_space<vmem>> -> memref<128x128xf32, #tpu.memory_space<vmem>>
      %dma_wait3A_108 = arith.constant 0 : i32
      %dma_wait3A_109 = tpu.memref_slice %arg4[%arg0, %add3A_59, %dma_wait3A_108] : memref<2x10000x128xf32, #tpu.memory_space<hbm>> -> memref<1x128x128xf32, #tpu.memory_space<hbm>>
      %dma_wait3A_110 = tpu.memref_squeeze %dma_wait3A_109 : memref<1x128x128xf32, #tpu.memory_space<hbm>> -> memref<128x128xf32, #tpu.memory_space<hbm>>
      %dma_wait3A_111 = arith.constant 0 : i32
      %dma_wait3A_112 = tpu.memref_slice %arg4[%arg0, %add3A_59, %dma_wait3A_111] : memref<2x10000x128xf32, #tpu.memory_space<hbm>> -> memref<1x128x128xf32, #tpu.memory_space<hbm>>
      %dma_wait3A_113 = tpu.memref_squeeze %dma_wait3A_112 : memref<1x128x128xf32, #tpu.memory_space<hbm>> -> memref<128x128xf32, #tpu.memory_space<hbm>>
      %dma_wait3A_114 = arith.constant 0 : i32
      %dma_wait3A_115 = arith.constant 0 : i32
      %dma_wait3A_116 = tpu.memref_slice %arg6[%run_scoped3A_60, %dma_wait3A_114, %dma_wait3A_115] : memref<2x128x128xf32, #tpu.memory_space<vmem>> -> memref<1x128x128xf32, #tpu.memory_space<vmem>>
      %dma_wait3A_117 = tpu.memref_squeeze %dma_wait3A_116 : memref<1x128x128xf32, #tpu.memory_space<vmem>> -> memref<128x128xf32, #tpu.memory_space<vmem>>
      tpu.wait_dma2 semaphore(%run_scoped3A_90 : memref<!tpu.dma_semaphore, #tpu.memory_space<semaphore_mem>>) src(%dma_wait3A_117 : memref<128x128xf32, #tpu.memory_space<vmem>>) dst(%dma_wait3A_113 : memref<128x128xf32, #tpu.memory_space<hbm>>)
      tpu.yield
    }) : () -> ()
    %add3A_61 = arith.constant 128 : i32
    %add3A_62 = arith.addi %mul3A_10, %add3A_61 : i32
    %run_scoped3A_63 = arith.constant 0 : i32
    "tpu.region"() ({
      %run_scoped3A_90 = tpu.sem_alloc : memref<!tpu.dma_semaphore, #tpu.memory_space<semaphore_mem>>
      %dma_start3A_91 = arith.constant 0 : i32
      %dma_start3A_92 = arith.constant 0 : i32
      %dma_start3A_93 = tpu.memref_slice %arg6[%run_scoped3A_63, %dma_start3A_91, %dma_start3A_92] : memref<2x128x128xf32, #tpu.memory_space<vmem>> -> memref<1x128x128xf32, #tpu.memory_space<vmem>>
      %dma_start3A_94 = tpu.memref_squeeze %dma_start3A_93 : memref<1x128x128xf32, #tpu.memory_space<vmem>> -> memref<128x128xf32, #tpu.memory_space<vmem>>
      %dma_start3A_95 = arith.constant 0 : i32
      %dma_start3A_96 = tpu.memref_slice %arg7[%add3A_62, %dma_start3A_95] : memref<10000x128xf32, #tpu.memory_space<vmem_shared>> -> memref<128x128xf32, #tpu.memory_space<vmem_shared>>
      %dma_start3A_97 = arith.constant 0 : i32
      %dma_start3A_98 = arith.constant 0 : i32
      %dma_start3A_99 = tpu.memref_slice %arg6[%run_scoped3A_63, %dma_start3A_97, %dma_start3A_98] : memref<2x128x128xf32, #tpu.memory_space<vmem>> -> memref<1x128x128xf32, #tpu.memory_space<vmem>>
      %dma_start3A_100 = tpu.memref_squeeze %dma_start3A_99 : memref<1x128x128xf32, #tpu.memory_space<vmem>> -> memref<128x128xf32, #tpu.memory_space<vmem>>
      %dma_start3A_101 = arith.constant 0 : i32
      %dma_start3A_102 = tpu.memref_slice %arg7[%add3A_62, %dma_start3A_101] : memref<10000x128xf32, #tpu.memory_space<vmem_shared>> -> memref<128x128xf32, #tpu.memory_space<vmem_shared>>
      tpu.enqueue_dma source(%dma_start3A_102 : memref<128x128xf32, #tpu.memory_space<vmem_shared>>) target(%dma_start3A_100 : memref<128x128xf32, #tpu.memory_space<vmem>>) target_semaphore(%run_scoped3A_90 : memref<!tpu.dma_semaphore, #tpu.memory_space<semaphore_mem>>)
      %dma_wait3A = arith.constant 0 : i32
      %dma_wait3A_103 = arith.constant 0 : i32
      %dma_wait3A_104 = tpu.memref_slice %arg6[%run_scoped3A_63, %dma_wait3A, %dma_wait3A_103] : memref<2x128x128xf32, #tpu.memory_space<vmem>> -> memref<1x128x128xf32, #tpu.memory_space<vmem>>
      %dma_wait3A_105 = tpu.memref_squeeze %dma_wait3A_104 : memref<1x128x128xf32, #tpu.memory_space<vmem>> -> memref<128x128xf32, #tpu.memory_space<vmem>>
      %dma_wait3A_106 = arith.constant 0 : i32
      %dma_wait3A_107 = tpu.memref_slice %arg7[%add3A_62, %dma_wait3A_106] : memref<10000x128xf32, #tpu.memory_space<vmem_shared>> -> memref<128x128xf32, #tpu.memory_space<vmem_shared>>
      %dma_wait3A_108 = arith.constant 0 : i32
      %dma_wait3A_109 = arith.constant 0 : i32
      %dma_wait3A_110 = tpu.memref_slice %arg6[%run_scoped3A_63, %dma_wait3A_108, %dma_wait3A_109] : memref<2x128x128xf32, #tpu.memory_space<vmem>> -> memref<1x128x128xf32, #tpu.memory_space<vmem>>
      %dma_wait3A_111 = tpu.memref_squeeze %dma_wait3A_110 : memref<1x128x128xf32, #tpu.memory_space<vmem>> -> memref<128x128xf32, #tpu.memory_space<vmem>>
      %dma_wait3A_112 = arith.constant 0 : i32
      %dma_wait3A_113 = tpu.memref_slice %arg7[%add3A_62, %dma_wait3A_112] : memref<10000x128xf32, #tpu.memory_space<vmem_shared>> -> memref<128x128xf32, #tpu.memory_space<vmem_shared>>
      tpu.wait_dma2 semaphore(%run_scoped3A_90 : memref<!tpu.dma_semaphore, #tpu.memory_space<semaphore_mem>>) src(%dma_wait3A_113 : memref<128x128xf32, #tpu.memory_space<vmem_shared>>) dst(%dma_wait3A_111 : memref<128x128xf32, #tpu.memory_space<vmem>>)
      tpu.yield
    }) : () -> ()
    %add3A_64 = arith.constant 128 : i32
    %add3A_65 = arith.addi %mul3A_10, %add3A_64 : i32
    %run_scoped3A_66 = arith.constant 0 : i32
    "tpu.region"() ({
      %run_scoped3A_90 = tpu.sem_alloc : memref<!tpu.dma_semaphore, #tpu.memory_space<semaphore_mem>>
      %dma_start3A_91 = arith.constant 0 : i32
      %dma_start3A_92 = arith.constant 0 : i32
      %dma_start3A_93 = tpu.memref_slice %arg6[%run_scoped3A_66, %dma_start3A_91, %dma_start3A_92] : memref<2x128x128xf32, #tpu.memory_space<vmem>> -> memref<1x128x128xf32, #tpu.memory_space<vmem>>
      %dma_start3A_94 = tpu.memref_squeeze %dma_start3A_93 : memref<1x128x128xf32, #tpu.memory_space<vmem>> -> memref<128x128xf32, #tpu.memory_space<vmem>>
      %dma_start3A_95 = arith.constant 0 : i32
      %dma_start3A_96 = tpu.memref_slice %arg4[%arg0, %add3A_65, %dma_start3A_95] : memref<2x10000x128xf32, #tpu.memory_space<hbm>> -> memref<1x128x128xf32, #tpu.memory_space<hbm>>
      %dma_start3A_97 = tpu.memref_squeeze %dma_start3A_96 : memref<1x128x128xf32, #tpu.memory_space<hbm>> -> memref<128x128xf32, #tpu.memory_space<hbm>>
      %dma_start3A_98 = arith.constant 0 : i32
      %dma_start3A_99 = tpu.memref_slice %arg4[%arg0, %add3A_65, %dma_start3A_98] : memref<2x10000x128xf32, #tpu.memory_space<hbm>> -> memref<1x128x128xf32, #tpu.memory_space<hbm>>
      %dma_start3A_100 = tpu.memref_squeeze %dma_start3A_99 : memref<1x128x128xf32, #tpu.memory_space<hbm>> -> memref<128x128xf32, #tpu.memory_space<hbm>>
      %dma_start3A_101 = arith.constant 0 : i32
      %dma_start3A_102 = arith.constant 0 : i32
      %dma_start3A_103 = tpu.memref_slice %arg6[%run_scoped3A_66, %dma_start3A_101, %dma_start3A_102] : memref<2x128x128xf32, #tpu.memory_space<vmem>> -> memref<1x128x128xf32, #tpu.memory_space<vmem>>
      %dma_start3A_104 = tpu.memref_squeeze %dma_start3A_103 : memref<1x128x128xf32, #tpu.memory_space<vmem>> -> memref<128x128xf32, #tpu.memory_space<vmem>>
      tpu.enqueue_dma source(%dma_start3A_104 : memref<128x128xf32, #tpu.memory_space<vmem>>) target(%dma_start3A_100 : memref<128x128xf32, #tpu.memory_space<hbm>>) target_semaphore(%run_scoped3A_90 : memref<!tpu.dma_semaphore, #tpu.memory_space<semaphore_mem>>)
      %dma_wait3A = arith.constant 0 : i32
      %dma_wait3A_105 = arith.constant 0 : i32
      %dma_wait3A_106 = tpu.memref_slice %arg6[%run_scoped3A_66, %dma_wait3A, %dma_wait3A_105] : memref<2x128x128xf32, #tpu.memory_space<vmem>> -> memref<1x128x128xf32, #tpu.memory_space<vmem>>
      %dma_wait3A_107 = tpu.memref_squeeze %dma_wait3A_106 : memref<1x128x128xf32, #tpu.memory_space<vmem>> -> memref<128x128xf32, #tpu.memory_space<vmem>>
      %dma_wait3A_108 = arith.constant 0 : i32
      %dma_wait3A_109 = tpu.memref_slice %arg4[%arg0, %add3A_65, %dma_wait3A_108] : memref<2x10000x128xf32, #tpu.memory_space<hbm>> -> memref<1x128x128xf32, #tpu.memory_space<hbm>>
      %dma_wait3A_110 = tpu.memref_squeeze %dma_wait3A_109 : memref<1x128x128xf32, #tpu.memory_space<hbm>> -> memref<128x128xf32, #tpu.memory_space<hbm>>
      %dma_wait3A_111 = arith.constant 0 : i32
      %dma_wait3A_112 = tpu.memref_slice %arg4[%arg0, %add3A_65, %dma_wait3A_111] : memref<2x10000x128xf32, #tpu.memory_space<hbm>> -> memref<1x128x128xf32, #tpu.memory_space<hbm>>
      %dma_wait3A_113 = tpu.memref_squeeze %dma_wait3A_112 : memref<1x128x128xf32, #tpu.memory_space<hbm>> -> memref<128x128xf32, #tpu.memory_space<hbm>>
      %dma_wait3A_114 = arith.constant 0 : i32
      %dma_wait3A_115 = arith.constant 0 : i32
      %dma_wait3A_116 = tpu.memref_slice %arg6[%run_scoped3A_66, %dma_wait3A_114, %dma_wait3A_115] : memref<2x128x128xf32, #tpu.memory_space<vmem>> -> memref<1x128x128xf32, #tpu.memory_space<vmem>>
      %dma_wait3A_117 = tpu.memref_squeeze %dma_wait3A_116 : memref<1x128x128xf32, #tpu.memory_space<vmem>> -> memref<128x128xf32, #tpu.memory_space<vmem>>
      tpu.wait_dma2 semaphore(%run_scoped3A_90 : memref<!tpu.dma_semaphore, #tpu.memory_space<semaphore_mem>>) src(%dma_wait3A_117 : memref<128x128xf32, #tpu.memory_space<vmem>>) dst(%dma_wait3A_113 : memref<128x128xf32, #tpu.memory_space<hbm>>)
      tpu.yield
    }) : () -> ()
    %add3A_67 = arith.constant 256 : i32
    %add3A_68 = arith.addi %mul3A_10, %add3A_67 : i32
    %run_scoped3A_69 = arith.constant 0 : i32
    "tpu.region"() ({
      %run_scoped3A_90 = tpu.sem_alloc : memref<!tpu.dma_semaphore, #tpu.memory_space<semaphore_mem>>
      %dma_start3A_91 = arith.constant 0 : i32
      %dma_start3A_92 = arith.constant 0 : i32
      %dma_start3A_93 = tpu.memref_slice %arg6[%run_scoped3A_69, %dma_start3A_91, %dma_start3A_92] : memref<2x128x128xf32, #tpu.memory_space<vmem>> -> memref<1x128x128xf32, #tpu.memory_space<vmem>>
      %dma_start3A_94 = tpu.memref_squeeze %dma_start3A_93 : memref<1x128x128xf32, #tpu.memory_space<vmem>> -> memref<128x128xf32, #tpu.memory_space<vmem>>
      %dma_start3A_95 = arith.constant 0 : i32
      %dma_start3A_96 = tpu.memref_slice %arg7[%add3A_68, %dma_start3A_95] : memref<10000x128xf32, #tpu.memory_space<vmem_shared>> -> memref<128x128xf32, #tpu.memory_space<vmem_shared>>
      %dma_start3A_97 = arith.constant 0 : i32
      %dma_start3A_98 = arith.constant 0 : i32
      %dma_start3A_99 = tpu.memref_slice %arg6[%run_scoped3A_69, %dma_start3A_97, %dma_start3A_98] : memref<2x128x128xf32, #tpu.memory_space<vmem>> -> memref<1x128x128xf32, #tpu.memory_space<vmem>>
      %dma_start3A_100 = tpu.memref_squeeze %dma_start3A_99 : memref<1x128x128xf32, #tpu.memory_space<vmem>> -> memref<128x128xf32, #tpu.memory_space<vmem>>
      %dma_start3A_101 = arith.constant 0 : i32
      %dma_start3A_102 = tpu.memref_slice %arg7[%add3A_68, %dma_start3A_101] : memref<10000x128xf32, #tpu.memory_space<vmem_shared>> -> memref<128x128xf32, #tpu.memory_space<vmem_shared>>
      tpu.enqueue_dma source(%dma_start3A_102 : memref<128x128xf32, #tpu.memory_space<vmem_shared>>) target(%dma_start3A_100 : memref<128x128xf32, #tpu.memory_space<vmem>>) target_semaphore(%run_scoped3A_90 : memref<!tpu.dma_semaphore, #tpu.memory_space<semaphore_mem>>)
      %dma_wait3A = arith.constant 0 : i32
      %dma_wait3A_103 = arith.constant 0 : i32
      %dma_wait3A_104 = tpu.memref_slice %arg6[%run_scoped3A_69, %dma_wait3A, %dma_wait3A_103] : memref<2x128x128xf32, #tpu.memory_space<vmem>> -> memref<1x128x128xf32, #tpu.memory_space<vmem>>
      %dma_wait3A_105 = tpu.memref_squeeze %dma_wait3A_104 : memref<1x128x128xf32, #tpu.memory_space<vmem>> -> memref<128x128xf32, #tpu.memory_space<vmem>>
      %dma_wait3A_106 = arith.constant 0 : i32
      %dma_wait3A_107 = tpu.memref_slice %arg7[%add3A_68, %dma_wait3A_106] : memref<10000x128xf32, #tpu.memory_space<vmem_shared>> -> memref<128x128xf32, #tpu.memory_space<vmem_shared>>
      %dma_wait3A_108 = arith.constant 0 : i32
      %dma_wait3A_109 = arith.constant 0 : i32
      %dma_wait3A_110 = tpu.memref_slice %arg6[%run_scoped3A_69, %dma_wait3A_108, %dma_wait3A_109] : memref<2x128x128xf32, #tpu.memory_space<vmem>> -> memref<1x128x128xf32, #tpu.memory_space<vmem>>
      %dma_wait3A_111 = tpu.memref_squeeze %dma_wait3A_110 : memref<1x128x128xf32, #tpu.memory_space<vmem>> -> memref<128x128xf32, #tpu.memory_space<vmem>>
      %dma_wait3A_112 = arith.constant 0 : i32
      %dma_wait3A_113 = tpu.memref_slice %arg7[%add3A_68, %dma_wait3A_112] : memref<10000x128xf32, #tpu.memory_space<vmem_shared>> -> memref<128x128xf32, #tpu.memory_space<vmem_shared>>
      tpu.wait_dma2 semaphore(%run_scoped3A_90 : memref<!tpu.dma_semaphore, #tpu.memory_space<semaphore_mem>>) src(%dma_wait3A_113 : memref<128x128xf32, #tpu.memory_space<vmem_shared>>) dst(%dma_wait3A_111 : memref<128x128xf32, #tpu.memory_space<vmem>>)
      tpu.yield
    }) : () -> ()
    %add3A_70 = arith.constant 256 : i32
    %add3A_71 = arith.addi %mul3A_10, %add3A_70 : i32
    %run_scoped3A_72 = arith.constant 0 : i32
    "tpu.region"() ({
      %run_scoped3A_90 = tpu.sem_alloc : memref<!tpu.dma_semaphore, #tpu.memory_space<semaphore_mem>>
      %dma_start3A_91 = arith.constant 0 : i32
      %dma_start3A_92 = arith.constant 0 : i32
      %dma_start3A_93 = tpu.memref_slice %arg6[%run_scoped3A_72, %dma_start3A_91, %dma_start3A_92] : memref<2x128x128xf32, #tpu.memory_space<vmem>> -> memref<1x128x128xf32, #tpu.memory_space<vmem>>
      %dma_start3A_94 = tpu.memref_squeeze %dma_start3A_93 : memref<1x128x128xf32, #tpu.memory_space<vmem>> -> memref<128x128xf32, #tpu.memory_space<vmem>>
      %dma_start3A_95 = arith.constant 0 : i32
      %dma_start3A_96 = tpu.memref_slice %arg4[%arg0, %add3A_71, %dma_start3A_95] : memref<2x10000x128xf32, #tpu.memory_space<hbm>> -> memref<1x128x128xf32, #tpu.memory_space<hbm>>
      %dma_start3A_97 = tpu.memref_squeeze %dma_start3A_96 : memref<1x128x128xf32, #tpu.memory_space<hbm>> -> memref<128x128xf32, #tpu.memory_space<hbm>>
      %dma_start3A_98 = arith.constant 0 : i32
      %dma_start3A_99 = tpu.memref_slice %arg4[%arg0, %add3A_71, %dma_start3A_98] : memref<2x10000x128xf32, #tpu.memory_space<hbm>> -> memref<1x128x128xf32, #tpu.memory_space<hbm>>
      %dma_start3A_100 = tpu.memref_squeeze %dma_start3A_99 : memref<1x128x128xf32, #tpu.memory_space<hbm>> -> memref<128x128xf32, #tpu.memory_space<hbm>>
      %dma_start3A_101 = arith.constant 0 : i32
      %dma_start3A_102 = arith.constant 0 : i32
      %dma_start3A_103 = tpu.memref_slice %arg6[%run_scoped3A_72, %dma_start3A_101, %dma_start3A_102] : memref<2x128x128xf32, #tpu.memory_space<vmem>> -> memref<1x128x128xf32, #tpu.memory_space<vmem>>
      %dma_start3A_104 = tpu.memref_squeeze %dma_start3A_103 : memref<1x128x128xf32, #tpu.memory_space<vmem>> -> memref<128x128xf32, #tpu.memory_space<vmem>>
      tpu.enqueue_dma source(%dma_start3A_104 : memref<128x128xf32, #tpu.memory_space<vmem>>) target(%dma_start3A_100 : memref<128x128xf32, #tpu.memory_space<hbm>>) target_semaphore(%run_scoped3A_90 : memref<!tpu.dma_semaphore, #tpu.memory_space<semaphore_mem>>)
      %dma_wait3A = arith.constant 0 : i32
      %dma_wait3A_105 = arith.constant 0 : i32
      %dma_wait3A_106 = tpu.memref_slice %arg6[%run_scoped3A_72, %dma_wait3A, %dma_wait3A_105] : memref<2x128x128xf32, #tpu.memory_space<vmem>> -> memref<1x128x128xf32, #tpu.memory_space<vmem>>
      %dma_wait3A_107 = tpu.memref_squeeze %dma_wait3A_106 : memref<1x128x128xf32, #tpu.memory_space<vmem>> -> memref<128x128xf32, #tpu.memory_space<vmem>>
      %dma_wait3A_108 = arith.constant 0 : i32
      %dma_wait3A_109 = tpu.memref_slice %arg4[%arg0, %add3A_71, %dma_wait3A_108] : memref<2x10000x128xf32, #tpu.memory_space<hbm>> -> memref<1x128x128xf32, #tpu.memory_space<hbm>>
      %dma_wait3A_110 = tpu.memref_squeeze %dma_wait3A_109 : memref<1x128x128xf32, #tpu.memory_space<hbm>> -> memref<128x128xf32, #tpu.memory_space<hbm>>
      %dma_wait3A_111 = arith.constant 0 : i32
      %dma_wait3A_112 = tpu.memref_slice %arg4[%arg0, %add3A_71, %dma_wait3A_111] : memref<2x10000x128xf32, #tpu.memory_space<hbm>> -> memref<1x128x128xf32, #tpu.memory_space<hbm>>
      %dma_wait3A_113 = tpu.memref_squeeze %dma_wait3A_112 : memref<1x128x128xf32, #tpu.memory_space<hbm>> -> memref<128x128xf32, #tpu.memory_space<hbm>>
      %dma_wait3A_114 = arith.constant 0 : i32
      %dma_wait3A_115 = arith.constant 0 : i32
      %dma_wait3A_116 = tpu.memref_slice %arg6[%run_scoped3A_72, %dma_wait3A_114, %dma_wait3A_115] : memref<2x128x128xf32, #tpu.memory_space<vmem>> -> memref<1x128x128xf32, #tpu.memory_space<vmem>>
      %dma_wait3A_117 = tpu.memref_squeeze %dma_wait3A_116 : memref<1x128x128xf32, #tpu.memory_space<vmem>> -> memref<128x128xf32, #tpu.memory_space<vmem>>
      tpu.wait_dma2 semaphore(%run_scoped3A_90 : memref<!tpu.dma_semaphore, #tpu.memory_space<semaphore_mem>>) src(%dma_wait3A_117 : memref<128x128xf32, #tpu.memory_space<vmem>>) dst(%dma_wait3A_113 : memref<128x128xf32, #tpu.memory_space<hbm>>)
      tpu.yield
    }) : () -> ()
    %add3A_73 = arith.constant 384 : i32
    %add3A_74 = arith.addi %mul3A_10, %add3A_73 : i32
    %run_scoped3A_75 = arith.constant 0 : i32
    "tpu.region"() ({
      %run_scoped3A_90 = tpu.sem_alloc : memref<!tpu.dma_semaphore, #tpu.memory_space<semaphore_mem>>
      %dma_start3A_91 = arith.constant 0 : i32
      %dma_start3A_92 = arith.constant 0 : i32
      %dma_start3A_93 = tpu.memref_slice %arg6[%run_scoped3A_75, %dma_start3A_91, %dma_start3A_92] : memref<2x128x128xf32, #tpu.memory_space<vmem>> -> memref<1x128x128xf32, #tpu.memory_space<vmem>>
      %dma_start3A_94 = tpu.memref_squeeze %dma_start3A_93 : memref<1x128x128xf32, #tpu.memory_space<vmem>> -> memref<128x128xf32, #tpu.memory_space<vmem>>
      %dma_start3A_95 = arith.constant 0 : i32
      %dma_start3A_96 = tpu.memref_slice %arg7[%add3A_74, %dma_start3A_95] : memref<10000x128xf32, #tpu.memory_space<vmem_shared>> -> memref<128x128xf32, #tpu.memory_space<vmem_shared>>
      %dma_start3A_97 = arith.constant 0 : i32
      %dma_start3A_98 = arith.constant 0 : i32
      %dma_start3A_99 = tpu.memref_slice %arg6[%run_scoped3A_75, %dma_start3A_97, %dma_start3A_98] : memref<2x128x128xf32, #tpu.memory_space<vmem>> -> memref<1x128x128xf32, #tpu.memory_space<vmem>>
      %dma_start3A_100 = tpu.memref_squeeze %dma_start3A_99 : memref<1x128x128xf32, #tpu.memory_space<vmem>> -> memref<128x128xf32, #tpu.memory_space<vmem>>
      %dma_start3A_101 = arith.constant 0 : i32
      %dma_start3A_102 = tpu.memref_slice %arg7[%add3A_74, %dma_start3A_101] : memref<10000x128xf32, #tpu.memory_space<vmem_shared>> -> memref<128x128xf32, #tpu.memory_space<vmem_shared>>
      tpu.enqueue_dma source(%dma_start3A_102 : memref<128x128xf32, #tpu.memory_space<vmem_shared>>) target(%dma_start3A_100 : memref<128x128xf32, #tpu.memory_space<vmem>>) target_semaphore(%run_scoped3A_90 : memref<!tpu.dma_semaphore, #tpu.memory_space<semaphore_mem>>)
      %dma_wait3A = arith.constant 0 : i32
      %dma_wait3A_103 = arith.constant 0 : i32
      %dma_wait3A_104 = tpu.memref_slice %arg6[%run_scoped3A_75, %dma_wait3A, %dma_wait3A_103] : memref<2x128x128xf32, #tpu.memory_space<vmem>> -> memref<1x128x128xf32, #tpu.memory_space<vmem>>
      %dma_wait3A_105 = tpu.memref_squeeze %dma_wait3A_104 : memref<1x128x128xf32, #tpu.memory_space<vmem>> -> memref<128x128xf32, #tpu.memory_space<vmem>>
      %dma_wait3A_106 = arith.constant 0 : i32
      %dma_wait3A_107 = tpu.memref_slice %arg7[%add3A_74, %dma_wait3A_106] : memref<10000x128xf32, #tpu.memory_space<vmem_shared>> -> memref<128x128xf32, #tpu.memory_space<vmem_shared>>
      %dma_wait3A_108 = arith.constant 0 : i32
      %dma_wait3A_109 = arith.constant 0 : i32
      %dma_wait3A_110 = tpu.memref_slice %arg6[%run_scoped3A_75, %dma_wait3A_108, %dma_wait3A_109] : memref<2x128x128xf32, #tpu.memory_space<vmem>> -> memref<1x128x128xf32, #tpu.memory_space<vmem>>
      %dma_wait3A_111 = tpu.memref_squeeze %dma_wait3A_110 : memref<1x128x128xf32, #tpu.memory_space<vmem>> -> memref<128x128xf32, #tpu.memory_space<vmem>>
      %dma_wait3A_112 = arith.constant 0 : i32
      %dma_wait3A_113 = tpu.memref_slice %arg7[%add3A_74, %dma_wait3A_112] : memref<10000x128xf32, #tpu.memory_space<vmem_shared>> -> memref<128x128xf32, #tpu.memory_space<vmem_shared>>
      tpu.wait_dma2 semaphore(%run_scoped3A_90 : memref<!tpu.dma_semaphore, #tpu.memory_space<semaphore_mem>>) src(%dma_wait3A_113 : memref<128x128xf32, #tpu.memory_space<vmem_shared>>) dst(%dma_wait3A_111 : memref<128x128xf32, #tpu.memory_space<vmem>>)
      tpu.yield
    }) : () -> ()
    %add3A_76 = arith.constant 384 : i32
    %add3A_77 = arith.addi %mul3A_10, %add3A_76 : i32
    %run_scoped3A_78 = arith.constant 0 : i32
    "tpu.region"() ({
      %run_scoped3A_90 = tpu.sem_alloc : memref<!tpu.dma_semaphore, #tpu.memory_space<semaphore_mem>>
      %dma_start3A_91 = arith.constant 0 : i32
      %dma_start3A_92 = arith.constant 0 : i32
      %dma_start3A_93 = tpu.memref_slice %arg6[%run_scoped3A_78, %dma_start3A_91, %dma_start3A_92] : memref<2x128x128xf32, #tpu.memory_space<vmem>> -> memref<1x128x128xf32, #tpu.memory_space<vmem>>
      %dma_start3A_94 = tpu.memref_squeeze %dma_start3A_93 : memref<1x128x128xf32, #tpu.memory_space<vmem>> -> memref<128x128xf32, #tpu.memory_space<vmem>>
      %dma_start3A_95 = arith.constant 0 : i32
      %dma_start3A_96 = tpu.memref_slice %arg4[%arg0, %add3A_77, %dma_start3A_95] : memref<2x10000x128xf32, #tpu.memory_space<hbm>> -> memref<1x128x128xf32, #tpu.memory_space<hbm>>
      %dma_start3A_97 = tpu.memref_squeeze %dma_start3A_96 : memref<1x128x128xf32, #tpu.memory_space<hbm>> -> memref<128x128xf32, #tpu.memory_space<hbm>>
      %dma_start3A_98 = arith.constant 0 : i32
      %dma_start3A_99 = tpu.memref_slice %arg4[%arg0, %add3A_77, %dma_start3A_98] : memref<2x10000x128xf32, #tpu.memory_space<hbm>> -> memref<1x128x128xf32, #tpu.memory_space<hbm>>
      %dma_start3A_100 = tpu.memref_squeeze %dma_start3A_99 : memref<1x128x128xf32, #tpu.memory_space<hbm>> -> memref<128x128xf32, #tpu.memory_space<hbm>>
      %dma_start3A_101 = arith.constant 0 : i32
      %dma_start3A_102 = arith.constant 0 : i32
      %dma_start3A_103 = tpu.memref_slice %arg6[%run_scoped3A_78, %dma_start3A_101, %dma_start3A_102] : memref<2x128x128xf32, #tpu.memory_space<vmem>> -> memref<1x128x128xf32, #tpu.memory_space<vmem>>
      %dma_start3A_104 = tpu.memref_squeeze %dma_start3A_103 : memref<1x128x128xf32, #tpu.memory_space<vmem>> -> memref<128x128xf32, #tpu.memory_space<vmem>>
      tpu.enqueue_dma source(%dma_start3A_104 : memref<128x128xf32, #tpu.memory_space<vmem>>) target(%dma_start3A_100 : memref<128x128xf32, #tpu.memory_space<hbm>>) target_semaphore(%run_scoped3A_90 : memref<!tpu.dma_semaphore, #tpu.memory_space<semaphore_mem>>)
      %dma_wait3A = arith.constant 0 : i32
      %dma_wait3A_105 = arith.constant 0 : i32
      %dma_wait3A_106 = tpu.memref_slice %arg6[%run_scoped3A_78, %dma_wait3A, %dma_wait3A_105] : memref<2x128x128xf32, #tpu.memory_space<vmem>> -> memref<1x128x128xf32, #tpu.memory_space<vmem>>
      %dma_wait3A_107 = tpu.memref_squeeze %dma_wait3A_106 : memref<1x128x128xf32, #tpu.memory_space<vmem>> -> memref<128x128xf32, #tpu.memory_space<vmem>>
      %dma_wait3A_108 = arith.constant 0 : i32
      %dma_wait3A_109 = tpu.memref_slice %arg4[%arg0, %add3A_77, %dma_wait3A_108] : memref<2x10000x128xf32, #tpu.memory_space<hbm>> -> memref<1x128x128xf32, #tpu.memory_space<hbm>>
      %dma_wait3A_110 = tpu.memref_squeeze %dma_wait3A_109 : memref<1x128x128xf32, #tpu.memory_space<hbm>> -> memref<128x128xf32, #tpu.memory_space<hbm>>
      %dma_wait3A_111 = arith.constant 0 : i32
      %dma_wait3A_112 = tpu.memref_slice %arg4[%arg0, %add3A_77, %dma_wait3A_111] : memref<2x10000x128xf32, #tpu.memory_space<hbm>> -> memref<1x128x128xf32, #tpu.memory_space<hbm>>
      %dma_wait3A_113 = tpu.memref_squeeze %dma_wait3A_112 : memref<1x128x128xf32, #tpu.memory_space<hbm>> -> memref<128x128xf32, #tpu.memory_space<hbm>>
      %dma_wait3A_114 = arith.constant 0 : i32
      %dma_wait3A_115 = arith.constant 0 : i32
      %dma_wait3A_116 = tpu.memref_slice %arg6[%run_scoped3A_78, %dma_wait3A_114, %dma_wait3A_115] : memref<2x128x128xf32, #tpu.memory_space<vmem>> -> memref<1x128x128xf32, #tpu.memory_space<vmem>>
      %dma_wait3A_117 = tpu.memref_squeeze %dma_wait3A_116 : memref<1x128x128xf32, #tpu.memory_space<vmem>> -> memref<128x128xf32, #tpu.memory_space<vmem>>
      tpu.wait_dma2 semaphore(%run_scoped3A_90 : memref<!tpu.dma_semaphore, #tpu.memory_space<semaphore_mem>>) src(%dma_wait3A_117 : memref<128x128xf32, #tpu.memory_space<vmem>>) dst(%dma_wait3A_113 : memref<128x128xf32, #tpu.memory_space<hbm>>)
      tpu.yield
    }) : () -> ()
    %add3A_79 = arith.constant 512 : i32
    %add3A_80 = arith.addi %mul3A_10, %add3A_79 : i32
    %run_scoped3A_81 = arith.constant 0 : i32
    "tpu.region"() ({
      %run_scoped3A_90 = tpu.sem_alloc : memref<!tpu.dma_semaphore, #tpu.memory_space<semaphore_mem>>
      %dma_start3A_91 = arith.constant 0 : i32
      %dma_start3A_92 = arith.constant 0 : i32
      %dma_start3A_93 = tpu.memref_slice %arg6[%run_scoped3A_81, %dma_start3A_91, %dma_start3A_92] : memref<2x128x128xf32, #tpu.memory_space<vmem>> -> memref<1x112x128xf32, #tpu.memory_space<vmem>>
      %dma_start3A_94 = tpu.memref_squeeze %dma_start3A_93 : memref<1x112x128xf32, #tpu.memory_space<vmem>> -> memref<112x128xf32, #tpu.memory_space<vmem>>
      %dma_start3A_95 = arith.constant 0 : i32
      %dma_start3A_96 = tpu.memref_slice %arg7[%add3A_80, %dma_start3A_95] : memref<10000x128xf32, #tpu.memory_space<vmem_shared>> -> memref<112x128xf32, #tpu.memory_space<vmem_shared>>
      %dma_start3A_97 = arith.constant 0 : i32
      %dma_start3A_98 = arith.constant 0 : i32
      %dma_start3A_99 = tpu.memref_slice %arg6[%run_scoped3A_81, %dma_start3A_97, %dma_start3A_98] : memref<2x128x128xf32, #tpu.memory_space<vmem>> -> memref<1x112x128xf32, #tpu.memory_space<vmem>>
      %dma_start3A_100 = tpu.memref_squeeze %dma_start3A_99 : memref<1x112x128xf32, #tpu.memory_space<vmem>> -> memref<112x128xf32, #tpu.memory_space<vmem>>
      %dma_start3A_101 = arith.constant 0 : i32
      %dma_start3A_102 = tpu.memref_slice %arg7[%add3A_80, %dma_start3A_101] : memref<10000x128xf32, #tpu.memory_space<vmem_shared>> -> memref<112x128xf32, #tpu.memory_space<vmem_shared>>
      tpu.enqueue_dma source(%dma_start3A_102 : memref<112x128xf32, #tpu.memory_space<vmem_shared>>) target(%dma_start3A_100 : memref<112x128xf32, #tpu.memory_space<vmem>>) target_semaphore(%run_scoped3A_90 : memref<!tpu.dma_semaphore, #tpu.memory_space<semaphore_mem>>)
      %dma_wait3A = arith.constant 0 : i32
      %dma_wait3A_103 = arith.constant 0 : i32
      %dma_wait3A_104 = tpu.memref_slice %arg6[%run_scoped3A_81, %dma_wait3A, %dma_wait3A_103] : memref<2x128x128xf32, #tpu.memory_space<vmem>> -> memref<1x112x128xf32, #tpu.memory_space<vmem>>
      %dma_wait3A_105 = tpu.memref_squeeze %dma_wait3A_104 : memref<1x112x128xf32, #tpu.memory_space<vmem>> -> memref<112x128xf32, #tpu.memory_space<vmem>>
      %dma_wait3A_106 = arith.constant 0 : i32
      %dma_wait3A_107 = tpu.memref_slice %arg7[%add3A_80, %dma_wait3A_106] : memref<10000x128xf32, #tpu.memory_space<vmem_shared>> -> memref<112x128xf32, #tpu.memory_space<vmem_shared>>
      %dma_wait3A_108 = arith.constant 0 : i32
      %dma_wait3A_109 = arith.constant 0 : i32
      %dma_wait3A_110 = tpu.memref_slice %arg6[%run_scoped3A_81, %dma_wait3A_108, %dma_wait3A_109] : memref<2x128x128xf32, #tpu.memory_space<vmem>> -> memref<1x112x128xf32, #tpu.memory_space<vmem>>
      %dma_wait3A_111 = tpu.memref_squeeze %dma_wait3A_110 : memref<1x112x128xf32, #tpu.memory_space<vmem>> -> memref<112x128xf32, #tpu.memory_space<vmem>>
      %dma_wait3A_112 = arith.constant 0 : i32
      %dma_wait3A_113 = tpu.memref_slice %arg7[%add3A_80, %dma_wait3A_112] : memref<10000x128xf32, #tpu.memory_space<vmem_shared>> -> memref<112x128xf32, #tpu.memory_space<vmem_shared>>
      tpu.wait_dma2 semaphore(%run_scoped3A_90 : memref<!tpu.dma_semaphore, #tpu.memory_space<semaphore_mem>>) src(%dma_wait3A_113 : memref<112x128xf32, #tpu.memory_space<vmem_shared>>) dst(%dma_wait3A_111 : memref<112x128xf32, #tpu.memory_space<vmem>>)
      tpu.yield
    }) : () -> ()
    %add3A_82 = arith.constant 512 : i32
    %add3A_83 = arith.addi %mul3A_10, %add3A_82 : i32
    %run_scoped3A_84 = arith.constant 0 : i32
    "tpu.region"() ({
      %run_scoped3A_90 = tpu.sem_alloc : memref<!tpu.dma_semaphore, #tpu.memory_space<semaphore_mem>>
      %dma_start3A_91 = arith.constant 0 : i32
      %dma_start3A_92 = arith.constant 0 : i32
      %dma_start3A_93 = tpu.memref_slice %arg6[%run_scoped3A_84, %dma_start3A_91, %dma_start3A_92] : memref<2x128x128xf32, #tpu.memory_space<vmem>> -> memref<1x112x128xf32, #tpu.memory_space<vmem>>
      %dma_start3A_94 = tpu.memref_squeeze %dma_start3A_93 : memref<1x112x128xf32, #tpu.memory_space<vmem>> -> memref<112x128xf32, #tpu.memory_space<vmem>>
      %dma_start3A_95 = arith.constant 0 : i32
      %dma_start3A_96 = tpu.memref_slice %arg4[%arg0, %add3A_83, %dma_start3A_95] : memref<2x10000x128xf32, #tpu.memory_space<hbm>> -> memref<1x112x128xf32, #tpu.memory_space<hbm>>
      %dma_start3A_97 = tpu.memref_squeeze %dma_start3A_96 : memref<1x112x128xf32, #tpu.memory_space<hbm>> -> memref<112x128xf32, #tpu.memory_space<hbm>>
      %dma_start3A_98 = arith.constant 0 : i32
      %dma_start3A_99 = tpu.memref_slice %arg4[%arg0, %add3A_83, %dma_start3A_98] : memref<2x10000x128xf32, #tpu.memory_space<hbm>> -> memref<1x112x128xf32, #tpu.memory_space<hbm>>
      %dma_start3A_100 = tpu.memref_squeeze %dma_start3A_99 : memref<1x112x128xf32, #tpu.memory_space<hbm>> -> memref<112x128xf32, #tpu.memory_space<hbm>>
      %dma_start3A_101 = arith.constant 0 : i32
      %dma_start3A_102 = arith.constant 0 : i32
      %dma_start3A_103 = tpu.memref_slice %arg6[%run_scoped3A_84, %dma_start3A_101, %dma_start3A_102] : memref<2x128x128xf32, #tpu.memory_space<vmem>> -> memref<1x112x128xf32, #tpu.memory_space<vmem>>
      %dma_start3A_104 = tpu.memref_squeeze %dma_start3A_103 : memref<1x112x128xf32, #tpu.memory_space<vmem>> -> memref<112x128xf32, #tpu.memory_space<vmem>>
      tpu.enqueue_dma source(%dma_start3A_104 : memref<112x128xf32, #tpu.memory_space<vmem>>) target(%dma_start3A_100 : memref<112x128xf32, #tpu.memory_space<hbm>>) target_semaphore(%run_scoped3A_90 : memref<!tpu.dma_semaphore, #tpu.memory_space<semaphore_mem>>)
      %dma_wait3A = arith.constant 0 : i32
      %dma_wait3A_105 = arith.constant 0 : i32
      %dma_wait3A_106 = tpu.memref_slice %arg6[%run_scoped3A_84, %dma_wait3A, %dma_wait3A_105] : memref<2x128x128xf32, #tpu.memory_space<vmem>> -> memref<1x112x128xf32, #tpu.memory_space<vmem>>
      %dma_wait3A_107 = tpu.memref_squeeze %dma_wait3A_106 : memref<1x112x128xf32, #tpu.memory_space<vmem>> -> memref<112x128xf32, #tpu.memory_space<vmem>>
      %dma_wait3A_108 = arith.constant 0 : i32
      %dma_wait3A_109 = tpu.memref_slice %arg4[%arg0, %add3A_83, %dma_wait3A_108] : memref<2x10000x128xf32, #tpu.memory_space<hbm>> -> memref<1x112x128xf32, #tpu.memory_space<hbm>>
      %dma_wait3A_110 = tpu.memref_squeeze %dma_wait3A_109 : memref<1x112x128xf32, #tpu.memory_space<hbm>> -> memref<112x128xf32, #tpu.memory_space<hbm>>
      %dma_wait3A_111 = arith.constant 0 : i32
      %dma_wait3A_112 = tpu.memref_slice %arg4[%arg0, %add3A_83, %dma_wait3A_111] : memref<2x10000x128xf32, #tpu.memory_space<hbm>> -> memref<1x112x128xf32, #tpu.memory_space<hbm>>
      %dma_wait3A_113 = tpu.memref_squeeze %dma_wait3A_112 : memref<1x112x128xf32, #tpu.memory_space<hbm>> -> memref<112x128xf32, #tpu.memory_space<hbm>>
      %dma_wait3A_114 = arith.constant 0 : i32
      %dma_wait3A_115 = arith.constant 0 : i32
      %dma_wait3A_116 = tpu.memref_slice %arg6[%run_scoped3A_84, %dma_wait3A_114, %dma_wait3A_115] : memref<2x128x128xf32, #tpu.memory_space<vmem>> -> memref<1x112x128xf32, #tpu.memory_space<vmem>>
      %dma_wait3A_117 = tpu.memref_squeeze %dma_wait3A_116 : memref<1x112x128xf32, #tpu.memory_space<vmem>> -> memref<112x128xf32, #tpu.memory_space<vmem>>
      tpu.wait_dma2 semaphore(%run_scoped3A_90 : memref<!tpu.dma_semaphore, #tpu.memory_space<semaphore_mem>>) src(%dma_wait3A_117 : memref<112x128xf32, #tpu.memory_space<vmem>>) dst(%dma_wait3A_113 : memref<112x128xf32, #tpu.memory_space<hbm>>)
      tpu.yield
    }) : () -> ()
    %lt3A_85 = arith.constant 2 : i32
    %lt3A_86 = arith.cmpi slt, %arg1, %lt3A_85 : i32
    %convert_element_type3A_87 = arith.extui %lt3A_86 : i1 to i32
    %cond3A_88 = arith.constant 0 : i32
    %cond3A_89 = arith.cmpi ne, %convert_element_type3A_87, %cond3A_88 : i32
    scf.if %cond3A_89 {
      %add3A_90 = arith.constant 1248 : i32
      %add3A_91 = arith.addi %add3A_90, %arg1 : i32
      %mul3A_92 = arith.constant 8 : i32
      %mul3A_93 = arith.muli %add3A_91, %mul3A_92 : i32
      %run_scoped3A_94 = arith.constant 0 : i32
      "tpu.region"() ({
        %run_scoped3A_96 = tpu.sem_alloc : memref<!tpu.dma_semaphore, #tpu.memory_space<semaphore_mem>>
        %dma_start3A_97 = arith.constant 0 : i32
        %dma_start3A_98 = arith.constant 0 : i32
        %dma_start3A_99 = tpu.memref_slice %arg6[%run_scoped3A_94, %dma_start3A_97, %dma_start3A_98] : memref<2x128x128xf32, #tpu.memory_space<vmem>> -> memref<1x8x128xf32, #tpu.memory_space<vmem>>
        %dma_start3A_100 = tpu.memref_squeeze %dma_start3A_99 : memref<1x8x128xf32, #tpu.memory_space<vmem>> -> memref<8x128xf32, #tpu.memory_space<vmem>>
        %dma_start3A_101 = arith.constant 0 : i32
        %dma_start3A_102 = tpu.memref_slice %arg7[%mul3A_93, %dma_start3A_101] : memref<10000x128xf32, #tpu.memory_space<vmem_shared>> -> memref<8x128xf32, #tpu.memory_space<vmem_shared>>
        %dma_start3A_103 = arith.constant 0 : i32
        %dma_start3A_104 = arith.constant 0 : i32
        %dma_start3A_105 = tpu.memref_slice %arg6[%run_scoped3A_94, %dma_start3A_103, %dma_start3A_104] : memref<2x128x128xf32, #tpu.memory_space<vmem>> -> memref<1x8x128xf32, #tpu.memory_space<vmem>>
        %dma_start3A_106 = tpu.memref_squeeze %dma_start3A_105 : memref<1x8x128xf32, #tpu.memory_space<vmem>> -> memref<8x128xf32, #tpu.memory_space<vmem>>
        %dma_start3A_107 = arith.constant 0 : i32
        %dma_start3A_108 = tpu.memref_slice %arg7[%mul3A_93, %dma_start3A_107] : memref<10000x128xf32, #tpu.memory_space<vmem_shared>> -> memref<8x128xf32, #tpu.memory_space<vmem_shared>>
        tpu.enqueue_dma source(%dma_start3A_108 : memref<8x128xf32, #tpu.memory_space<vmem_shared>>) target(%dma_start3A_106 : memref<8x128xf32, #tpu.memory_space<vmem>>) target_semaphore(%run_scoped3A_96 : memref<!tpu.dma_semaphore, #tpu.memory_space<semaphore_mem>>)
        %dma_wait3A = arith.constant 0 : i32
        %dma_wait3A_109 = arith.constant 0 : i32
        %dma_wait3A_110 = tpu.memref_slice %arg6[%run_scoped3A_94, %dma_wait3A, %dma_wait3A_109] : memref<2x128x128xf32, #tpu.memory_space<vmem>> -> memref<1x8x128xf32, #tpu.memory_space<vmem>>
        %dma_wait3A_111 = tpu.memref_squeeze %dma_wait3A_110 : memref<1x8x128xf32, #tpu.memory_space<vmem>> -> memref<8x128xf32, #tpu.memory_space<vmem>>
        %dma_wait3A_112 = arith.constant 0 : i32
        %dma_wait3A_113 = tpu.memref_slice %arg7[%mul3A_93, %dma_wait3A_112] : memref<10000x128xf32, #tpu.memory_space<vmem_shared>> -> memref<8x128xf32, #tpu.memory_space<vmem_shared>>
        %dma_wait3A_114 = arith.constant 0 : i32
        %dma_wait3A_115 = arith.constant 0 : i32
        %dma_wait3A_116 = tpu.memref_slice %arg6[%run_scoped3A_94, %dma_wait3A_114, %dma_wait3A_115] : memref<2x128x128xf32, #tpu.memory_space<vmem>> -> memref<1x8x128xf32, #tpu.memory_space<vmem>>
        %dma_wait3A_117 = tpu.memref_squeeze %dma_wait3A_116 : memref<1x8x128xf32, #tpu.memory_space<vmem>> -> memref<8x128xf32, #tpu.memory_space<vmem>>
        %dma_wait3A_118 = arith.constant 0 : i32
        %dma_wait3A_119 = tpu.memref_slice %arg7[%mul3A_93, %dma_wait3A_118] : memref<10000x128xf32, #tpu.memory_space<vmem_shared>> -> memref<8x128xf32, #tpu.memory_space<vmem_shared>>
        tpu.wait_dma2 semaphore(%run_scoped3A_96 : memref<!tpu.dma_semaphore, #tpu.memory_space<semaphore_mem>>) src(%dma_wait3A_119 : memref<8x128xf32, #tpu.memory_space<vmem_shared>>) dst(%dma_wait3A_117 : memref<8x128xf32, #tpu.memory_space<vmem>>)
        tpu.yield
      }) : () -> ()
      %run_scoped3A_95 = arith.constant 0 : i32
      "tpu.region"() ({
        %run_scoped3A_96 = tpu.sem_alloc : memref<!tpu.dma_semaphore, #tpu.memory_space<semaphore_mem>>
        %dma_start3A_97 = arith.constant 0 : i32
        %dma_start3A_98 = arith.constant 0 : i32
        %dma_start3A_99 = tpu.memref_slice %arg6[%run_scoped3A_95, %dma_start3A_97, %dma_start3A_98] : memref<2x128x128xf32, #tpu.memory_space<vmem>> -> memref<1x8x128xf32, #tpu.memory_space<vmem>>
        %dma_start3A_100 = tpu.memref_squeeze %dma_start3A_99 : memref<1x8x128xf32, #tpu.memory_space<vmem>> -> memref<8x128xf32, #tpu.memory_space<vmem>>
        %dma_start3A_101 = arith.constant 0 : i32
        %dma_start3A_102 = tpu.memref_slice %arg4[%arg0, %mul3A_93, %dma_start3A_101] : memref<2x10000x128xf32, #tpu.memory_space<hbm>> -> memref<1x8x128xf32, #tpu.memory_space<hbm>>
        %dma_start3A_103 = tpu.memref_squeeze %dma_start3A_102 : memref<1x8x128xf32, #tpu.memory_space<hbm>> -> memref<8x128xf32, #tpu.memory_space<hbm>>
        %dma_start3A_104 = arith.constant 0 : i32
        %dma_start3A_105 = tpu.memref_slice %arg4[%arg0, %mul3A_93, %dma_start3A_104] : memref<2x10000x128xf32, #tpu.memory_space<hbm>> -> memref<1x8x128xf32, #tpu.memory_space<hbm>>
        %dma_start3A_106 = tpu.memref_squeeze %dma_start3A_105 : memref<1x8x128xf32, #tpu.memory_space<hbm>> -> memref<8x128xf32, #tpu.memory_space<hbm>>
        %dma_start3A_107 = arith.constant 0 : i32
        %dma_start3A_108 = arith.constant 0 : i32
        %dma_start3A_109 = tpu.memref_slice %arg6[%run_scoped3A_95, %dma_start3A_107, %dma_start3A_108] : memref<2x128x128xf32, #tpu.memory_space<vmem>> -> memref<1x8x128xf32, #tpu.memory_space<vmem>>
        %dma_start3A_110 = tpu.memref_squeeze %dma_start3A_109 : memref<1x8x128xf32, #tpu.memory_space<vmem>> -> memref<8x128xf32, #tpu.memory_space<vmem>>
        tpu.enqueue_dma source(%dma_start3A_110 : memref<8x128xf32, #tpu.memory_space<vmem>>) target(%dma_start3A_106 : memref<8x128xf32, #tpu.memory_space<hbm>>) target_semaphore(%run_scoped3A_96 : memref<!tpu.dma_semaphore, #tpu.memory_space<semaphore_mem>>)
        %dma_wait3A = arith.constant 0 : i32
        %dma_wait3A_111 = arith.constant 0 : i32
        %dma_wait3A_112 = tpu.memref_slice %arg6[%run_scoped3A_95, %dma_wait3A, %dma_wait3A_111] : memref<2x128x128xf32, #tpu.memory_space<vmem>> -> memref<1x8x128xf32, #tpu.memory_space<vmem>>
        %dma_wait3A_113 = tpu.memref_squeeze %dma_wait3A_112 : memref<1x8x128xf32, #tpu.memory_space<vmem>> -> memref<8x128xf32, #tpu.memory_space<vmem>>
        %dma_wait3A_114 = arith.constant 0 : i32
        %dma_wait3A_115 = tpu.memref_slice %arg4[%arg0, %mul3A_93, %dma_wait3A_114] : memref<2x10000x128xf32, #tpu.memory_space<hbm>> -> memref<1x8x128xf32, #tpu.memory_space<hbm>>
        %dma_wait3A_116 = tpu.memref_squeeze %dma_wait3A_115 : memref<1x8x128xf32, #tpu.memory_space<hbm>> -> memref<8x128xf32, #tpu.memory_space<hbm>>
        %dma_wait3A_117 = arith.constant 0 : i32
        %dma_wait3A_118 = tpu.memref_slice %arg4[%arg0, %mul3A_93, %dma_wait3A_117] : memref<2x10000x128xf32, #tpu.memory_space<hbm>> -> memref<1x8x128xf32, #tpu.memory_space<hbm>>
        %dma_wait3A_119 = tpu.memref_squeeze %dma_wait3A_118 : memref<1x8x128xf32, #tpu.memory_space<hbm>> -> memref<8x128xf32, #tpu.memory_space<hbm>>
        %dma_wait3A_120 = arith.constant 0 : i32
        %dma_wait3A_121 = arith.constant 0 : i32
        %dma_wait3A_122 = tpu.memref_slice %arg6[%run_scoped3A_95, %dma_wait3A_120, %dma_wait3A_121] : memref<2x128x128xf32, #tpu.memory_space<vmem>> -> memref<1x8x128xf32, #tpu.memory_space<vmem>>
        %dma_wait3A_123 = tpu.memref_squeeze %dma_wait3A_122 : memref<1x8x128xf32, #tpu.memory_space<vmem>> -> memref<8x128xf32, #tpu.memory_space<vmem>>
        tpu.wait_dma2 semaphore(%run_scoped3A_96 : memref<!tpu.dma_semaphore, #tpu.memory_space<semaphore_mem>>) src(%dma_wait3A_123 : memref<8x128xf32, #tpu.memory_space<vmem>>) dst(%dma_wait3A_119 : memref<8x128xf32, #tpu.memory_space<hbm>>)
        tpu.yield
      }) : () -> ()
    } else {
    }
    return
  }
}

#map = affine_map<(d0, d1) -> (0, 0)>
#map1 = affine_map<(d0, d1) -> (0, 0, 0)>
module attributes {stable_mosaic.version = 14 : i64} {
  func.func @_gather(%arg0: i32, %arg1: i32, %arg2: memref<10000x128xf32, #tpu.memory_space<hbm>>, %arg3: memref<2500x1x128xi32, #tpu.memory_space<hbm>>, %arg4: memref<320000x128xbf16, #tpu.memory_space<hbm>>, %arg5: memref<320000x128xf32, #tpu.memory_space<hbm>>, %arg6: memref<78x1x128xi32, #tpu.memory_space<vmem>>, %arg7: memref<2x128x128xf32, #tpu.memory_space<vmem>>, %arg8: memref<10000x128xf32, #tpu.memory_space<vmem_shared>>, %arg9: memref<!tpu.dma_semaphore, #tpu.memory_space<semaphore_mem>>, %arg10: memref<!tpu.dma_semaphore, #tpu.memory_space<semaphore_mem>>) attributes {dimension_semantics = [#tpu.dimension_semantics<core_parallel>, #tpu.dimension_semantics<subcore_parallel>], iteration_bounds = array<i64: 2, 16>, scalar_prefetch = 0 : i64, scratch_operands = 5 : i64, tpu.core_type = #tpu.core_type<sc_vector_subcore>, window_params = [{transform_indices = #map}, {transform_indices = #map1}, {transform_indices = #map}, {transform_indices = #map}]} {
    %mul3A = arith.constant 2 : i32
    %mul3A_0 = arith.muli %arg1, %mul3A : i32
    %add3A = arith.addi %mul3A_0, %arg0 : i32
    %mul3A_1 = arith.constant 78 : i32
    %mul3A_2 = arith.muli %arg1, %mul3A_1 : i32
    %mul3A_3 = arith.constant 8 : i32
    %mul3A_4 = arith.muli %mul3A_2, %mul3A_3 : i32
    %add3A_5 = arith.constant 0 : i32
    %add3A_6 = arith.addi %mul3A_4, %add3A_5 : i32
    %run_scoped3A = arith.constant 0 : i32
    "tpu.region"() ({
      %run_scoped3A_60 = tpu.sem_alloc : memref<!tpu.dma_semaphore, #tpu.memory_space<semaphore_mem>>
      %dma_start3A_61 = arith.constant 0 : i32
      %dma_start3A_62 = arith.constant 0 : i32
      %dma_start3A_63 = tpu.memref_slice %arg7[%run_scoped3A, %dma_start3A_61, %dma_start3A_62] : memref<2x128x128xf32, #tpu.memory_space<vmem>> -> memref<1x128x128xf32, #tpu.memory_space<vmem>>
      %dma_start3A_64 = tpu.memref_squeeze %dma_start3A_63 : memref<1x128x128xf32, #tpu.memory_space<vmem>> -> memref<128x128xf32, #tpu.memory_space<vmem>>
      %dma_start3A_65 = arith.constant 0 : i32
      %dma_start3A_66 = tpu.memref_slice %arg2[%add3A_6, %dma_start3A_65] : memref<10000x128xf32, #tpu.memory_space<hbm>> -> memref<128x128xf32, #tpu.memory_space<hbm>>
      %dma_start3A_67 = arith.constant 0 : i32
      %dma_start3A_68 = arith.constant 0 : i32
      %dma_start3A_69 = tpu.memref_slice %arg7[%run_scoped3A, %dma_start3A_67, %dma_start3A_68] : memref<2x128x128xf32, #tpu.memory_space<vmem>> -> memref<1x128x128xf32, #tpu.memory_space<vmem>>
      %dma_start3A_70 = tpu.memref_squeeze %dma_start3A_69 : memref<1x128x128xf32, #tpu.memory_space<vmem>> -> memref<128x128xf32, #tpu.memory_space<vmem>>
      %dma_start3A_71 = arith.constant 0 : i32
      %dma_start3A_72 = tpu.memref_slice %arg2[%add3A_6, %dma_start3A_71] : memref<10000x128xf32, #tpu.memory_space<hbm>> -> memref<128x128xf32, #tpu.memory_space<hbm>>
      tpu.enqueue_dma source(%dma_start3A_72 : memref<128x128xf32, #tpu.memory_space<hbm>>) target(%dma_start3A_70 : memref<128x128xf32, #tpu.memory_space<vmem>>) target_semaphore(%run_scoped3A_60 : memref<!tpu.dma_semaphore, #tpu.memory_space<semaphore_mem>>)
      %dma_wait3A = arith.constant 0 : i32
      %dma_wait3A_73 = arith.constant 0 : i32
      %dma_wait3A_74 = tpu.memref_slice %arg7[%run_scoped3A, %dma_wait3A, %dma_wait3A_73] : memref<2x128x128xf32, #tpu.memory_space<vmem>> -> memref<1x128x128xf32, #tpu.memory_space<vmem>>
      %dma_wait3A_75 = tpu.memref_squeeze %dma_wait3A_74 : memref<1x128x128xf32, #tpu.memory_space<vmem>> -> memref<128x128xf32, #tpu.memory_space<vmem>>
      %dma_wait3A_76 = arith.constant 0 : i32
      %dma_wait3A_77 = tpu.memref_slice %arg2[%add3A_6, %dma_wait3A_76] : memref<10000x128xf32, #tpu.memory_space<hbm>> -> memref<128x128xf32, #tpu.memory_space<hbm>>
      %dma_wait3A_78 = arith.constant 0 : i32
      %dma_wait3A_79 = arith.constant 0 : i32
      %dma_wait3A_80 = tpu.memref_slice %arg7[%run_scoped3A, %dma_wait3A_78, %dma_wait3A_79] : memref<2x128x128xf32, #tpu.memory_space<vmem>> -> memref<1x128x128xf32, #tpu.memory_space<vmem>>
      %dma_wait3A_81 = tpu.memref_squeeze %dma_wait3A_80 : memref<1x128x128xf32, #tpu.memory_space<vmem>> -> memref<128x128xf32, #tpu.memory_space<vmem>>
      %dma_wait3A_82 = arith.constant 0 : i32
      %dma_wait3A_83 = tpu.memref_slice %arg2[%add3A_6, %dma_wait3A_82] : memref<10000x128xf32, #tpu.memory_space<hbm>> -> memref<128x128xf32, #tpu.memory_space<hbm>>
      tpu.wait_dma2 semaphore(%run_scoped3A_60 : memref<!tpu.dma_semaphore, #tpu.memory_space<semaphore_mem>>) src(%dma_wait3A_83 : memref<128x128xf32, #tpu.memory_space<hbm>>) dst(%dma_wait3A_81 : memref<128x128xf32, #tpu.memory_space<vmem>>)
      tpu.yield
    }) : () -> ()
    %add3A_7 = arith.constant 0 : i32
    %add3A_8 = arith.addi %mul3A_4, %add3A_7 : i32
    %run_scoped3A_9 = arith.constant 0 : i32
    "tpu.region"() ({
      %run_scoped3A_60 = tpu.sem_alloc : memref<!tpu.dma_semaphore, #tpu.memory_space<semaphore_mem>>
      %dma_start3A_61 = arith.constant 0 : i32
      %dma_start3A_62 = arith.constant 0 : i32
      %dma_start3A_63 = tpu.memref_slice %arg7[%run_scoped3A_9, %dma_start3A_61, %dma_start3A_62] : memref<2x128x128xf32, #tpu.memory_space<vmem>> -> memref<1x128x128xf32, #tpu.memory_space<vmem>>
      %dma_start3A_64 = tpu.memref_squeeze %dma_start3A_63 : memref<1x128x128xf32, #tpu.memory_space<vmem>> -> memref<128x128xf32, #tpu.memory_space<vmem>>
      %dma_start3A_65 = arith.constant 0 : i32
      %dma_start3A_66 = tpu.memref_slice %arg8[%add3A_8, %dma_start3A_65] : memref<10000x128xf32, #tpu.memory_space<vmem_shared>> -> memref<128x128xf32, #tpu.memory_space<vmem_shared>>
      %dma_start3A_67 = arith.constant 0 : i32
      %dma_start3A_68 = tpu.memref_slice %arg8[%add3A_8, %dma_start3A_67] : memref<10000x128xf32, #tpu.memory_space<vmem_shared>> -> memref<128x128xf32, #tpu.memory_space<vmem_shared>>
      %dma_start3A_69 = arith.constant 0 : i32
      %dma_start3A_70 = arith.constant 0 : i32
      %dma_start3A_71 = tpu.memref_slice %arg7[%run_scoped3A_9, %dma_start3A_69, %dma_start3A_70] : memref<2x128x128xf32, #tpu.memory_space<vmem>> -> memref<1x128x128xf32, #tpu.memory_space<vmem>>
      %dma_start3A_72 = tpu.memref_squeeze %dma_start3A_71 : memref<1x128x128xf32, #tpu.memory_space<vmem>> -> memref<128x128xf32, #tpu.memory_space<vmem>>
      tpu.enqueue_dma source(%dma_start3A_72 : memref<128x128xf32, #tpu.memory_space<vmem>>) target(%dma_start3A_68 : memref<128x128xf32, #tpu.memory_space<vmem_shared>>) target_semaphore(%run_scoped3A_60 : memref<!tpu.dma_semaphore, #tpu.memory_space<semaphore_mem>>)
      %dma_wait3A = arith.constant 0 : i32
      %dma_wait3A_73 = arith.constant 0 : i32
      %dma_wait3A_74 = tpu.memref_slice %arg7[%run_scoped3A_9, %dma_wait3A, %dma_wait3A_73] : memref<2x128x128xf32, #tpu.memory_space<vmem>> -> memref<1x128x128xf32, #tpu.memory_space<vmem>>
      %dma_wait3A_75 = tpu.memref_squeeze %dma_wait3A_74 : memref<1x128x128xf32, #tpu.memory_space<vmem>> -> memref<128x128xf32, #tpu.memory_space<vmem>>
      %dma_wait3A_76 = arith.constant 0 : i32
      %dma_wait3A_77 = tpu.memref_slice %arg8[%add3A_8, %dma_wait3A_76] : memref<10000x128xf32, #tpu.memory_space<vmem_shared>> -> memref<128x128xf32, #tpu.memory_space<vmem_shared>>
      %dma_wait3A_78 = arith.constant 0 : i32
      %dma_wait3A_79 = tpu.memref_slice %arg8[%add3A_8, %dma_wait3A_78] : memref<10000x128xf32, #tpu.memory_space<vmem_shared>> -> memref<128x128xf32, #tpu.memory_space<vmem_shared>>
      %dma_wait3A_80 = arith.constant 0 : i32
      %dma_wait3A_81 = arith.constant 0 : i32
      %dma_wait3A_82 = tpu.memref_slice %arg7[%run_scoped3A_9, %dma_wait3A_80, %dma_wait3A_81] : memref<2x128x128xf32, #tpu.memory_space<vmem>> -> memref<1x128x128xf32, #tpu.memory_space<vmem>>
      %dma_wait3A_83 = tpu.memref_squeeze %dma_wait3A_82 : memref<1x128x128xf32, #tpu.memory_space<vmem>> -> memref<128x128xf32, #tpu.memory_space<vmem>>
      tpu.wait_dma2 semaphore(%run_scoped3A_60 : memref<!tpu.dma_semaphore, #tpu.memory_space<semaphore_mem>>) src(%dma_wait3A_83 : memref<128x128xf32, #tpu.memory_space<vmem>>) dst(%dma_wait3A_79 : memref<128x128xf32, #tpu.memory_space<vmem_shared>>)
      tpu.yield
    }) : () -> ()
    %add3A_10 = arith.constant 128 : i32
    %add3A_11 = arith.addi %mul3A_4, %add3A_10 : i32
    %run_scoped3A_12 = arith.constant 0 : i32
    "tpu.region"() ({
      %run_scoped3A_60 = tpu.sem_alloc : memref<!tpu.dma_semaphore, #tpu.memory_space<semaphore_mem>>
      %dma_start3A_61 = arith.constant 0 : i32
      %dma_start3A_62 = arith.constant 0 : i32
      %dma_start3A_63 = tpu.memref_slice %arg7[%run_scoped3A_12, %dma_start3A_61, %dma_start3A_62] : memref<2x128x128xf32, #tpu.memory_space<vmem>> -> memref<1x128x128xf32, #tpu.memory_space<vmem>>
      %dma_start3A_64 = tpu.memref_squeeze %dma_start3A_63 : memref<1x128x128xf32, #tpu.memory_space<vmem>> -> memref<128x128xf32, #tpu.memory_space<vmem>>
      %dma_start3A_65 = arith.constant 0 : i32
      %dma_start3A_66 = tpu.memref_slice %arg2[%add3A_11, %dma_start3A_65] : memref<10000x128xf32, #tpu.memory_space<hbm>> -> memref<128x128xf32, #tpu.memory_space<hbm>>
      %dma_start3A_67 = arith.constant 0 : i32
      %dma_start3A_68 = arith.constant 0 : i32
      %dma_start3A_69 = tpu.memref_slice %arg7[%run_scoped3A_12, %dma_start3A_67, %dma_start3A_68] : memref<2x128x128xf32, #tpu.memory_space<vmem>> -> memref<1x128x128xf32, #tpu.memory_space<vmem>>
      %dma_start3A_70 = tpu.memref_squeeze %dma_start3A_69 : memref<1x128x128xf32, #tpu.memory_space<vmem>> -> memref<128x128xf32, #tpu.memory_space<vmem>>
      %dma_start3A_71 = arith.constant 0 : i32
      %dma_start3A_72 = tpu.memref_slice %arg2[%add3A_11, %dma_start3A_71] : memref<10000x128xf32, #tpu.memory_space<hbm>> -> memref<128x128xf32, #tpu.memory_space<hbm>>
      tpu.enqueue_dma source(%dma_start3A_72 : memref<128x128xf32, #tpu.memory_space<hbm>>) target(%dma_start3A_70 : memref<128x128xf32, #tpu.memory_space<vmem>>) target_semaphore(%run_scoped3A_60 : memref<!tpu.dma_semaphore, #tpu.memory_space<semaphore_mem>>)
      %dma_wait3A = arith.constant 0 : i32
      %dma_wait3A_73 = arith.constant 0 : i32
      %dma_wait3A_74 = tpu.memref_slice %arg7[%run_scoped3A_12, %dma_wait3A, %dma_wait3A_73] : memref<2x128x128xf32, #tpu.memory_space<vmem>> -> memref<1x128x128xf32, #tpu.memory_space<vmem>>
      %dma_wait3A_75 = tpu.memref_squeeze %dma_wait3A_74 : memref<1x128x128xf32, #tpu.memory_space<vmem>> -> memref<128x128xf32, #tpu.memory_space<vmem>>
      %dma_wait3A_76 = arith.constant 0 : i32
      %dma_wait3A_77 = tpu.memref_slice %arg2[%add3A_11, %dma_wait3A_76] : memref<10000x128xf32, #tpu.memory_space<hbm>> -> memref<128x128xf32, #tpu.memory_space<hbm>>
      %dma_wait3A_78 = arith.constant 0 : i32
      %dma_wait3A_79 = arith.constant 0 : i32
      %dma_wait3A_80 = tpu.memref_slice %arg7[%run_scoped3A_12, %dma_wait3A_78, %dma_wait3A_79] : memref<2x128x128xf32, #tpu.memory_space<vmem>> -> memref<1x128x128xf32, #tpu.memory_space<vmem>>
      %dma_wait3A_81 = tpu.memref_squeeze %dma_wait3A_80 : memref<1x128x128xf32, #tpu.memory_space<vmem>> -> memref<128x128xf32, #tpu.memory_space<vmem>>
      %dma_wait3A_82 = arith.constant 0 : i32
      %dma_wait3A_83 = tpu.memref_slice %arg2[%add3A_11, %dma_wait3A_82] : memref<10000x128xf32, #tpu.memory_space<hbm>> -> memref<128x128xf32, #tpu.memory_space<hbm>>
      tpu.wait_dma2 semaphore(%run_scoped3A_60 : memref<!tpu.dma_semaphore, #tpu.memory_space<semaphore_mem>>) src(%dma_wait3A_83 : memref<128x128xf32, #tpu.memory_space<hbm>>) dst(%dma_wait3A_81 : memref<128x128xf32, #tpu.memory_space<vmem>>)
      tpu.yield
    }) : () -> ()
    %add3A_13 = arith.constant 128 : i32
    %add3A_14 = arith.addi %mul3A_4, %add3A_13 : i32
    %run_scoped3A_15 = arith.constant 0 : i32
    "tpu.region"() ({
      %run_scoped3A_60 = tpu.sem_alloc : memref<!tpu.dma_semaphore, #tpu.memory_space<semaphore_mem>>
      %dma_start3A_61 = arith.constant 0 : i32
      %dma_start3A_62 = arith.constant 0 : i32
      %dma_start3A_63 = tpu.memref_slice %arg7[%run_scoped3A_15, %dma_start3A_61, %dma_start3A_62] : memref<2x128x128xf32, #tpu.memory_space<vmem>> -> memref<1x128x128xf32, #tpu.memory_space<vmem>>
      %dma_start3A_64 = tpu.memref_squeeze %dma_start3A_63 : memref<1x128x128xf32, #tpu.memory_space<vmem>> -> memref<128x128xf32, #tpu.memory_space<vmem>>
      %dma_start3A_65 = arith.constant 0 : i32
      %dma_start3A_66 = tpu.memref_slice %arg8[%add3A_14, %dma_start3A_65] : memref<10000x128xf32, #tpu.memory_space<vmem_shared>> -> memref<128x128xf32, #tpu.memory_space<vmem_shared>>
      %dma_start3A_67 = arith.constant 0 : i32
      %dma_start3A_68 = tpu.memref_slice %arg8[%add3A_14, %dma_start3A_67] : memref<10000x128xf32, #tpu.memory_space<vmem_shared>> -> memref<128x128xf32, #tpu.memory_space<vmem_shared>>
      %dma_start3A_69 = arith.constant 0 : i32
      %dma_start3A_70 = arith.constant 0 : i32
      %dma_start3A_71 = tpu.memref_slice %arg7[%run_scoped3A_15, %dma_start3A_69, %dma_start3A_70] : memref<2x128x128xf32, #tpu.memory_space<vmem>> -> memref<1x128x128xf32, #tpu.memory_space<vmem>>
      %dma_start3A_72 = tpu.memref_squeeze %dma_start3A_71 : memref<1x128x128xf32, #tpu.memory_space<vmem>> -> memref<128x128xf32, #tpu.memory_space<vmem>>
      tpu.enqueue_dma source(%dma_start3A_72 : memref<128x128xf32, #tpu.memory_space<vmem>>) target(%dma_start3A_68 : memref<128x128xf32, #tpu.memory_space<vmem_shared>>) target_semaphore(%run_scoped3A_60 : memref<!tpu.dma_semaphore, #tpu.memory_space<semaphore_mem>>)
      %dma_wait3A = arith.constant 0 : i32
      %dma_wait3A_73 = arith.constant 0 : i32
      %dma_wait3A_74 = tpu.memref_slice %arg7[%run_scoped3A_15, %dma_wait3A, %dma_wait3A_73] : memref<2x128x128xf32, #tpu.memory_space<vmem>> -> memref<1x128x128xf32, #tpu.memory_space<vmem>>
      %dma_wait3A_75 = tpu.memref_squeeze %dma_wait3A_74 : memref<1x128x128xf32, #tpu.memory_space<vmem>> -> memref<128x128xf32, #tpu.memory_space<vmem>>
      %dma_wait3A_76 = arith.constant 0 : i32
      %dma_wait3A_77 = tpu.memref_slice %arg8[%add3A_14, %dma_wait3A_76] : memref<10000x128xf32, #tpu.memory_space<vmem_shared>> -> memref<128x128xf32, #tpu.memory_space<vmem_shared>>
      %dma_wait3A_78 = arith.constant 0 : i32
      %dma_wait3A_79 = tpu.memref_slice %arg8[%add3A_14, %dma_wait3A_78] : memref<10000x128xf32, #tpu.memory_space<vmem_shared>> -> memref<128x128xf32, #tpu.memory_space<vmem_shared>>
      %dma_wait3A_80 = arith.constant 0 : i32
      %dma_wait3A_81 = arith.constant 0 : i32
      %dma_wait3A_82 = tpu.memref_slice %arg7[%run_scoped3A_15, %dma_wait3A_80, %dma_wait3A_81] : memref<2x128x128xf32, #tpu.memory_space<vmem>> -> memref<1x128x128xf32, #tpu.memory_space<vmem>>
      %dma_wait3A_83 = tpu.memref_squeeze %dma_wait3A_82 : memref<1x128x128xf32, #tpu.memory_space<vmem>> -> memref<128x128xf32, #tpu.memory_space<vmem>>
      tpu.wait_dma2 semaphore(%run_scoped3A_60 : memref<!tpu.dma_semaphore, #tpu.memory_space<semaphore_mem>>) src(%dma_wait3A_83 : memref<128x128xf32, #tpu.memory_space<vmem>>) dst(%dma_wait3A_79 : memref<128x128xf32, #tpu.memory_space<vmem_shared>>)
      tpu.yield
    }) : () -> ()
    %add3A_16 = arith.constant 256 : i32
    %add3A_17 = arith.addi %mul3A_4, %add3A_16 : i32
    %run_scoped3A_18 = arith.constant 0 : i32
    "tpu.region"() ({
      %run_scoped3A_60 = tpu.sem_alloc : memref<!tpu.dma_semaphore, #tpu.memory_space<semaphore_mem>>
      %dma_start3A_61 = arith.constant 0 : i32
      %dma_start3A_62 = arith.constant 0 : i32
      %dma_start3A_63 = tpu.memref_slice %arg7[%run_scoped3A_18, %dma_start3A_61, %dma_start3A_62] : memref<2x128x128xf32, #tpu.memory_space<vmem>> -> memref<1x128x128xf32, #tpu.memory_space<vmem>>
      %dma_start3A_64 = tpu.memref_squeeze %dma_start3A_63 : memref<1x128x128xf32, #tpu.memory_space<vmem>> -> memref<128x128xf32, #tpu.memory_space<vmem>>
      %dma_start3A_65 = arith.constant 0 : i32
      %dma_start3A_66 = tpu.memref_slice %arg2[%add3A_17, %dma_start3A_65] : memref<10000x128xf32, #tpu.memory_space<hbm>> -> memref<128x128xf32, #tpu.memory_space<hbm>>
      %dma_start3A_67 = arith.constant 0 : i32
      %dma_start3A_68 = arith.constant 0 : i32
      %dma_start3A_69 = tpu.memref_slice %arg7[%run_scoped3A_18, %dma_start3A_67, %dma_start3A_68] : memref<2x128x128xf32, #tpu.memory_space<vmem>> -> memref<1x128x128xf32, #tpu.memory_space<vmem>>
      %dma_start3A_70 = tpu.memref_squeeze %dma_start3A_69 : memref<1x128x128xf32, #tpu.memory_space<vmem>> -> memref<128x128xf32, #tpu.memory_space<vmem>>
      %dma_start3A_71 = arith.constant 0 : i32
      %dma_start3A_72 = tpu.memref_slice %arg2[%add3A_17, %dma_start3A_71] : memref<10000x128xf32, #tpu.memory_space<hbm>> -> memref<128x128xf32, #tpu.memory_space<hbm>>
      tpu.enqueue_dma source(%dma_start3A_72 : memref<128x128xf32, #tpu.memory_space<hbm>>) target(%dma_start3A_70 : memref<128x128xf32, #tpu.memory_space<vmem>>) target_semaphore(%run_scoped3A_60 : memref<!tpu.dma_semaphore, #tpu.memory_space<semaphore_mem>>)
      %dma_wait3A = arith.constant 0 : i32
      %dma_wait3A_73 = arith.constant 0 : i32
      %dma_wait3A_74 = tpu.memref_slice %arg7[%run_scoped3A_18, %dma_wait3A, %dma_wait3A_73] : memref<2x128x128xf32, #tpu.memory_space<vmem>> -> memref<1x128x128xf32, #tpu.memory_space<vmem>>
      %dma_wait3A_75 = tpu.memref_squeeze %dma_wait3A_74 : memref<1x128x128xf32, #tpu.memory_space<vmem>> -> memref<128x128xf32, #tpu.memory_space<vmem>>
      %dma_wait3A_76 = arith.constant 0 : i32
      %dma_wait3A_77 = tpu.memref_slice %arg2[%add3A_17, %dma_wait3A_76] : memref<10000x128xf32, #tpu.memory_space<hbm>> -> memref<128x128xf32, #tpu.memory_space<hbm>>
      %dma_wait3A_78 = arith.constant 0 : i32
      %dma_wait3A_79 = arith.constant 0 : i32
      %dma_wait3A_80 = tpu.memref_slice %arg7[%run_scoped3A_18, %dma_wait3A_78, %dma_wait3A_79] : memref<2x128x128xf32, #tpu.memory_space<vmem>> -> memref<1x128x128xf32, #tpu.memory_space<vmem>>
      %dma_wait3A_81 = tpu.memref_squeeze %dma_wait3A_80 : memref<1x128x128xf32, #tpu.memory_space<vmem>> -> memref<128x128xf32, #tpu.memory_space<vmem>>
      %dma_wait3A_82 = arith.constant 0 : i32
      %dma_wait3A_83 = tpu.memref_slice %arg2[%add3A_17, %dma_wait3A_82] : memref<10000x128xf32, #tpu.memory_space<hbm>> -> memref<128x128xf32, #tpu.memory_space<hbm>>
      tpu.wait_dma2 semaphore(%run_scoped3A_60 : memref<!tpu.dma_semaphore, #tpu.memory_space<semaphore_mem>>) src(%dma_wait3A_83 : memref<128x128xf32, #tpu.memory_space<hbm>>) dst(%dma_wait3A_81 : memref<128x128xf32, #tpu.memory_space<vmem>>)
      tpu.yield
    }) : () -> ()
    %add3A_19 = arith.constant 256 : i32
    %add3A_20 = arith.addi %mul3A_4, %add3A_19 : i32
    %run_scoped3A_21 = arith.constant 0 : i32
    "tpu.region"() ({
      %run_scoped3A_60 = tpu.sem_alloc : memref<!tpu.dma_semaphore, #tpu.memory_space<semaphore_mem>>
      %dma_start3A_61 = arith.constant 0 : i32
      %dma_start3A_62 = arith.constant 0 : i32
      %dma_start3A_63 = tpu.memref_slice %arg7[%run_scoped3A_21, %dma_start3A_61, %dma_start3A_62] : memref<2x128x128xf32, #tpu.memory_space<vmem>> -> memref<1x128x128xf32, #tpu.memory_space<vmem>>
      %dma_start3A_64 = tpu.memref_squeeze %dma_start3A_63 : memref<1x128x128xf32, #tpu.memory_space<vmem>> -> memref<128x128xf32, #tpu.memory_space<vmem>>
      %dma_start3A_65 = arith.constant 0 : i32
      %dma_start3A_66 = tpu.memref_slice %arg8[%add3A_20, %dma_start3A_65] : memref<10000x128xf32, #tpu.memory_space<vmem_shared>> -> memref<128x128xf32, #tpu.memory_space<vmem_shared>>
      %dma_start3A_67 = arith.constant 0 : i32
      %dma_start3A_68 = tpu.memref_slice %arg8[%add3A_20, %dma_start3A_67] : memref<10000x128xf32, #tpu.memory_space<vmem_shared>> -> memref<128x128xf32, #tpu.memory_space<vmem_shared>>
      %dma_start3A_69 = arith.constant 0 : i32
      %dma_start3A_70 = arith.constant 0 : i32
      %dma_start3A_71 = tpu.memref_slice %arg7[%run_scoped3A_21, %dma_start3A_69, %dma_start3A_70] : memref<2x128x128xf32, #tpu.memory_space<vmem>> -> memref<1x128x128xf32, #tpu.memory_space<vmem>>
      %dma_start3A_72 = tpu.memref_squeeze %dma_start3A_71 : memref<1x128x128xf32, #tpu.memory_space<vmem>> -> memref<128x128xf32, #tpu.memory_space<vmem>>
      tpu.enqueue_dma source(%dma_start3A_72 : memref<128x128xf32, #tpu.memory_space<vmem>>) target(%dma_start3A_68 : memref<128x128xf32, #tpu.memory_space<vmem_shared>>) target_semaphore(%run_scoped3A_60 : memref<!tpu.dma_semaphore, #tpu.memory_space<semaphore_mem>>)
      %dma_wait3A = arith.constant 0 : i32
      %dma_wait3A_73 = arith.constant 0 : i32
      %dma_wait3A_74 = tpu.memref_slice %arg7[%run_scoped3A_21, %dma_wait3A, %dma_wait3A_73] : memref<2x128x128xf32, #tpu.memory_space<vmem>> -> memref<1x128x128xf32, #tpu.memory_space<vmem>>
      %dma_wait3A_75 = tpu.memref_squeeze %dma_wait3A_74 : memref<1x128x128xf32, #tpu.memory_space<vmem>> -> memref<128x128xf32, #tpu.memory_space<vmem>>
      %dma_wait3A_76 = arith.constant 0 : i32
      %dma_wait3A_77 = tpu.memref_slice %arg8[%add3A_20, %dma_wait3A_76] : memref<10000x128xf32, #tpu.memory_space<vmem_shared>> -> memref<128x128xf32, #tpu.memory_space<vmem_shared>>
      %dma_wait3A_78 = arith.constant 0 : i32
      %dma_wait3A_79 = tpu.memref_slice %arg8[%add3A_20, %dma_wait3A_78] : memref<10000x128xf32, #tpu.memory_space<vmem_shared>> -> memref<128x128xf32, #tpu.memory_space<vmem_shared>>
      %dma_wait3A_80 = arith.constant 0 : i32
      %dma_wait3A_81 = arith.constant 0 : i32
      %dma_wait3A_82 = tpu.memref_slice %arg7[%run_scoped3A_21, %dma_wait3A_80, %dma_wait3A_81] : memref<2x128x128xf32, #tpu.memory_space<vmem>> -> memref<1x128x128xf32, #tpu.memory_space<vmem>>
      %dma_wait3A_83 = tpu.memref_squeeze %dma_wait3A_82 : memref<1x128x128xf32, #tpu.memory_space<vmem>> -> memref<128x128xf32, #tpu.memory_space<vmem>>
      tpu.wait_dma2 semaphore(%run_scoped3A_60 : memref<!tpu.dma_semaphore, #tpu.memory_space<semaphore_mem>>) src(%dma_wait3A_83 : memref<128x128xf32, #tpu.memory_space<vmem>>) dst(%dma_wait3A_79 : memref<128x128xf32, #tpu.memory_space<vmem_shared>>)
      tpu.yield
    }) : () -> ()
    %add3A_22 = arith.constant 384 : i32
    %add3A_23 = arith.addi %mul3A_4, %add3A_22 : i32
    %run_scoped3A_24 = arith.constant 0 : i32
    "tpu.region"() ({
      %run_scoped3A_60 = tpu.sem_alloc : memref<!tpu.dma_semaphore, #tpu.memory_space<semaphore_mem>>
      %dma_start3A_61 = arith.constant 0 : i32
      %dma_start3A_62 = arith.constant 0 : i32
      %dma_start3A_63 = tpu.memref_slice %arg7[%run_scoped3A_24, %dma_start3A_61, %dma_start3A_62] : memref<2x128x128xf32, #tpu.memory_space<vmem>> -> memref<1x128x128xf32, #tpu.memory_space<vmem>>
      %dma_start3A_64 = tpu.memref_squeeze %dma_start3A_63 : memref<1x128x128xf32, #tpu.memory_space<vmem>> -> memref<128x128xf32, #tpu.memory_space<vmem>>
      %dma_start3A_65 = arith.constant 0 : i32
      %dma_start3A_66 = tpu.memref_slice %arg2[%add3A_23, %dma_start3A_65] : memref<10000x128xf32, #tpu.memory_space<hbm>> -> memref<128x128xf32, #tpu.memory_space<hbm>>
      %dma_start3A_67 = arith.constant 0 : i32
      %dma_start3A_68 = arith.constant 0 : i32
      %dma_start3A_69 = tpu.memref_slice %arg7[%run_scoped3A_24, %dma_start3A_67, %dma_start3A_68] : memref<2x128x128xf32, #tpu.memory_space<vmem>> -> memref<1x128x128xf32, #tpu.memory_space<vmem>>
      %dma_start3A_70 = tpu.memref_squeeze %dma_start3A_69 : memref<1x128x128xf32, #tpu.memory_space<vmem>> -> memref<128x128xf32, #tpu.memory_space<vmem>>
      %dma_start3A_71 = arith.constant 0 : i32
      %dma_start3A_72 = tpu.memref_slice %arg2[%add3A_23, %dma_start3A_71] : memref<10000x128xf32, #tpu.memory_space<hbm>> -> memref<128x128xf32, #tpu.memory_space<hbm>>
      tpu.enqueue_dma source(%dma_start3A_72 : memref<128x128xf32, #tpu.memory_space<hbm>>) target(%dma_start3A_70 : memref<128x128xf32, #tpu.memory_space<vmem>>) target_semaphore(%run_scoped3A_60 : memref<!tpu.dma_semaphore, #tpu.memory_space<semaphore_mem>>)
      %dma_wait3A = arith.constant 0 : i32
      %dma_wait3A_73 = arith.constant 0 : i32
      %dma_wait3A_74 = tpu.memref_slice %arg7[%run_scoped3A_24, %dma_wait3A, %dma_wait3A_73] : memref<2x128x128xf32, #tpu.memory_space<vmem>> -> memref<1x128x128xf32, #tpu.memory_space<vmem>>
      %dma_wait3A_75 = tpu.memref_squeeze %dma_wait3A_74 : memref<1x128x128xf32, #tpu.memory_space<vmem>> -> memref<128x128xf32, #tpu.memory_space<vmem>>
      %dma_wait3A_76 = arith.constant 0 : i32
      %dma_wait3A_77 = tpu.memref_slice %arg2[%add3A_23, %dma_wait3A_76] : memref<10000x128xf32, #tpu.memory_space<hbm>> -> memref<128x128xf32, #tpu.memory_space<hbm>>
      %dma_wait3A_78 = arith.constant 0 : i32
      %dma_wait3A_79 = arith.constant 0 : i32
      %dma_wait3A_80 = tpu.memref_slice %arg7[%run_scoped3A_24, %dma_wait3A_78, %dma_wait3A_79] : memref<2x128x128xf32, #tpu.memory_space<vmem>> -> memref<1x128x128xf32, #tpu.memory_space<vmem>>
      %dma_wait3A_81 = tpu.memref_squeeze %dma_wait3A_80 : memref<1x128x128xf32, #tpu.memory_space<vmem>> -> memref<128x128xf32, #tpu.memory_space<vmem>>
      %dma_wait3A_82 = arith.constant 0 : i32
      %dma_wait3A_83 = tpu.memref_slice %arg2[%add3A_23, %dma_wait3A_82] : memref<10000x128xf32, #tpu.memory_space<hbm>> -> memref<128x128xf32, #tpu.memory_space<hbm>>
      tpu.wait_dma2 semaphore(%run_scoped3A_60 : memref<!tpu.dma_semaphore, #tpu.memory_space<semaphore_mem>>) src(%dma_wait3A_83 : memref<128x128xf32, #tpu.memory_space<hbm>>) dst(%dma_wait3A_81 : memref<128x128xf32, #tpu.memory_space<vmem>>)
      tpu.yield
    }) : () -> ()
    %add3A_25 = arith.constant 384 : i32
    %add3A_26 = arith.addi %mul3A_4, %add3A_25 : i32
    %run_scoped3A_27 = arith.constant 0 : i32
    "tpu.region"() ({
      %run_scoped3A_60 = tpu.sem_alloc : memref<!tpu.dma_semaphore, #tpu.memory_space<semaphore_mem>>
      %dma_start3A_61 = arith.constant 0 : i32
      %dma_start3A_62 = arith.constant 0 : i32
      %dma_start3A_63 = tpu.memref_slice %arg7[%run_scoped3A_27, %dma_start3A_61, %dma_start3A_62] : memref<2x128x128xf32, #tpu.memory_space<vmem>> -> memref<1x128x128xf32, #tpu.memory_space<vmem>>
      %dma_start3A_64 = tpu.memref_squeeze %dma_start3A_63 : memref<1x128x128xf32, #tpu.memory_space<vmem>> -> memref<128x128xf32, #tpu.memory_space<vmem>>
      %dma_start3A_65 = arith.constant 0 : i32
      %dma_start3A_66 = tpu.memref_slice %arg8[%add3A_26, %dma_start3A_65] : memref<10000x128xf32, #tpu.memory_space<vmem_shared>> -> memref<128x128xf32, #tpu.memory_space<vmem_shared>>
      %dma_start3A_67 = arith.constant 0 : i32
      %dma_start3A_68 = tpu.memref_slice %arg8[%add3A_26, %dma_start3A_67] : memref<10000x128xf32, #tpu.memory_space<vmem_shared>> -> memref<128x128xf32, #tpu.memory_space<vmem_shared>>
      %dma_start3A_69 = arith.constant 0 : i32
      %dma_start3A_70 = arith.constant 0 : i32
      %dma_start3A_71 = tpu.memref_slice %arg7[%run_scoped3A_27, %dma_start3A_69, %dma_start3A_70] : memref<2x128x128xf32, #tpu.memory_space<vmem>> -> memref<1x128x128xf32, #tpu.memory_space<vmem>>
      %dma_start3A_72 = tpu.memref_squeeze %dma_start3A_71 : memref<1x128x128xf32, #tpu.memory_space<vmem>> -> memref<128x128xf32, #tpu.memory_space<vmem>>
      tpu.enqueue_dma source(%dma_start3A_72 : memref<128x128xf32, #tpu.memory_space<vmem>>) target(%dma_start3A_68 : memref<128x128xf32, #tpu.memory_space<vmem_shared>>) target_semaphore(%run_scoped3A_60 : memref<!tpu.dma_semaphore, #tpu.memory_space<semaphore_mem>>)
      %dma_wait3A = arith.constant 0 : i32
      %dma_wait3A_73 = arith.constant 0 : i32
      %dma_wait3A_74 = tpu.memref_slice %arg7[%run_scoped3A_27, %dma_wait3A, %dma_wait3A_73] : memref<2x128x128xf32, #tpu.memory_space<vmem>> -> memref<1x128x128xf32, #tpu.memory_space<vmem>>
      %dma_wait3A_75 = tpu.memref_squeeze %dma_wait3A_74 : memref<1x128x128xf32, #tpu.memory_space<vmem>> -> memref<128x128xf32, #tpu.memory_space<vmem>>
      %dma_wait3A_76 = arith.constant 0 : i32
      %dma_wait3A_77 = tpu.memref_slice %arg8[%add3A_26, %dma_wait3A_76] : memref<10000x128xf32, #tpu.memory_space<vmem_shared>> -> memref<128x128xf32, #tpu.memory_space<vmem_shared>>
      %dma_wait3A_78 = arith.constant 0 : i32
      %dma_wait3A_79 = tpu.memref_slice %arg8[%add3A_26, %dma_wait3A_78] : memref<10000x128xf32, #tpu.memory_space<vmem_shared>> -> memref<128x128xf32, #tpu.memory_space<vmem_shared>>
      %dma_wait3A_80 = arith.constant 0 : i32
      %dma_wait3A_81 = arith.constant 0 : i32
      %dma_wait3A_82 = tpu.memref_slice %arg7[%run_scoped3A_27, %dma_wait3A_80, %dma_wait3A_81] : memref<2x128x128xf32, #tpu.memory_space<vmem>> -> memref<1x128x128xf32, #tpu.memory_space<vmem>>
      %dma_wait3A_83 = tpu.memref_squeeze %dma_wait3A_82 : memref<1x128x128xf32, #tpu.memory_space<vmem>> -> memref<128x128xf32, #tpu.memory_space<vmem>>
      tpu.wait_dma2 semaphore(%run_scoped3A_60 : memref<!tpu.dma_semaphore, #tpu.memory_space<semaphore_mem>>) src(%dma_wait3A_83 : memref<128x128xf32, #tpu.memory_space<vmem>>) dst(%dma_wait3A_79 : memref<128x128xf32, #tpu.memory_space<vmem_shared>>)
      tpu.yield
    }) : () -> ()
    %add3A_28 = arith.constant 512 : i32
    %add3A_29 = arith.addi %mul3A_4, %add3A_28 : i32
    %run_scoped3A_30 = arith.constant 0 : i32
    "tpu.region"() ({
      %run_scoped3A_60 = tpu.sem_alloc : memref<!tpu.dma_semaphore, #tpu.memory_space<semaphore_mem>>
      %dma_start3A_61 = arith.constant 0 : i32
      %dma_start3A_62 = arith.constant 0 : i32
      %dma_start3A_63 = tpu.memref_slice %arg7[%run_scoped3A_30, %dma_start3A_61, %dma_start3A_62] : memref<2x128x128xf32, #tpu.memory_space<vmem>> -> memref<1x112x128xf32, #tpu.memory_space<vmem>>
      %dma_start3A_64 = tpu.memref_squeeze %dma_start3A_63 : memref<1x112x128xf32, #tpu.memory_space<vmem>> -> memref<112x128xf32, #tpu.memory_space<vmem>>
      %dma_start3A_65 = arith.constant 0 : i32
      %dma_start3A_66 = tpu.memref_slice %arg2[%add3A_29, %dma_start3A_65] : memref<10000x128xf32, #tpu.memory_space<hbm>> -> memref<112x128xf32, #tpu.memory_space<hbm>>
      %dma_start3A_67 = arith.constant 0 : i32
      %dma_start3A_68 = arith.constant 0 : i32
      %dma_start3A_69 = tpu.memref_slice %arg7[%run_scoped3A_30, %dma_start3A_67, %dma_start3A_68] : memref<2x128x128xf32, #tpu.memory_space<vmem>> -> memref<1x112x128xf32, #tpu.memory_space<vmem>>
      %dma_start3A_70 = tpu.memref_squeeze %dma_start3A_69 : memref<1x112x128xf32, #tpu.memory_space<vmem>> -> memref<112x128xf32, #tpu.memory_space<vmem>>
      %dma_start3A_71 = arith.constant 0 : i32
      %dma_start3A_72 = tpu.memref_slice %arg2[%add3A_29, %dma_start3A_71] : memref<10000x128xf32, #tpu.memory_space<hbm>> -> memref<112x128xf32, #tpu.memory_space<hbm>>
      tpu.enqueue_dma source(%dma_start3A_72 : memref<112x128xf32, #tpu.memory_space<hbm>>) target(%dma_start3A_70 : memref<112x128xf32, #tpu.memory_space<vmem>>) target_semaphore(%run_scoped3A_60 : memref<!tpu.dma_semaphore, #tpu.memory_space<semaphore_mem>>)
      %dma_wait3A = arith.constant 0 : i32
      %dma_wait3A_73 = arith.constant 0 : i32
      %dma_wait3A_74 = tpu.memref_slice %arg7[%run_scoped3A_30, %dma_wait3A, %dma_wait3A_73] : memref<2x128x128xf32, #tpu.memory_space<vmem>> -> memref<1x112x128xf32, #tpu.memory_space<vmem>>
      %dma_wait3A_75 = tpu.memref_squeeze %dma_wait3A_74 : memref<1x112x128xf32, #tpu.memory_space<vmem>> -> memref<112x128xf32, #tpu.memory_space<vmem>>
      %dma_wait3A_76 = arith.constant 0 : i32
      %dma_wait3A_77 = tpu.memref_slice %arg2[%add3A_29, %dma_wait3A_76] : memref<10000x128xf32, #tpu.memory_space<hbm>> -> memref<112x128xf32, #tpu.memory_space<hbm>>
      %dma_wait3A_78 = arith.constant 0 : i32
      %dma_wait3A_79 = arith.constant 0 : i32
      %dma_wait3A_80 = tpu.memref_slice %arg7[%run_scoped3A_30, %dma_wait3A_78, %dma_wait3A_79] : memref<2x128x128xf32, #tpu.memory_space<vmem>> -> memref<1x112x128xf32, #tpu.memory_space<vmem>>
      %dma_wait3A_81 = tpu.memref_squeeze %dma_wait3A_80 : memref<1x112x128xf32, #tpu.memory_space<vmem>> -> memref<112x128xf32, #tpu.memory_space<vmem>>
      %dma_wait3A_82 = arith.constant 0 : i32
      %dma_wait3A_83 = tpu.memref_slice %arg2[%add3A_29, %dma_wait3A_82] : memref<10000x128xf32, #tpu.memory_space<hbm>> -> memref<112x128xf32, #tpu.memory_space<hbm>>
      tpu.wait_dma2 semaphore(%run_scoped3A_60 : memref<!tpu.dma_semaphore, #tpu.memory_space<semaphore_mem>>) src(%dma_wait3A_83 : memref<112x128xf32, #tpu.memory_space<hbm>>) dst(%dma_wait3A_81 : memref<112x128xf32, #tpu.memory_space<vmem>>)
      tpu.yield
    }) : () -> ()
    %add3A_31 = arith.constant 512 : i32
    %add3A_32 = arith.addi %mul3A_4, %add3A_31 : i32
    %run_scoped3A_33 = arith.constant 0 : i32
    "tpu.region"() ({
      %run_scoped3A_60 = tpu.sem_alloc : memref<!tpu.dma_semaphore, #tpu.memory_space<semaphore_mem>>
      %dma_start3A_61 = arith.constant 0 : i32
      %dma_start3A_62 = arith.constant 0 : i32
      %dma_start3A_63 = tpu.memref_slice %arg7[%run_scoped3A_33, %dma_start3A_61, %dma_start3A_62] : memref<2x128x128xf32, #tpu.memory_space<vmem>> -> memref<1x112x128xf32, #tpu.memory_space<vmem>>
      %dma_start3A_64 = tpu.memref_squeeze %dma_start3A_63 : memref<1x112x128xf32, #tpu.memory_space<vmem>> -> memref<112x128xf32, #tpu.memory_space<vmem>>
      %dma_start3A_65 = arith.constant 0 : i32
      %dma_start3A_66 = tpu.memref_slice %arg8[%add3A_32, %dma_start3A_65] : memref<10000x128xf32, #tpu.memory_space<vmem_shared>> -> memref<112x128xf32, #tpu.memory_space<vmem_shared>>
      %dma_start3A_67 = arith.constant 0 : i32
      %dma_start3A_68 = tpu.memref_slice %arg8[%add3A_32, %dma_start3A_67] : memref<10000x128xf32, #tpu.memory_space<vmem_shared>> -> memref<112x128xf32, #tpu.memory_space<vmem_shared>>
      %dma_start3A_69 = arith.constant 0 : i32
      %dma_start3A_70 = arith.constant 0 : i32
      %dma_start3A_71 = tpu.memref_slice %arg7[%run_scoped3A_33, %dma_start3A_69, %dma_start3A_70] : memref<2x128x128xf32, #tpu.memory_space<vmem>> -> memref<1x112x128xf32, #tpu.memory_space<vmem>>
      %dma_start3A_72 = tpu.memref_squeeze %dma_start3A_71 : memref<1x112x128xf32, #tpu.memory_space<vmem>> -> memref<112x128xf32, #tpu.memory_space<vmem>>
      tpu.enqueue_dma source(%dma_start3A_72 : memref<112x128xf32, #tpu.memory_space<vmem>>) target(%dma_start3A_68 : memref<112x128xf32, #tpu.memory_space<vmem_shared>>) target_semaphore(%run_scoped3A_60 : memref<!tpu.dma_semaphore, #tpu.memory_space<semaphore_mem>>)
      %dma_wait3A = arith.constant 0 : i32
      %dma_wait3A_73 = arith.constant 0 : i32
      %dma_wait3A_74 = tpu.memref_slice %arg7[%run_scoped3A_33, %dma_wait3A, %dma_wait3A_73] : memref<2x128x128xf32, #tpu.memory_space<vmem>> -> memref<1x112x128xf32, #tpu.memory_space<vmem>>
      %dma_wait3A_75 = tpu.memref_squeeze %dma_wait3A_74 : memref<1x112x128xf32, #tpu.memory_space<vmem>> -> memref<112x128xf32, #tpu.memory_space<vmem>>
      %dma_wait3A_76 = arith.constant 0 : i32
      %dma_wait3A_77 = tpu.memref_slice %arg8[%add3A_32, %dma_wait3A_76] : memref<10000x128xf32, #tpu.memory_space<vmem_shared>> -> memref<112x128xf32, #tpu.memory_space<vmem_shared>>
      %dma_wait3A_78 = arith.constant 0 : i32
      %dma_wait3A_79 = tpu.memref_slice %arg8[%add3A_32, %dma_wait3A_78] : memref<10000x128xf32, #tpu.memory_space<vmem_shared>> -> memref<112x128xf32, #tpu.memory_space<vmem_shared>>
      %dma_wait3A_80 = arith.constant 0 : i32
      %dma_wait3A_81 = arith.constant 0 : i32
      %dma_wait3A_82 = tpu.memref_slice %arg7[%run_scoped3A_33, %dma_wait3A_80, %dma_wait3A_81] : memref<2x128x128xf32, #tpu.memory_space<vmem>> -> memref<1x112x128xf32, #tpu.memory_space<vmem>>
      %dma_wait3A_83 = tpu.memref_squeeze %dma_wait3A_82 : memref<1x112x128xf32, #tpu.memory_space<vmem>> -> memref<112x128xf32, #tpu.memory_space<vmem>>
      tpu.wait_dma2 semaphore(%run_scoped3A_60 : memref<!tpu.dma_semaphore, #tpu.memory_space<semaphore_mem>>) src(%dma_wait3A_83 : memref<112x128xf32, #tpu.memory_space<vmem>>) dst(%dma_wait3A_79 : memref<112x128xf32, #tpu.memory_space<vmem_shared>>)
      tpu.yield
    }) : () -> ()
    %lt3A = arith.constant 2 : i32
    %lt3A_34 = arith.cmpi slt, %arg1, %lt3A : i32
    %convert_element_type3A = arith.extui %lt3A_34 : i1 to i32
    %cond3A = arith.constant 0 : i32
    %cond3A_35 = arith.cmpi ne, %convert_element_type3A, %cond3A : i32
    scf.if %cond3A_35 {
      %add3A_60 = arith.constant 1248 : i32
      %add3A_61 = arith.addi %add3A_60, %arg1 : i32
      %mul3A_62 = arith.constant 8 : i32
      %mul3A_63 = arith.muli %add3A_61, %mul3A_62 : i32
      %run_scoped3A_64 = arith.constant 0 : i32
      "tpu.region"() ({
        %run_scoped3A_66 = tpu.sem_alloc : memref<!tpu.dma_semaphore, #tpu.memory_space<semaphore_mem>>
        %dma_start3A_67 = arith.constant 0 : i32
        %dma_start3A_68 = arith.constant 0 : i32
        %dma_start3A_69 = tpu.memref_slice %arg7[%run_scoped3A_64, %dma_start3A_67, %dma_start3A_68] : memref<2x128x128xf32, #tpu.memory_space<vmem>> -> memref<1x8x128xf32, #tpu.memory_space<vmem>>
        %dma_start3A_70 = tpu.memref_squeeze %dma_start3A_69 : memref<1x8x128xf32, #tpu.memory_space<vmem>> -> memref<8x128xf32, #tpu.memory_space<vmem>>
        %dma_start3A_71 = arith.constant 0 : i32
        %dma_start3A_72 = tpu.memref_slice %arg2[%mul3A_63, %dma_start3A_71] : memref<10000x128xf32, #tpu.memory_space<hbm>> -> memref<8x128xf32, #tpu.memory_space<hbm>>
        %dma_start3A_73 = arith.constant 0 : i32
        %dma_start3A_74 = arith.constant 0 : i32
        %dma_start3A_75 = tpu.memref_slice %arg7[%run_scoped3A_64, %dma_start3A_73, %dma_start3A_74] : memref<2x128x128xf32, #tpu.memory_space<vmem>> -> memref<1x8x128xf32, #tpu.memory_space<vmem>>
        %dma_start3A_76 = tpu.memref_squeeze %dma_start3A_75 : memref<1x8x128xf32, #tpu.memory_space<vmem>> -> memref<8x128xf32, #tpu.memory_space<vmem>>
        %dma_start3A_77 = arith.constant 0 : i32
        %dma_start3A_78 = tpu.memref_slice %arg2[%mul3A_63, %dma_start3A_77] : memref<10000x128xf32, #tpu.memory_space<hbm>> -> memref<8x128xf32, #tpu.memory_space<hbm>>
        tpu.enqueue_dma source(%dma_start3A_78 : memref<8x128xf32, #tpu.memory_space<hbm>>) target(%dma_start3A_76 : memref<8x128xf32, #tpu.memory_space<vmem>>) target_semaphore(%run_scoped3A_66 : memref<!tpu.dma_semaphore, #tpu.memory_space<semaphore_mem>>)
        %dma_wait3A = arith.constant 0 : i32
        %dma_wait3A_79 = arith.constant 0 : i32
        %dma_wait3A_80 = tpu.memref_slice %arg7[%run_scoped3A_64, %dma_wait3A, %dma_wait3A_79] : memref<2x128x128xf32, #tpu.memory_space<vmem>> -> memref<1x8x128xf32, #tpu.memory_space<vmem>>
        %dma_wait3A_81 = tpu.memref_squeeze %dma_wait3A_80 : memref<1x8x128xf32, #tpu.memory_space<vmem>> -> memref<8x128xf32, #tpu.memory_space<vmem>>
        %dma_wait3A_82 = arith.constant 0 : i32
        %dma_wait3A_83 = tpu.memref_slice %arg2[%mul3A_63, %dma_wait3A_82] : memref<10000x128xf32, #tpu.memory_space<hbm>> -> memref<8x128xf32, #tpu.memory_space<hbm>>
        %dma_wait3A_84 = arith.constant 0 : i32
        %dma_wait3A_85 = arith.constant 0 : i32
        %dma_wait3A_86 = tpu.memref_slice %arg7[%run_scoped3A_64, %dma_wait3A_84, %dma_wait3A_85] : memref<2x128x128xf32, #tpu.memory_space<vmem>> -> memref<1x8x128xf32, #tpu.memory_space<vmem>>
        %dma_wait3A_87 = tpu.memref_squeeze %dma_wait3A_86 : memref<1x8x128xf32, #tpu.memory_space<vmem>> -> memref<8x128xf32, #tpu.memory_space<vmem>>
        %dma_wait3A_88 = arith.constant 0 : i32
        %dma_wait3A_89 = tpu.memref_slice %arg2[%mul3A_63, %dma_wait3A_88] : memref<10000x128xf32, #tpu.memory_space<hbm>> -> memref<8x128xf32, #tpu.memory_space<hbm>>
        tpu.wait_dma2 semaphore(%run_scoped3A_66 : memref<!tpu.dma_semaphore, #tpu.memory_space<semaphore_mem>>) src(%dma_wait3A_89 : memref<8x128xf32, #tpu.memory_space<hbm>>) dst(%dma_wait3A_87 : memref<8x128xf32, #tpu.memory_space<vmem>>)
        tpu.yield
      }) : () -> ()
      %run_scoped3A_65 = arith.constant 0 : i32
      "tpu.region"() ({
        %run_scoped3A_66 = tpu.sem_alloc : memref<!tpu.dma_semaphore, #tpu.memory_space<semaphore_mem>>
        %dma_start3A_67 = arith.constant 0 : i32
        %dma_start3A_68 = arith.constant 0 : i32
        %dma_start3A_69 = tpu.memref_slice %arg7[%run_scoped3A_65, %dma_start3A_67, %dma_start3A_68] : memref<2x128x128xf32, #tpu.memory_space<vmem>> -> memref<1x8x128xf32, #tpu.memory_space<vmem>>
        %dma_start3A_70 = tpu.memref_squeeze %dma_start3A_69 : memref<1x8x128xf32, #tpu.memory_space<vmem>> -> memref<8x128xf32, #tpu.memory_space<vmem>>
        %dma_start3A_71 = arith.constant 0 : i32
        %dma_start3A_72 = tpu.memref_slice %arg8[%mul3A_63, %dma_start3A_71] : memref<10000x128xf32, #tpu.memory_space<vmem_shared>> -> memref<8x128xf32, #tpu.memory_space<vmem_shared>>
        %dma_start3A_73 = arith.constant 0 : i32
        %dma_start3A_74 = tpu.memref_slice %arg8[%mul3A_63, %dma_start3A_73] : memref<10000x128xf32, #tpu.memory_space<vmem_shared>> -> memref<8x128xf32, #tpu.memory_space<vmem_shared>>
        %dma_start3A_75 = arith.constant 0 : i32
        %dma_start3A_76 = arith.constant 0 : i32
        %dma_start3A_77 = tpu.memref_slice %arg7[%run_scoped3A_65, %dma_start3A_75, %dma_start3A_76] : memref<2x128x128xf32, #tpu.memory_space<vmem>> -> memref<1x8x128xf32, #tpu.memory_space<vmem>>
        %dma_start3A_78 = tpu.memref_squeeze %dma_start3A_77 : memref<1x8x128xf32, #tpu.memory_space<vmem>> -> memref<8x128xf32, #tpu.memory_space<vmem>>
        tpu.enqueue_dma source(%dma_start3A_78 : memref<8x128xf32, #tpu.memory_space<vmem>>) target(%dma_start3A_74 : memref<8x128xf32, #tpu.memory_space<vmem_shared>>) target_semaphore(%run_scoped3A_66 : memref<!tpu.dma_semaphore, #tpu.memory_space<semaphore_mem>>)
        %dma_wait3A = arith.constant 0 : i32
        %dma_wait3A_79 = arith.constant 0 : i32
        %dma_wait3A_80 = tpu.memref_slice %arg7[%run_scoped3A_65, %dma_wait3A, %dma_wait3A_79] : memref<2x128x128xf32, #tpu.memory_space<vmem>> -> memref<1x8x128xf32, #tpu.memory_space<vmem>>
        %dma_wait3A_81 = tpu.memref_squeeze %dma_wait3A_80 : memref<1x8x128xf32, #tpu.memory_space<vmem>> -> memref<8x128xf32, #tpu.memory_space<vmem>>
        %dma_wait3A_82 = arith.constant 0 : i32
        %dma_wait3A_83 = tpu.memref_slice %arg8[%mul3A_63, %dma_wait3A_82] : memref<10000x128xf32, #tpu.memory_space<vmem_shared>> -> memref<8x128xf32, #tpu.memory_space<vmem_shared>>
        %dma_wait3A_84 = arith.constant 0 : i32
        %dma_wait3A_85 = tpu.memref_slice %arg8[%mul3A_63, %dma_wait3A_84] : memref<10000x128xf32, #tpu.memory_space<vmem_shared>> -> memref<8x128xf32, #tpu.memory_space<vmem_shared>>
        %dma_wait3A_86 = arith.constant 0 : i32
        %dma_wait3A_87 = arith.constant 0 : i32
        %dma_wait3A_88 = tpu.memref_slice %arg7[%run_scoped3A_65, %dma_wait3A_86, %dma_wait3A_87] : memref<2x128x128xf32, #tpu.memory_space<vmem>> -> memref<1x8x128xf32, #tpu.memory_space<vmem>>
        %dma_wait3A_89 = tpu.memref_squeeze %dma_wait3A_88 : memref<1x8x128xf32, #tpu.memory_space<vmem>> -> memref<8x128xf32, #tpu.memory_space<vmem>>
        tpu.wait_dma2 semaphore(%run_scoped3A_66 : memref<!tpu.dma_semaphore, #tpu.memory_space<semaphore_mem>>) src(%dma_wait3A_89 : memref<8x128xf32, #tpu.memory_space<vmem>>) dst(%dma_wait3A_85 : memref<8x128xf32, #tpu.memory_space<vmem_shared>>)
        tpu.yield
      }) : () -> ()
    } else {
    }
    %barrier3A = arith.constant 0 : index
    tpu.barrier barrier_id(%barrier3A)
    %mul3A_36 = arith.constant 78 : i32
    %mul3A_37 = arith.muli %add3A, %mul3A_36 : i32
    "tpu.region"() ({
      %run_scoped3A_60 = tpu.sem_alloc : memref<!tpu.dma_semaphore, #tpu.memory_space<semaphore_mem>>
      %dma_start3A_61 = arith.constant 0 : i32
      %dma_start3A_62 = arith.constant 0 : i32
      %dma_start3A_63 = tpu.memref_slice %arg3[%mul3A_37, %dma_start3A_61, %dma_start3A_62] : memref<2500x1x128xi32, #tpu.memory_space<hbm>> -> memref<78x1x128xi32, #tpu.memory_space<hbm>>
      %dma_start3A_64 = arith.constant 0 : i32
      %dma_start3A_65 = arith.constant 0 : i32
      %dma_start3A_66 = tpu.memref_slice %arg3[%mul3A_37, %dma_start3A_64, %dma_start3A_65] : memref<2500x1x128xi32, #tpu.memory_space<hbm>> -> memref<78x1x128xi32, #tpu.memory_space<hbm>>
      tpu.enqueue_dma source(%dma_start3A_66 : memref<78x1x128xi32, #tpu.memory_space<hbm>>) target(%arg6 : memref<78x1x128xi32, #tpu.memory_space<vmem>>) target_semaphore(%run_scoped3A_60 : memref<!tpu.dma_semaphore, #tpu.memory_space<semaphore_mem>>)
      %dma_wait3A = arith.constant 0 : i32
      %dma_wait3A_67 = arith.constant 0 : i32
      %dma_wait3A_68 = tpu.memref_slice %arg3[%mul3A_37, %dma_wait3A, %dma_wait3A_67] : memref<2500x1x128xi32, #tpu.memory_space<hbm>> -> memref<78x1x128xi32, #tpu.memory_space<hbm>>
      %dma_wait3A_69 = arith.constant 0 : i32
      %dma_wait3A_70 = arith.constant 0 : i32
      %dma_wait3A_71 = tpu.memref_slice %arg3[%mul3A_37, %dma_wait3A_69, %dma_wait3A_70] : memref<2500x1x128xi32, #tpu.memory_space<hbm>> -> memref<78x1x128xi32, #tpu.memory_space<hbm>>
      tpu.wait_dma2 semaphore(%run_scoped3A_60 : memref<!tpu.dma_semaphore, #tpu.memory_space<semaphore_mem>>) src(%dma_wait3A_71 : memref<78x1x128xi32, #tpu.memory_space<hbm>>) dst(%arg6 : memref<78x1x128xi32, #tpu.memory_space<vmem>>)
      tpu.yield
    }) : () -> ()
    %dma_start3A = arith.constant 0 : i32
    %dma_start3A_38 = arith.constant 0 : i32
    %dma_start3A_39 = arith.constant 0 : i32
    %dma_start3A_40 = arith.constant 0 : i32
    %dma_start3A_41 = arith.constant 0 : i32
    %dma_start3A_42 = tpu.memref_slice %arg7[%dma_start3A_39, %dma_start3A_40, %dma_start3A_41] : memref<2x128x128xf32, #tpu.memory_space<vmem>> -> memref<1x128x128xf32, #tpu.memory_space<vmem>>
    %dma_start3A_43 = tpu.memref_squeeze %dma_start3A_42 : memref<1x128x128xf32, #tpu.memory_space<vmem>> -> memref<128x128xf32, #tpu.memory_space<vmem>>
    %dma_start3A_44 = arith.constant 0 : i32
    %dma_start3A_45 = tpu.memref_slice %arg6[%dma_start3A, %dma_start3A_38, %dma_start3A_44] : memref<78x1x128xi32, #tpu.memory_space<vmem>> -> memref<1x1x128xi32, #tpu.memory_space<vmem>>
    %dma_start3A_46 = tpu.memref_squeeze %dma_start3A_45 : memref<1x1x128xi32, #tpu.memory_space<vmem>> -> memref<128xi32, #tpu.memory_space<vmem>>
    %dma_start3A_47 = arith.constant 0 : i32
    %dma_start3A_48 = arith.constant 0 : i32
    %dma_start3A_49 = tpu.memref_slice %arg8[%dma_start3A_47, %dma_start3A_48] : memref<10000x128xf32, #tpu.memory_space<vmem_shared>> -> memref<10000x128xf32, #tpu.memory_space<vmem_shared>>
    tpu.enqueue_indirect_dma source(%dma_start3A_49 : memref<10000x128xf32, #tpu.memory_space<vmem_shared>>) target(%dma_start3A_43 : memref<128x128xf32, #tpu.memory_space<vmem>>) offsets(%dma_start3A_46 : memref<128xi32, #tpu.memory_space<vmem>>) semaphore(%arg9 : memref<!tpu.dma_semaphore, #tpu.memory_space<semaphore_mem>>)
    %scan3A = arith.constant 0 : i32
    %scan3A_50 = arith.constant 0 : i32
    %scan3A_51 = arith.constant 39 : i32
    %scan3A_52 = arith.addi %scan3A_50, %scan3A_51 : i32
    %scan3A_53 = arith.constant 1 : i32
    scf.for %scan3A_60 = %scan3A_50 to %scan3A_52 step %scan3A_53  : i32 {
      %mul3A_61 = arith.constant 2 : i32
      %mul3A_62 = arith.muli %mul3A_61, %scan3A_60 : i32
      %add3A_63 = arith.constant 0 : i32
      %add3A_64 = arith.addi %mul3A_62, %add3A_63 : i32
      %dma_wait3A = arith.constant 0 : i32
      %dma_wait3A_65 = arith.constant 0 : i32
      %dma_wait3A_66 = arith.constant 0 : i32
      %dma_wait3A_67 = arith.constant 0 : i32
      %dma_wait3A_68 = tpu.memref_slice %arg7[%dma_wait3A_65, %dma_wait3A_66, %dma_wait3A_67] : memref<2x128x128xf32, #tpu.memory_space<vmem>> -> memref<1x128x128xf32, #tpu.memory_space<vmem>>
      %dma_wait3A_69 = tpu.memref_squeeze %dma_wait3A_68 : memref<1x128x128xf32, #tpu.memory_space<vmem>> -> memref<128x128xf32, #tpu.memory_space<vmem>>
      %dma_wait3A_70 = arith.constant 0 : i32
      %dma_wait3A_71 = tpu.memref_slice %arg6[%add3A_64, %dma_wait3A, %dma_wait3A_70] : memref<78x1x128xi32, #tpu.memory_space<vmem>> -> memref<1x1x128xi32, #tpu.memory_space<vmem>>
      %dma_wait3A_72 = tpu.memref_squeeze %dma_wait3A_71 : memref<1x1x128xi32, #tpu.memory_space<vmem>> -> memref<128xi32, #tpu.memory_space<vmem>>
      %dma_wait3A_73 = arith.constant 0 : i32
      %dma_wait3A_74 = arith.constant 0 : i32
      %dma_wait3A_75 = tpu.memref_slice %arg8[%dma_wait3A_73, %dma_wait3A_74] : memref<10000x128xf32, #tpu.memory_space<vmem_shared>> -> memref<10000x128xf32, #tpu.memory_space<vmem_shared>>
      tpu.wait_indirect_dma semaphore(%arg9 : memref<!tpu.dma_semaphore, #tpu.memory_space<semaphore_mem>>) src(%dma_wait3A_75 : memref<10000x128xf32, #tpu.memory_space<vmem_shared>>) dst(%dma_wait3A_69 : memref<128x128xf32, #tpu.memory_space<vmem>>)
      %add3A_76 = arith.constant 1 : i32
      %add3A_77 = arith.addi %add3A_64, %add3A_76 : i32
      %lt3A_78 = arith.constant 78 : i32
      %lt3A_79 = arith.cmpi slt, %add3A_77, %lt3A_78 : i32
      %convert_element_type3A_80 = arith.extui %lt3A_79 : i1 to i32
      %cond3A_81 = arith.constant 0 : i32
      %cond3A_82 = arith.cmpi ne, %convert_element_type3A_80, %cond3A_81 : i32
      scf.if %cond3A_82 {
        %add3A_114 = arith.constant 1 : i32
        %add3A_115 = arith.addi %add3A_64, %add3A_114 : i32
        %dma_start3A_116 = arith.constant 0 : i32
        %dma_start3A_117 = arith.constant 1 : i32
        %dma_start3A_118 = arith.constant 0 : i32
        %dma_start3A_119 = arith.constant 0 : i32
        %dma_start3A_120 = tpu.memref_slice %arg7[%dma_start3A_117, %dma_start3A_118, %dma_start3A_119] : memref<2x128x128xf32, #tpu.memory_space<vmem>> -> memref<1x128x128xf32, #tpu.memory_space<vmem>>
        %dma_start3A_121 = tpu.memref_squeeze %dma_start3A_120 : memref<1x128x128xf32, #tpu.memory_space<vmem>> -> memref<128x128xf32, #tpu.memory_space<vmem>>
        %dma_start3A_122 = arith.constant 0 : i32
        %dma_start3A_123 = tpu.memref_slice %arg6[%add3A_115, %dma_start3A_116, %dma_start3A_122] : memref<78x1x128xi32, #tpu.memory_space<vmem>> -> memref<1x1x128xi32, #tpu.memory_space<vmem>>
        %dma_start3A_124 = tpu.memref_squeeze %dma_start3A_123 : memref<1x1x128xi32, #tpu.memory_space<vmem>> -> memref<128xi32, #tpu.memory_space<vmem>>
        %dma_start3A_125 = arith.constant 0 : i32
        %dma_start3A_126 = arith.constant 0 : i32
        %dma_start3A_127 = tpu.memref_slice %arg8[%dma_start3A_125, %dma_start3A_126] : memref<10000x128xf32, #tpu.memory_space<vmem_shared>> -> memref<10000x128xf32, #tpu.memory_space<vmem_shared>>
        tpu.enqueue_indirect_dma source(%dma_start3A_127 : memref<10000x128xf32, #tpu.memory_space<vmem_shared>>) target(%dma_start3A_121 : memref<128x128xf32, #tpu.memory_space<vmem>>) offsets(%dma_start3A_124 : memref<128xi32, #tpu.memory_space<vmem>>) semaphore(%arg10 : memref<!tpu.dma_semaphore, #tpu.memory_space<semaphore_mem>>)
      } else {
      }
      %add3A_83 = arith.addi %mul3A_37, %add3A_64 : i32
      %mul3A_84 = arith.constant 128 : i32
      %mul3A_85 = arith.muli %add3A_83, %mul3A_84 : i32
      %run_scoped3A_86 = arith.constant 0 : i32
      "tpu.region"() ({
        %run_scoped3A_114 = tpu.sem_alloc : memref<!tpu.dma_semaphore, #tpu.memory_space<semaphore_mem>>
        %dma_start3A_115 = arith.constant 0 : i32
        %dma_start3A_116 = arith.constant 0 : i32
        %dma_start3A_117 = tpu.memref_slice %arg7[%run_scoped3A_86, %dma_start3A_115, %dma_start3A_116] : memref<2x128x128xf32, #tpu.memory_space<vmem>> -> memref<1x128x128xf32, #tpu.memory_space<vmem>>
        %dma_start3A_118 = tpu.memref_squeeze %dma_start3A_117 : memref<1x128x128xf32, #tpu.memory_space<vmem>> -> memref<128x128xf32, #tpu.memory_space<vmem>>
        %dma_start3A_119 = arith.constant 0 : i32
        %dma_start3A_120 = tpu.memref_slice %arg5[%mul3A_85, %dma_start3A_119] : memref<320000x128xf32, #tpu.memory_space<hbm>> -> memref<128x128xf32, #tpu.memory_space<hbm>>
        %dma_start3A_121 = arith.constant 0 : i32
        %dma_start3A_122 = tpu.memref_slice %arg5[%mul3A_85, %dma_start3A_121] : memref<320000x128xf32, #tpu.memory_space<hbm>> -> memref<128x128xf32, #tpu.memory_space<hbm>>
        %dma_start3A_123 = arith.constant 0 : i32
        %dma_start3A_124 = arith.constant 0 : i32
        %dma_start3A_125 = tpu.memref_slice %arg7[%run_scoped3A_86, %dma_start3A_123, %dma_start3A_124] : memref<2x128x128xf32, #tpu.memory_space<vmem>> -> memref<1x128x128xf32, #tpu.memory_space<vmem>>
        %dma_start3A_126 = tpu.memref_squeeze %dma_start3A_125 : memref<1x128x128xf32, #tpu.memory_space<vmem>> -> memref<128x128xf32, #tpu.memory_space<vmem>>
        tpu.enqueue_dma source(%dma_start3A_126 : memref<128x128xf32, #tpu.memory_space<vmem>>) target(%dma_start3A_122 : memref<128x128xf32, #tpu.memory_space<hbm>>) target_semaphore(%run_scoped3A_114 : memref<!tpu.dma_semaphore, #tpu.memory_space<semaphore_mem>>)
        %dma_wait3A_127 = arith.constant 0 : i32
        %dma_wait3A_128 = arith.constant 0 : i32
        %dma_wait3A_129 = tpu.memref_slice %arg7[%run_scoped3A_86, %dma_wait3A_127, %dma_wait3A_128] : memref<2x128x128xf32, #tpu.memory_space<vmem>> -> memref<1x128x128xf32, #tpu.memory_space<vmem>>
        %dma_wait3A_130 = tpu.memref_squeeze %dma_wait3A_129 : memref<1x128x128xf32, #tpu.memory_space<vmem>> -> memref<128x128xf32, #tpu.memory_space<vmem>>
        %dma_wait3A_131 = arith.constant 0 : i32
        %dma_wait3A_132 = tpu.memref_slice %arg5[%mul3A_85, %dma_wait3A_131] : memref<320000x128xf32, #tpu.memory_space<hbm>> -> memref<128x128xf32, #tpu.memory_space<hbm>>
        %dma_wait3A_133 = arith.constant 0 : i32
        %dma_wait3A_134 = tpu.memref_slice %arg5[%mul3A_85, %dma_wait3A_133] : memref<320000x128xf32, #tpu.memory_space<hbm>> -> memref<128x128xf32, #tpu.memory_space<hbm>>
        %dma_wait3A_135 = arith.constant 0 : i32
        %dma_wait3A_136 = arith.constant 0 : i32
        %dma_wait3A_137 = tpu.memref_slice %arg7[%run_scoped3A_86, %dma_wait3A_135, %dma_wait3A_136] : memref<2x128x128xf32, #tpu.memory_space<vmem>> -> memref<1x128x128xf32, #tpu.memory_space<vmem>>
        %dma_wait3A_138 = tpu.memref_squeeze %dma_wait3A_137 : memref<1x128x128xf32, #tpu.memory_space<vmem>> -> memref<128x128xf32, #tpu.memory_space<vmem>>
        tpu.wait_dma2 semaphore(%run_scoped3A_114 : memref<!tpu.dma_semaphore, #tpu.memory_space<semaphore_mem>>) src(%dma_wait3A_138 : memref<128x128xf32, #tpu.memory_space<vmem>>) dst(%dma_wait3A_134 : memref<128x128xf32, #tpu.memory_space<hbm>>)
        tpu.yield
      }) : () -> ()
      %mul3A_87 = arith.constant 2 : i32
      %mul3A_88 = arith.muli %mul3A_87, %scan3A_60 : i32
      %add3A_89 = arith.constant 1 : i32
      %add3A_90 = arith.addi %mul3A_88, %add3A_89 : i32
      %dma_wait3A_91 = arith.constant 0 : i32
      %dma_wait3A_92 = arith.constant 1 : i32
      %dma_wait3A_93 = arith.constant 0 : i32
      %dma_wait3A_94 = arith.constant 0 : i32
      %dma_wait3A_95 = tpu.memref_slice %arg7[%dma_wait3A_92, %dma_wait3A_93, %dma_wait3A_94] : memref<2x128x128xf32, #tpu.memory_space<vmem>> -> memref<1x128x128xf32, #tpu.memory_space<vmem>>
      %dma_wait3A_96 = tpu.memref_squeeze %dma_wait3A_95 : memref<1x128x128xf32, #tpu.memory_space<vmem>> -> memref<128x128xf32, #tpu.memory_space<vmem>>
      %dma_wait3A_97 = arith.constant 0 : i32
      %dma_wait3A_98 = tpu.memref_slice %arg6[%add3A_90, %dma_wait3A_91, %dma_wait3A_97] : memref<78x1x128xi32, #tpu.memory_space<vmem>> -> memref<1x1x128xi32, #tpu.memory_space<vmem>>
      %dma_wait3A_99 = tpu.memref_squeeze %dma_wait3A_98 : memref<1x1x128xi32, #tpu.memory_space<vmem>> -> memref<128xi32, #tpu.memory_space<vmem>>
      %dma_wait3A_100 = arith.constant 0 : i32
      %dma_wait3A_101 = arith.constant 0 : i32
      %dma_wait3A_102 = tpu.memref_slice %arg8[%dma_wait3A_100, %dma_wait3A_101] : memref<10000x128xf32, #tpu.memory_space<vmem_shared>> -> memref<10000x128xf32, #tpu.memory_space<vmem_shared>>
      tpu.wait_indirect_dma semaphore(%arg10 : memref<!tpu.dma_semaphore, #tpu.memory_space<semaphore_mem>>) src(%dma_wait3A_102 : memref<10000x128xf32, #tpu.memory_space<vmem_shared>>) dst(%dma_wait3A_96 : memref<128x128xf32, #tpu.memory_space<vmem>>)
      %add3A_103 = arith.constant 1 : i32
      %add3A_104 = arith.addi %add3A_90, %add3A_103 : i32
      %lt3A_105 = arith.constant 78 : i32
      %lt3A_106 = arith.cmpi slt, %add3A_104, %lt3A_105 : i32
      %convert_element_type3A_107 = arith.extui %lt3A_106 : i1 to i32
      %cond3A_108 = arith.constant 0 : i32
      %cond3A_109 = arith.cmpi ne, %convert_element_type3A_107, %cond3A_108 : i32
      scf.if %cond3A_109 {
        %add3A_114 = arith.constant 1 : i32
        %add3A_115 = arith.addi %add3A_90, %add3A_114 : i32
        %dma_start3A_116 = arith.constant 0 : i32
        %dma_start3A_117 = arith.constant 0 : i32
        %dma_start3A_118 = arith.constant 0 : i32
        %dma_start3A_119 = arith.constant 0 : i32
        %dma_start3A_120 = tpu.memref_slice %arg7[%dma_start3A_117, %dma_start3A_118, %dma_start3A_119] : memref<2x128x128xf32, #tpu.memory_space<vmem>> -> memref<1x128x128xf32, #tpu.memory_space<vmem>>
        %dma_start3A_121 = tpu.memref_squeeze %dma_start3A_120 : memref<1x128x128xf32, #tpu.memory_space<vmem>> -> memref<128x128xf32, #tpu.memory_space<vmem>>
        %dma_start3A_122 = arith.constant 0 : i32
        %dma_start3A_123 = tpu.memref_slice %arg6[%add3A_115, %dma_start3A_116, %dma_start3A_122] : memref<78x1x128xi32, #tpu.memory_space<vmem>> -> memref<1x1x128xi32, #tpu.memory_space<vmem>>
        %dma_start3A_124 = tpu.memref_squeeze %dma_start3A_123 : memref<1x1x128xi32, #tpu.memory_space<vmem>> -> memref<128xi32, #tpu.memory_space<vmem>>
        %dma_start3A_125 = arith.constant 0 : i32
        %dma_start3A_126 = arith.constant 0 : i32
        %dma_start3A_127 = tpu.memref_slice %arg8[%dma_start3A_125, %dma_start3A_126] : memref<10000x128xf32, #tpu.memory_space<vmem_shared>> -> memref<10000x128xf32, #tpu.memory_space<vmem_shared>>
        tpu.enqueue_indirect_dma source(%dma_start3A_127 : memref<10000x128xf32, #tpu.memory_space<vmem_shared>>) target(%dma_start3A_121 : memref<128x128xf32, #tpu.memory_space<vmem>>) offsets(%dma_start3A_124 : memref<128xi32, #tpu.memory_space<vmem>>) semaphore(%arg9 : memref<!tpu.dma_semaphore, #tpu.memory_space<semaphore_mem>>)
      } else {
      }
      %add3A_110 = arith.addi %mul3A_37, %add3A_90 : i32
      %mul3A_111 = arith.constant 128 : i32
      %mul3A_112 = arith.muli %add3A_110, %mul3A_111 : i32
      %run_scoped3A_113 = arith.constant 1 : i32
      "tpu.region"() ({
        %run_scoped3A_114 = tpu.sem_alloc : memref<!tpu.dma_semaphore, #tpu.memory_space<semaphore_mem>>
        %dma_start3A_115 = arith.constant 0 : i32
        %dma_start3A_116 = arith.constant 0 : i32
        %dma_start3A_117 = tpu.memref_slice %arg7[%run_scoped3A_113, %dma_start3A_115, %dma_start3A_116] : memref<2x128x128xf32, #tpu.memory_space<vmem>> -> memref<1x128x128xf32, #tpu.memory_space<vmem>>
        %dma_start3A_118 = tpu.memref_squeeze %dma_start3A_117 : memref<1x128x128xf32, #tpu.memory_space<vmem>> -> memref<128x128xf32, #tpu.memory_space<vmem>>
        %dma_start3A_119 = arith.constant 0 : i32
        %dma_start3A_120 = tpu.memref_slice %arg5[%mul3A_112, %dma_start3A_119] : memref<320000x128xf32, #tpu.memory_space<hbm>> -> memref<128x128xf32, #tpu.memory_space<hbm>>
        %dma_start3A_121 = arith.constant 0 : i32
        %dma_start3A_122 = tpu.memref_slice %arg5[%mul3A_112, %dma_start3A_121] : memref<320000x128xf32, #tpu.memory_space<hbm>> -> memref<128x128xf32, #tpu.memory_space<hbm>>
        %dma_start3A_123 = arith.constant 0 : i32
        %dma_start3A_124 = arith.constant 0 : i32
        %dma_start3A_125 = tpu.memref_slice %arg7[%run_scoped3A_113, %dma_start3A_123, %dma_start3A_124] : memref<2x128x128xf32, #tpu.memory_space<vmem>> -> memref<1x128x128xf32, #tpu.memory_space<vmem>>
        %dma_start3A_126 = tpu.memref_squeeze %dma_start3A_125 : memref<1x128x128xf32, #tpu.memory_space<vmem>> -> memref<128x128xf32, #tpu.memory_space<vmem>>
        tpu.enqueue_dma source(%dma_start3A_126 : memref<128x128xf32, #tpu.memory_space<vmem>>) target(%dma_start3A_122 : memref<128x128xf32, #tpu.memory_space<hbm>>) target_semaphore(%run_scoped3A_114 : memref<!tpu.dma_semaphore, #tpu.memory_space<semaphore_mem>>)
        %dma_wait3A_127 = arith.constant 0 : i32
        %dma_wait3A_128 = arith.constant 0 : i32
        %dma_wait3A_129 = tpu.memref_slice %arg7[%run_scoped3A_113, %dma_wait3A_127, %dma_wait3A_128] : memref<2x128x128xf32, #tpu.memory_space<vmem>> -> memref<1x128x128xf32, #tpu.memory_space<vmem>>
        %dma_wait3A_130 = tpu.memref_squeeze %dma_wait3A_129 : memref<1x128x128xf32, #tpu.memory_space<vmem>> -> memref<128x128xf32, #tpu.memory_space<vmem>>
        %dma_wait3A_131 = arith.constant 0 : i32
        %dma_wait3A_132 = tpu.memref_slice %arg5[%mul3A_112, %dma_wait3A_131] : memref<320000x128xf32, #tpu.memory_space<hbm>> -> memref<128x128xf32, #tpu.memory_space<hbm>>
        %dma_wait3A_133 = arith.constant 0 : i32
        %dma_wait3A_134 = tpu.memref_slice %arg5[%mul3A_112, %dma_wait3A_133] : memref<320000x128xf32, #tpu.memory_space<hbm>> -> memref<128x128xf32, #tpu.memory_space<hbm>>
        %dma_wait3A_135 = arith.constant 0 : i32
        %dma_wait3A_136 = arith.constant 0 : i32
        %dma_wait3A_137 = tpu.memref_slice %arg7[%run_scoped3A_113, %dma_wait3A_135, %dma_wait3A_136] : memref<2x128x128xf32, #tpu.memory_space<vmem>> -> memref<1x128x128xf32, #tpu.memory_space<vmem>>
        %dma_wait3A_138 = tpu.memref_squeeze %dma_wait3A_137 : memref<1x128x128xf32, #tpu.memory_space<vmem>> -> memref<128x128xf32, #tpu.memory_space<vmem>>
        tpu.wait_dma2 semaphore(%run_scoped3A_114 : memref<!tpu.dma_semaphore, #tpu.memory_space<semaphore_mem>>) src(%dma_wait3A_138 : memref<128x128xf32, #tpu.memory_space<vmem>>) dst(%dma_wait3A_134 : memref<128x128xf32, #tpu.memory_space<hbm>>)
        tpu.yield
      }) : () -> ()
    }
    %scan3A_54 = arith.constant 39 : i32
    %lt3A_55 = arith.constant 4 : i32
    %lt3A_56 = arith.cmpi slt, %add3A, %lt3A_55 : i32
    %convert_element_type3A_57 = arith.extui %lt3A_56 : i1 to i32
    %cond3A_58 = arith.constant 0 : i32
    %cond3A_59 = arith.cmpi ne, %convert_element_type3A_57, %cond3A_58 : i32
    scf.if %cond3A_59 {
      %add3A_60 = arith.constant 2496 : i32
      %add3A_61 = arith.addi %add3A_60, %add3A : i32
      "tpu.region"() ({
        %run_scoped3A_90 = tpu.sem_alloc : memref<!tpu.dma_semaphore, #tpu.memory_space<semaphore_mem>>
        %dma_start3A_91 = arith.constant 0 : i32
        %dma_start3A_92 = arith.constant 0 : i32
        %dma_start3A_93 = arith.constant 0 : i32
        %dma_start3A_94 = tpu.memref_slice %arg6[%dma_start3A_91, %dma_start3A_92, %dma_start3A_93] : memref<78x1x128xi32, #tpu.memory_space<vmem>> -> memref<1x1x128xi32, #tpu.memory_space<vmem>>
        %dma_start3A_95 = arith.constant 0 : i32
        %dma_start3A_96 = arith.constant 0 : i32
        %dma_start3A_97 = tpu.memref_slice %arg3[%add3A_61, %dma_start3A_95, %dma_start3A_96] : memref<2500x1x128xi32, #tpu.memory_space<hbm>> -> memref<1x1x128xi32, #tpu.memory_space<hbm>>
        %dma_start3A_98 = arith.constant 0 : i32
        %dma_start3A_99 = arith.constant 0 : i32
        %dma_start3A_100 = arith.constant 0 : i32
        %dma_start3A_101 = tpu.memref_slice %arg6[%dma_start3A_98, %dma_start3A_99, %dma_start3A_100] : memref<78x1x128xi32, #tpu.memory_space<vmem>> -> memref<1x1x128xi32, #tpu.memory_space<vmem>>
        %dma_start3A_102 = arith.constant 0 : i32
        %dma_start3A_103 = arith.constant 0 : i32
        %dma_start3A_104 = tpu.memref_slice %arg3[%add3A_61, %dma_start3A_102, %dma_start3A_103] : memref<2500x1x128xi32, #tpu.memory_space<hbm>> -> memref<1x1x128xi32, #tpu.memory_space<hbm>>
        tpu.enqueue_dma source(%dma_start3A_104 : memref<1x1x128xi32, #tpu.memory_space<hbm>>) target(%dma_start3A_101 : memref<1x1x128xi32, #tpu.memory_space<vmem>>) target_semaphore(%run_scoped3A_90 : memref<!tpu.dma_semaphore, #tpu.memory_space<semaphore_mem>>)
        %dma_wait3A_105 = arith.constant 0 : i32
        %dma_wait3A_106 = arith.constant 0 : i32
        %dma_wait3A_107 = arith.constant 0 : i32
        %dma_wait3A_108 = tpu.memref_slice %arg6[%dma_wait3A_105, %dma_wait3A_106, %dma_wait3A_107] : memref<78x1x128xi32, #tpu.memory_space<vmem>> -> memref<1x1x128xi32, #tpu.memory_space<vmem>>
        %dma_wait3A_109 = arith.constant 0 : i32
        %dma_wait3A_110 = arith.constant 0 : i32
        %dma_wait3A_111 = tpu.memref_slice %arg3[%add3A_61, %dma_wait3A_109, %dma_wait3A_110] : memref<2500x1x128xi32, #tpu.memory_space<hbm>> -> memref<1x1x128xi32, #tpu.memory_space<hbm>>
        %dma_wait3A_112 = arith.constant 0 : i32
        %dma_wait3A_113 = arith.constant 0 : i32
        %dma_wait3A_114 = arith.constant 0 : i32
        %dma_wait3A_115 = tpu.memref_slice %arg6[%dma_wait3A_112, %dma_wait3A_113, %dma_wait3A_114] : memref<78x1x128xi32, #tpu.memory_space<vmem>> -> memref<1x1x128xi32, #tpu.memory_space<vmem>>
        %dma_wait3A_116 = arith.constant 0 : i32
        %dma_wait3A_117 = arith.constant 0 : i32
        %dma_wait3A_118 = tpu.memref_slice %arg3[%add3A_61, %dma_wait3A_116, %dma_wait3A_117] : memref<2500x1x128xi32, #tpu.memory_space<hbm>> -> memref<1x1x128xi32, #tpu.memory_space<hbm>>
        tpu.wait_dma2 semaphore(%run_scoped3A_90 : memref<!tpu.dma_semaphore, #tpu.memory_space<semaphore_mem>>) src(%dma_wait3A_118 : memref<1x1x128xi32, #tpu.memory_space<hbm>>) dst(%dma_wait3A_115 : memref<1x1x128xi32, #tpu.memory_space<vmem>>)
        tpu.yield
      }) : () -> ()
      %dma_start3A_62 = arith.constant 0 : i32
      %dma_start3A_63 = arith.constant 0 : i32
      %dma_start3A_64 = arith.constant 0 : i32
      %dma_start3A_65 = arith.constant 0 : i32
      %dma_start3A_66 = arith.constant 0 : i32
      %dma_start3A_67 = tpu.memref_slice %arg7[%dma_start3A_64, %dma_start3A_65, %dma_start3A_66] : memref<2x128x128xf32, #tpu.memory_space<vmem>> -> memref<1x128x128xf32, #tpu.memory_space<vmem>>
      %dma_start3A_68 = tpu.memref_squeeze %dma_start3A_67 : memref<1x128x128xf32, #tpu.memory_space<vmem>> -> memref<128x128xf32, #tpu.memory_space<vmem>>
      %dma_start3A_69 = arith.constant 0 : i32
      %dma_start3A_70 = tpu.memref_slice %arg6[%dma_start3A_62, %dma_start3A_63, %dma_start3A_69] : memref<78x1x128xi32, #tpu.memory_space<vmem>> -> memref<1x1x128xi32, #tpu.memory_space<vmem>>
      %dma_start3A_71 = tpu.memref_squeeze %dma_start3A_70 : memref<1x1x128xi32, #tpu.memory_space<vmem>> -> memref<128xi32, #tpu.memory_space<vmem>>
      %dma_start3A_72 = arith.constant 0 : i32
      %dma_start3A_73 = arith.constant 0 : i32
      %dma_start3A_74 = tpu.memref_slice %arg8[%dma_start3A_72, %dma_start3A_73] : memref<10000x128xf32, #tpu.memory_space<vmem_shared>> -> memref<10000x128xf32, #tpu.memory_space<vmem_shared>>
      tpu.enqueue_indirect_dma source(%dma_start3A_74 : memref<10000x128xf32, #tpu.memory_space<vmem_shared>>) target(%dma_start3A_68 : memref<128x128xf32, #tpu.memory_space<vmem>>) offsets(%dma_start3A_71 : memref<128xi32, #tpu.memory_space<vmem>>) semaphore(%arg9 : memref<!tpu.dma_semaphore, #tpu.memory_space<semaphore_mem>>)
      %dma_wait3A = arith.constant 0 : i32
      %dma_wait3A_75 = arith.constant 0 : i32
      %dma_wait3A_76 = arith.constant 0 : i32
      %dma_wait3A_77 = arith.constant 0 : i32
      %dma_wait3A_78 = arith.constant 0 : i32
      %dma_wait3A_79 = tpu.memref_slice %arg7[%dma_wait3A_76, %dma_wait3A_77, %dma_wait3A_78] : memref<2x128x128xf32, #tpu.memory_space<vmem>> -> memref<1x128x128xf32, #tpu.memory_space<vmem>>
      %dma_wait3A_80 = tpu.memref_squeeze %dma_wait3A_79 : memref<1x128x128xf32, #tpu.memory_space<vmem>> -> memref<128x128xf32, #tpu.memory_space<vmem>>
      %dma_wait3A_81 = arith.constant 0 : i32
      %dma_wait3A_82 = tpu.memref_slice %arg6[%dma_wait3A, %dma_wait3A_75, %dma_wait3A_81] : memref<78x1x128xi32, #tpu.memory_space<vmem>> -> memref<1x1x128xi32, #tpu.memory_space<vmem>>
      %dma_wait3A_83 = tpu.memref_squeeze %dma_wait3A_82 : memref<1x1x128xi32, #tpu.memory_space<vmem>> -> memref<128xi32, #tpu.memory_space<vmem>>
      %dma_wait3A_84 = arith.constant 0 : i32
      %dma_wait3A_85 = arith.constant 0 : i32
      %dma_wait3A_86 = tpu.memref_slice %arg8[%dma_wait3A_84, %dma_wait3A_85] : memref<10000x128xf32, #tpu.memory_space<vmem_shared>> -> memref<10000x128xf32, #tpu.memory_space<vmem_shared>>
      tpu.wait_indirect_dma semaphore(%arg9 : memref<!tpu.dma_semaphore, #tpu.memory_space<semaphore_mem>>) src(%dma_wait3A_86 : memref<10000x128xf32, #tpu.memory_space<vmem_shared>>) dst(%dma_wait3A_80 : memref<128x128xf32, #tpu.memory_space<vmem>>)
      %mul3A_87 = arith.constant 128 : i32
      %mul3A_88 = arith.muli %add3A_61, %mul3A_87 : i32
      %run_scoped3A_89 = arith.constant 0 : i32
      "tpu.region"() ({
        %run_scoped3A_90 = tpu.sem_alloc : memref<!tpu.dma_semaphore, #tpu.memory_space<semaphore_mem>>
        %dma_start3A_91 = arith.constant 0 : i32
        %dma_start3A_92 = arith.constant 0 : i32
        %dma_start3A_93 = tpu.memref_slice %arg7[%run_scoped3A_89, %dma_start3A_91, %dma_start3A_92] : memref<2x128x128xf32, #tpu.memory_space<vmem>> -> memref<1x128x128xf32, #tpu.memory_space<vmem>>
        %dma_start3A_94 = tpu.memref_squeeze %dma_start3A_93 : memref<1x128x128xf32, #tpu.memory_space<vmem>> -> memref<128x128xf32, #tpu.memory_space<vmem>>
        %dma_start3A_95 = arith.constant 0 : i32
        %dma_start3A_96 = tpu.memref_slice %arg5[%mul3A_88, %dma_start3A_95] : memref<320000x128xf32, #tpu.memory_space<hbm>> -> memref<128x128xf32, #tpu.memory_space<hbm>>
        %dma_start3A_97 = arith.constant 0 : i32
        %dma_start3A_98 = tpu.memref_slice %arg5[%mul3A_88, %dma_start3A_97] : memref<320000x128xf32, #tpu.memory_space<hbm>> -> memref<128x128xf32, #tpu.memory_space<hbm>>
        %dma_start3A_99 = arith.constant 0 : i32
        %dma_start3A_100 = arith.constant 0 : i32
        %dma_start3A_101 = tpu.memref_slice %arg7[%run_scoped3A_89, %dma_start3A_99, %dma_start3A_100] : memref<2x128x128xf32, #tpu.memory_space<vmem>> -> memref<1x128x128xf32, #tpu.memory_space<vmem>>
        %dma_start3A_102 = tpu.memref_squeeze %dma_start3A_101 : memref<1x128x128xf32, #tpu.memory_space<vmem>> -> memref<128x128xf32, #tpu.memory_space<vmem>>
        tpu.enqueue_dma source(%dma_start3A_102 : memref<128x128xf32, #tpu.memory_space<vmem>>) target(%dma_start3A_98 : memref<128x128xf32, #tpu.memory_space<hbm>>) target_semaphore(%run_scoped3A_90 : memref<!tpu.dma_semaphore, #tpu.memory_space<semaphore_mem>>)
        %dma_wait3A_103 = arith.constant 0 : i32
        %dma_wait3A_104 = arith.constant 0 : i32
        %dma_wait3A_105 = tpu.memref_slice %arg7[%run_scoped3A_89, %dma_wait3A_103, %dma_wait3A_104] : memref<2x128x128xf32, #tpu.memory_space<vmem>> -> memref<1x128x128xf32, #tpu.memory_space<vmem>>
        %dma_wait3A_106 = tpu.memref_squeeze %dma_wait3A_105 : memref<1x128x128xf32, #tpu.memory_space<vmem>> -> memref<128x128xf32, #tpu.memory_space<vmem>>
        %dma_wait3A_107 = arith.constant 0 : i32
        %dma_wait3A_108 = tpu.memref_slice %arg5[%mul3A_88, %dma_wait3A_107] : memref<320000x128xf32, #tpu.memory_space<hbm>> -> memref<128x128xf32, #tpu.memory_space<hbm>>
        %dma_wait3A_109 = arith.constant 0 : i32
        %dma_wait3A_110 = tpu.memref_slice %arg5[%mul3A_88, %dma_wait3A_109] : memref<320000x128xf32, #tpu.memory_space<hbm>> -> memref<128x128xf32, #tpu.memory_space<hbm>>
        %dma_wait3A_111 = arith.constant 0 : i32
        %dma_wait3A_112 = arith.constant 0 : i32
        %dma_wait3A_113 = tpu.memref_slice %arg7[%run_scoped3A_89, %dma_wait3A_111, %dma_wait3A_112] : memref<2x128x128xf32, #tpu.memory_space<vmem>> -> memref<1x128x128xf32, #tpu.memory_space<vmem>>
        %dma_wait3A_114 = tpu.memref_squeeze %dma_wait3A_113 : memref<1x128x128xf32, #tpu.memory_space<vmem>> -> memref<128x128xf32, #tpu.memory_space<vmem>>
        tpu.wait_dma2 semaphore(%run_scoped3A_90 : memref<!tpu.dma_semaphore, #tpu.memory_space<semaphore_mem>>) src(%dma_wait3A_114 : memref<128x128xf32, #tpu.memory_space<vmem>>) dst(%dma_wait3A_110 : memref<128x128xf32, #tpu.memory_space<hbm>>)
        tpu.yield
      }) : () -> ()
    } else {
    }
    return
  }
}

module attributes {stable_mosaic.version = 14 : i64} {
  func.func @_tkern_body(%arg0: i32, %arg1: memref<3200x128xf32, #tpu.memory_space<vmem>>, %arg2: memref<3200x128xf32, #tpu.memory_space<vmem>>, %arg3: memref<128x128xf32, #tpu.memory_space<vmem>>, %arg4: memref<1x128xf32, #tpu.memory_space<vmem>>, %arg5: memref<3200x128xbf16, #tpu.memory_space<vmem>>) attributes {dimension_semantics = [#tpu.dimension_semantics<arbitrary>], iteration_bounds = array<i64: 100>, scalar_prefetch = 0 : i64, scratch_operands = 0 : i64, tpu.core_type = #tpu.core_type<tc>, window_params = [{transform_indices = @transform_0, window_bounds = array<i64: 3200, 128>}, {transform_indices = @transform_1, window_bounds = array<i64: 3200, 128>}, {pipeline_mode = #tpu.pipeline_mode<synchronous>, transform_indices = @transform_2, window_bounds = array<i64: 128, 128>}, {pipeline_mode = #tpu.pipeline_mode<synchronous>, transform_indices = @transform_3, window_bounds = array<i64: 1, 128>}, {transform_indices = @transform_4, window_bounds = array<i64: 3200, 128>}]} {
    %get3A = arith.constant 0 : index
    %get3A_0 = arith.constant 0 : index
    %get3A_1 = vector.load %arg1[%get3A, %get3A_0] : memref<3200x128xf32, #tpu.memory_space<vmem>>, vector<3200x128xf32>
    %get3A_2 = arith.constant 0 : index
    %get3A_3 = arith.constant 0 : index
    %get3A_4 = vector.load %arg4[%get3A_2, %get3A_3] : memref<1x128xf32, #tpu.memory_space<vmem>>, vector<1x128xf32>
    %add3A = vector.broadcast %get3A_4 : vector<1x128xf32> to vector<3200x128xf32>
    %add3A_5 = arith.addf %get3A_1, %add3A : vector<3200x128xf32>
    %get3A_6 = arith.constant 0 : index
    %get3A_7 = arith.constant 0 : index
    %get3A_8 = vector.load %arg2[%get3A_6, %get3A_7] : memref<3200x128xf32, #tpu.memory_space<vmem>>, vector<3200x128xf32>
    %get3A_9 = arith.constant 0 : index
    %get3A_10 = arith.constant 0 : index
    %get3A_11 = vector.load %arg3[%get3A_9, %get3A_10] : memref<128x128xf32, #tpu.memory_space<vmem>>, vector<128x128xf32>
    %dot_general3A = arith.constant dense<0.000000e+00> : vector<3200x128xf32>
    %dot_general3A_12 = tpu.matmul %get3A_8, %get3A_11, %dot_general3A {dimension_numbers = #tpu.dot_dimension_numbers<[1], [1], [0], [0], [0, 0, 1, 0], [], []>, transpose_lhs_hint = false} : vector<3200x128xf32>, vector<128x128xf32>, vector<3200x128xf32> -> vector<3200x128xf32>
    %sub3A = arith.subf %add3A_5, %dot_general3A_12 : vector<3200x128xf32>
    %convert_element_type3A = arith.truncf %sub3A : vector<3200x128xf32> to vector<3200x128xbf16>
    %swap3A = arith.constant 0 : index
    %swap3A_13 = arith.constant 0 : index
    %swap3A_14 = vector.load %arg5[%swap3A, %swap3A_13] : memref<3200x128xbf16, #tpu.memory_space<vmem>>, vector<3200x128xbf16>
    tpu.vector_store %arg5[%swap3A, %swap3A_13], %convert_element_type3A {strides = array<i32>} : memref<3200x128xbf16, #tpu.memory_space<vmem>>, vector<3200x128xbf16>,
    return
  }
  func.func @transform_0(%arg0: i32) -> (i32, i32) {
    %c0_i32 = arith.constant 0 : i32
    %c0_i32_0 = arith.constant 0 : i32
    return %arg0, %c0_i32 : i32, i32
  }
  func.func @transform_1(%arg0: i32) -> (i32, i32) {
    %c0_i32 = arith.constant 0 : i32
    %c0_i32_0 = arith.constant 0 : i32
    return %arg0, %c0_i32 : i32, i32
  }
  func.func @transform_2(%arg0: i32) -> (i32, i32) {
    %c0_i32 = arith.constant 0 : i32
    %c0_i32_0 = arith.constant 0 : i32
    %c0_i32_1 = arith.constant 0 : i32
    return %c0_i32, %c0_i32_0 : i32, i32
  }
  func.func @transform_3(%arg0: i32) -> (i32, i32) {
    %c0_i32 = arith.constant 0 : i32
    %c0_i32_0 = arith.constant 0 : i32
    %c0_i32_1 = arith.constant 0 : i32
    return %c0_i32, %c0_i32_0 : i32, i32
  }
  func.func @transform_4(%arg0: i32) -> (i32, i32) {
    %c0_i32 = arith.constant 0 : i32
    %c0_i32_0 = arith.constant 0 : i32
    return %arg0, %c0_i32 : i32, i32
  }
}

module attributes {stable_mosaic.version = 14 : i64} {
  func.func @_mw_body(%arg0: memref<2x10000x128xf32, #tpu.memory_space<vmem>>, %arg1: memref<128x128xf32, #tpu.memory_space<vmem>>, %arg2: memref<10000x128xf32, #tpu.memory_space<vmem>>) attributes {dimension_semantics = [], scalar_prefetch = 0 : i64, scratch_operands = 0 : i64, tpu.core_type = #tpu.core_type<tc>} {
    %get3A = arith.constant 0 : index
    %get3A_0 = arith.constant 0 : index
    %get3A_1 = arith.constant 0 : index
    %get3A_2 = vector.load %arg0[%get3A, %get3A_0, %get3A_1] : memref<2x10000x128xf32, #tpu.memory_space<vmem>>, vector<1x10000x128xf32>
    %get3A_3 = vector.shape_cast %get3A_2 : vector<1x10000x128xf32> to vector<10000x128xf32>
    %get3A_4 = arith.constant 1 : index
    %get3A_5 = arith.constant 0 : index
    %get3A_6 = arith.constant 0 : index
    %get3A_7 = vector.load %arg0[%get3A_4, %get3A_5, %get3A_6] : memref<2x10000x128xf32, #tpu.memory_space<vmem>>, vector<1x10000x128xf32>
    %get3A_8 = vector.shape_cast %get3A_7 : vector<1x10000x128xf32> to vector<10000x128xf32>
    %add3A = arith.addf %get3A_3, %get3A_8 : vector<10000x128xf32>
    %get3A_9 = arith.constant 0 : index
    %get3A_10 = arith.constant 0 : index
    %get3A_11 = vector.load %arg1[%get3A_9, %get3A_10] : memref<128x128xf32, #tpu.memory_space<vmem>>, vector<128x128xf32>
    %dot_general3A = arith.constant dense<0.000000e+00> : vector<10000x128xf32>
    %dot_general3A_12 = tpu.matmul %add3A, %get3A_11, %dot_general3A {dimension_numbers = #tpu.dot_dimension_numbers<[1], [1], [0], [0], [0, 0, 1, 0], [], []>, transpose_lhs_hint = false} : vector<10000x128xf32>, vector<128x128xf32>, vector<10000x128xf32> -> vector<10000x128xf32>
    %swap3A = arith.constant 0 : index
    %swap3A_13 = arith.constant 0 : index
    %swap3A_14 = vector.load %arg2[%swap3A, %swap3A_13] : memref<10000x128xf32, #tpu.memory_space<vmem>>, vector<10000x128xf32>
    tpu.vector_store %arg2[%swap3A, %swap3A_13], %dot_general3A_12 {strides = array<i32>} : memref<10000x128xf32, #tpu.memory_space<vmem>>, vector<10000x128xf32>,
    return
  }
}

module attributes {stable_mosaic.version = 14 : i64} {
  func.func @_add_body(%arg0: i32, %arg1: memref<3200x128xbf16, #tpu.memory_space<vmem>>, %arg2: memref<3200x128xf32, #tpu.memory_space<vmem>>, %arg3: memref<3200x128xf32, #tpu.memory_space<vmem>>) attributes {dimension_semantics = [#tpu.dimension_semantics<arbitrary>], iteration_bounds = array<i64: 100>, scalar_prefetch = 0 : i64, scratch_operands = 0 : i64, tpu.core_type = #tpu.core_type<tc>, window_params = [{transform_indices = @transform_0, window_bounds = array<i64: 3200, 128>}, {transform_indices = @transform_1, window_bounds = array<i64: 3200, 128>}, {transform_indices = @transform_2, window_bounds = array<i64: 3200, 128>}]} {
    %get3A = arith.constant 0 : index
    %get3A_0 = arith.constant 0 : index
    %get3A_1 = vector.load %arg1[%get3A, %get3A_0] : memref<3200x128xbf16, #tpu.memory_space<vmem>>, vector<3200x128xbf16>
    %convert_element_type3A = arith.extf %get3A_1 : vector<3200x128xbf16> to vector<3200x128xf32>
    %get3A_2 = arith.constant 0 : index
    %get3A_3 = arith.constant 0 : index
    %get3A_4 = vector.load %arg2[%get3A_2, %get3A_3] : memref<3200x128xf32, #tpu.memory_space<vmem>>, vector<3200x128xf32>
    %add3A = arith.addf %convert_element_type3A, %get3A_4 : vector<3200x128xf32>
    %swap3A = arith.constant 0 : index
    %swap3A_5 = arith.constant 0 : index
    %swap3A_6 = vector.load %arg3[%swap3A, %swap3A_5] : memref<3200x128xf32, #tpu.memory_space<vmem>>, vector<3200x128xf32>
    tpu.vector_store %arg3[%swap3A, %swap3A_5], %add3A {strides = array<i32>} : memref<3200x128xf32, #tpu.memory_space<vmem>>, vector<3200x128xf32>,
    return
  }
  func.func @transform_0(%arg0: i32) -> (i32, i32) {
    %c0_i32 = arith.constant 0 : i32
    %c0_i32_0 = arith.constant 0 : i32
    return %arg0, %c0_i32 : i32, i32
  }
  func.func @transform_1(%arg0: i32) -> (i32, i32) {
    %c0_i32 = arith.constant 0 : i32
    %c0_i32_0 = arith.constant 0 : i32
    return %arg0, %c0_i32 : i32, i32
  }
  func.func @transform_2(%arg0: i32) -> (i32, i32) {
    %c0_i32 = arith.constant 0 : i32
    %c0_i32_0 = arith.constant 0 : i32
    return %arg0, %c0_i32 : i32, i32
  }
}

</mosaic_0001>

<sc_bundles>
// kernel: kernel.10.cloned.1.call-start
scs
__scs_entry_jumppad:
0x0: {  	(pc) =	sbr.rel $0x88, $3  }
0x1: {  	(tag) =	ssettag $0x0;
	lr =	simm.s32 $0x1  }
0x2: {  	[smem:$0x3F9C] =	sst lr;
	_ =	strace $0xD0000000  }
0x3: {  	_ = 	snop  }
0x4: {  	_ = 	snop  }
0x5: {  	_ = 	snop  }
0x6: {  	_ = 	snop  }
0x7: {  	_ = 	snop  }
__scs_overlays_trampoline_lowered:
0x8: {  	[smem:$0x3FAB] =	sst s0  }
0x9: {  	[smem:$0x3FAC] =	sst s1  }
0xa: {  	[smem:$0x3FAD] =	sst s2  }
0xb: {  	[smem:$0x3FAE] =	sst s3  }
0xc: {  	[smem:$0x3FAF] =	sst s4  }
0xd: {  	[smem:$0x3FB0] =	sst s5  }
0xe: {  	[smem:$0x3FB1] =	sst s6  }
0xf: {  	[smem:$0x3FB2] =	sst s7  }
0x10: {  	[smem:$0x3FB3] =	sst s8  }
0x11: {  	[smem:$0x3FB4] =	sst s9;
	s0 =	simm.s32 @!p0 $0x0  }
0x12: {  	s1 =	sld [smem:$0x3F9A];
	s0 =	simm.s32 @p0 $0x1  }
0x13: {  	[smem:$0x3FB5] =	sst s0;
	s0 =	simm.s32 @!p1 $0x0  }
0x14: {  	s2 =	sld [smem:$0x3F99];
	s0 =	simm.s32 @p1 $0x1  }
0x15: {  	[smem:$0x3FB6] =	sst s0;
	s0 =	simm.s32 @!p2 $0x0  }
0x16: {  	s3 =	sld [smem:$0x3FDB];
	s0 =	simm.s32 @p2 $0x1  }
0x17: {  	s4 =	simm.s32 $0x1BF5;
	[smem:$0x3FB8] =	sst s0  }
0x18: {  	s0 =	sld [smem:$0x3F9B];
	_ =	swait.ge [sflag:s4], $0x0  }
0x19: {  	s7 =	sld [smem:$0x3F9C]  }
0x1a: {  	s8 =	sadd.s32 $0xFFFFE003, lr  }
0x1b: {  	s9 =	sadd.s32 $0xFFFFFEF7, lr;
	s5 =	simm.s32 $0xFFFFFFFF;
	p2 =	slt.u32 s8, $0xFFFFF086  }
0x1c: {  	p1 =	slt.u32 s9, $0xF7A;
	s5 =	simm.s32 @!p2 $0x0  }
0x1d: {  	s5 =	simm.s32 @p1 $0x1;
	p0 =	seq.s32 s7, s2  }
0x1e: {  	s7 =	smul.u32 @!p0 $0xF7A, s2;
	p2 =	seq.s32 @!p0 s5, $0x0  }
0x1f: {  	s9 =	smul.u32 $0xF7A, s1;
	s8 =	simm.s32 @!p0 $0x1BF5;
	p2 =	por !p2, p0  }
0x20: {  	[sflag:s8] =	ssyncset.s32 @!p0 $0xFFFFF086;
	s6 =	sadd.s32 @!p0 s3, s7;
	s7 =	simm.s32 @!p0 $0x108  }
0x21: {  	s3 =	sadd.s32 s3, s9;
	s6 =	sadd.s32 @!p0 $0x88, s6;
	s7 =	simm.s32 @p2 $0x1082  }
0x22: {  	[simem:s7], [sflag:s8] =	dma.local @!p0 [hbm:s6], $0xF7A  }
0x23: {  	s9 =	sor.u32 $0xD0000000, s2;
	s6 =	simm.s32 $0x108;
	_ =	swait.ge @!p0 [sflag:s8], $0x0  }
0x24: {  	s3 =	sadd.s32 $0x88, s3;
	s6 =	simm.s32 @!p1 $0x1082;
	[sflag:s4] =	ssyncset.s32 $0xFFFFF086  }
0x25: {  	[simem:s6], [sflag:s4] =	dma.local [hbm:s3], $0xF7A  }
0x26: {  	[smem:$0x3F9C] =	sst s1;
	(tag) =	ssettag s2;
	_ =	strace s9  }
0x27: {  	s1 =	sld [smem:$0x3FAC]  }
0x28: {  	s2 =	sld [smem:$0x3FAD]  }
0x29: {  	s4 =	sld [smem:$0x3FAF]  }
0x2a: {  	p0 =	seq.s32 s5, $0x0;
	s5 =	sld [smem:$0x3FB0]  }
0x2b: {  	s6 =	sld [smem:$0x3FB1]  }
0x2c: {  	s7 =	sld [smem:$0x3FB2]  }
0x2d: {  	s3 =	simm.s32 $0x108;
	s8 =	sld [smem:$0x3FB3]  }
0x2e: {  	s3 =	simm.s32 @!p0 $0x1082;
	s9 =	sld [smem:$0x3FB4]  }
0x2f: {  	lr =	sadd.s32 s0, s3;
	s0 =	sld [smem:$0x3FAB]  }
0x30: {  	s3 =	sld [smem:$0x3FAE]  }
0x31: {  	[smem:$0x3FB7] =	sst s10  }
0x32: {  	s10 =	sld [smem:$0x3FB5];
	_ =	sdelay $0x3  }
0x33: {  	p0 =	seq.s32 s10, $0x1;
	s10 =	sld [smem:$0x3FB7];
	_ =	sdelay $0x3  }
0x34: {  	[smem:$0x3FB7] =	sst s10  }
0x35: {  	s10 =	sld [smem:$0x3FB6];
	_ =	sdelay $0x3  }
0x36: {  	p1 =	seq.s32 s10, $0x1;
	s10 =	sld [smem:$0x3FB7];
	_ =	sdelay $0x3  }
0x37: {  	[smem:$0x3FB7] =	sst s10  }
0x38: {  	s10 =	sld [smem:$0x3FB8]  }
0x39: {  	_ = 	snop;
	(pc) =	sbr.ind lr, $3  }
0x3a: {  	_ = 	snop  }
0x3b: {  	_ = 	snop  }
0x3c: {  	p2 =	seq.s32 s10, $0x1;
	s10 =	sld [smem:$0x3FB7]  }
0x3d: {  	_ =	shalt  }
0x3e: {  	_ =	shalt  }
0x3f: {  	_ =	shalt  }
0x40: {  	_ =	shalt  }
0x41: {  	_ =	shalt  }
0x42: {  	_ =	shalt  }
0x43: {  	_ =	shalt  }
0x44: {  	_ =	shalt  }
0x45: {  	_ =	shalt  }
0x46: {  	_ =	shalt  }
0x47: {  	_ =	shalt  }
0x48: {  	_ =	shalt  }
0x49: {  	_ =	shalt  }
0x4a: {  	_ =	shalt  }
0x4b: {  	_ =	shalt  }
0x4c: {  	_ =	shalt  }
0x4d: {  	_ =	shalt  }
0x4e: {  	_ =	shalt  }
0x4f: {  	_ =	shalt  }
0x50: {  	_ =	shalt  }
0x51: {  	_ =	shalt  }
0x52: {  	_ =	shalt  }
0x53: {  	_ =	shalt  }
0x54: {  	_ =	shalt  }
0x55: {  	_ =	shalt  }
0x56: {  	_ =	shalt  }
0x57: {  	_ =	shalt  }
0x58: {  	_ =	shalt  }
0x59: {  	_ =	shalt  }
0x5a: {  	_ =	shalt  }
0x5b: {  	_ =	shalt  }
0x5c: {  	_ =	shalt  }
0x5d: {  	_ =	shalt  }
0x5e: {  	_ =	shalt  }
0x5f: {  	_ =	shalt  }
0x60: {  	_ =	shalt  }
0x61: {  	_ =	shalt  }
0x62: {  	_ =	shalt  }
0x63: {  	_ =	shalt  }
0x64: {  	_ =	shalt  }
0x65: {  	_ =	shalt  }
0x66: {  	_ =	shalt  }
0x67: {  	_ =	shalt  }
0x68: {  	_ =	shalt  }
0x69: {  	_ =	shalt  }
0x6a: {  	_ =	shalt  }
0x6b: {  	_ =	shalt  }
0x6c: {  	_ =	shalt  }
0x6d: {  	_ =	shalt  }
0x6e: {  	_ =	shalt  }
0x6f: {  	_ =	shalt  }
0x70: {  	_ =	shalt  }
0x71: {  	_ =	shalt  }
0x72: {  	_ =	shalt  }
0x73: {  	_ =	shalt  }
0x74: {  	_ =	shalt  }
0x75: {  	_ =	shalt  }
0x76: {  	_ =	shalt  }
0x77: {  	_ =	shalt  }
0x78: {  	_ =	shalt  }
0x79: {  	_ =	shalt  }
0x7a: {  	_ =	shalt  }
0x7b: {  	_ =	shalt  }
0x7c: {  	_ =	shalt  }
0x7d: {  	_ =	shalt  }
0x7e: {  	_ =	shalt  }
0x7f: {  	_ =	shalt  }
0x80: {  	_ =	shalt  }
0x81: {  	_ =	shalt  }
0x82: {  	_ =	shalt  }
0x83: {  	_ =	shalt  }
0x84: {  	_ =	shalt  }
0x85: {  	_ =	shalt  }
0x86: {  	_ =	shalt  }
0x87: {  	_ =	shalt  }
.Lfunc_end0:
.L_simem_size_0:
called_computation.1_lowered:
.L_overlay_start_0:
0x88: {  	s2 =	sld [smem:$0x3FD9]  }
0x89: {  	s3 =	sld [smem:$0x3FFE];
	_ =	sdelay $0x1  }
0x8a: {  	s1 =	srdreg.scid  }
0x8b: {  	s0 =	sand.u32 $0x1, s1  }
0x8c: {  	s17 =	sshll.u32 s0, $0xA;
	s2 =	sadd.s32 s3, s2  }
0x8d: {  	s2 =	sadd.s32 s2, s17  }
0x8e: {  	[smem:$0x3FC3] =	sst s2  }
0x8f: {  	_ = 	snop  }
0x90: {  	s2 =	sld [smem:$0x3FD0];
	(tm) =	ssettm $0x1  }
0x91: {  	s18 =	sld [smem:$0x3FFB];
	_ =	sdelay $0x3  }
0x92: {  	_ =	strace s18  }
0x93: {  	s3 =	sld [smem:$0x3FFC];
	_ =	sdelay $0x3  }
0x94: {  	_ =	strace s3  }
0x95: {  	s3 =	sld [smem:$0x3FFD];
	_ =	sdelay $0x3  }
0x96: {  	_ =	strace s3  }
0x97: {  	_ =	strace $0x8FFFFFFF  }
0x98: {  	s19 =	sld [smem:$0x3FDB];
	_ =	sdelay $0x1  }
0x99: {  	s4 =	simm.s32 $_scs_section_size  }
0x9a: {  	s5 =	simm.s32 $_size__tile_overlayer_lowered;
	s6 =	simm.s32 $_tile_overlayer_lowered  }
0x9b: {  	s22 =	simm.s32 $0x1BFF;
	s21 =	sshll.u32 s6, $0x1;
	s3 =	sadd.s32 s4, s19  }
0x9c: {  	s7 =	simm.s32 $0x0;
	s20 =	sshll.u32 s5, $0x1;
	s5 =	sadd.s32 s21, s3  }
0x9d: {  	[timem:s7], [sflag:s22] =	dma.local [hbm:s5], s20  }
0x9e: {  	_ =	swait.ge [sflag:s22], s20  }
0x9f: {  	s4 =	ssub.s32 $0x0, s20;
	[sflag:s22] =	ssyncset.done $0x0  }
0xa0: {  	[sflag:s22] =	ssyncadd.s32 s4;
	_ =	sdelay $0x1  }
0xa1: {  	s23 =	simm.s32 $0x1B8B  }
0xa2: {  	_ =	swait.ge [sflag:s23], $0x1  }
0xa3: {  	[sflag:s23] =	ssyncset.done $0x0  }
0xa4: {  	s25 =	simm.s32 $0x1B8E;
	s24 =	sld [smem:$0x3FFE];
	[sflag:s23] =	ssyncadd.s32 $0xFFFFFFFF  }
0xa5: {  	s26 =	simm.s32 $execute0_lowered;
	[smem:$0x3FD2] =	sst s25  }
0xa6: {  	s5 =	sshll.u32 s26, $0x1;
	_ =	strace $0x80000049;
	[dreg:$0x1] =	wrdreg $0xFFFFFFFF  }
0xa7: {  	s28 =	simm.s32 $_size_execute0_lowered;
	s3 =	sadd.s32 s3, s5;
	[dreg:$0x0] =	wrdreg $0x0  }
0xa8: {  	s5 =	sshll.u32 s28, $0x1;
	[dreg:$0x2] =	wrdreg s3  }
0xa9: {  	[dreg:$0x3] =	wrdreg s5  }
0xaa: {  	[dreg:$0x4] =	wrdreg $0xC0  }
0xab: {  	_ =	task [dreg:s7], $0x5FFFF  }
0xac: {  	[dreg:$0x1] =	wrdreg $0xFFFFFFFF  }
0xad: {  	[dreg:$0x0] =	wrdreg $0x60  }
0xae: {  	[dreg:$0x2] =	wrdreg s2  }
0xaf: {  	[dreg:$0x3] =	wrdreg s24  }
0xb0: {  	[dreg:$0x4] =	wrdreg $0xA7000  }
0xb1: {  	[dreg:$0x5] =	wrdreg $0x9  }
0xb2: {  	_ =	task.clear_ibuf [dreg:s7], $0x6FFFF;
	_ =	strace $0x90000049  }
0xb3: {  	s29 =	simm.s32 $0x9;
	_ =	strace $0x8000004B  }
0xb4: {  	_ =	swait.ge [sflag:s29], $0x1  }
0xb5: {  	[sflag:s29] =	ssyncadd.s32 $0xFFFFFFFF  }
0xb6: {  	_ =	strace $0x9000004B  }
0xb7: {  	_ =	sfence  }
0xb8: {  	s30 =	sld [smem:$0x0];
	_ =	sdelay $0x2  }
0xb9: {  	s31 =	sshll.u32 s1, $0xD;
	s1 =	sshrl.u32 s1, $0x2  }
0xba: {  	s3 =	sand.u32 $0x4000, s31;
	s1 =	sadd.s32 s1, s30  }
0xbb: {  	s0 =	sor.u32 s3, s0;
	s1 =	sshll.u32 s1, $0x11  }
0xbc: {  	s0 =	sor.u32 s1, s0  }
0xbd: {  	s0 =	sadd.s32 $0x8F2B, s0  }
0xbe: {  	[sflag:s0] =	ssyncadd.remote.s32 $0x1  }
0xbf: {  	_ =	sfence.sel $0xFFFF  }
0xc0: {  	[dreg:$0x0] =	wrdreg $0xFFFFFFFF;
	(pc) =	sbr.abs _section_cstart, $3  }
0xc1: {  	[dreg:$0x1] =	wrdreg $0xFFFFFFFF  }
0xc2: {  	_ =	task.clear_ibuf [dreg:s7], $0x2FFFF;
	_ =	strace $0x9FFFFFFF  }
0xc3: {  	(tm) =	ssettm $0x7FFFFFFF  }
tec
execute0_lowered:
.L_overlay_start_1:
0x0: {  	(tag) =	ssettag $0x1  }
0x1: {  	s0 =	rddreg [dreg:$0x0]  }
0x2: {  	s2 =	rddreg [dreg:$0x1]  }
0x3: {  	s1 =	rddreg [dreg:$0x2];
	s3 =	simm.s32 $0x0;
	s4 =	srdreg.scid  }
0x4: {  	s25 =	stileid.u32;
	s28 =	simm.s32 $0x80;
	s29 =	simm.s32 $0x6700  }
0x5: {  	s30 =	simm.s32 $0x2;
	[smem:$0x7FF] =	sst s3;
	s11 =	smul.u32 $0x270, s25  }
0x6: {  	s20 =	sand.u32 $0x1, s4;
	s16 =	sadd.s32 $0xB000, s2;
	s5 =	smul.u32 $0x2700, s25  }
0x7: {  	s7 =	sshll.u32 s25, $0x1;
	s21 =	smul.u32 $0x4E000, s25;
	s2 =	sadd.s32 $0x285E00, s2  }
0x8: {  	p0 =	sgt.u32 s25, $0x1;
	_ =	strace $0x8000004A;
	s4 =	ssub.s32 $0x2, s20  }
0x9: {  	s18 =	sor.u32 s20, s7;
	s6 =	sshrl.u32 s4, $0x1;
	s12 =	sadd.s32 s0, s5  }
0xa: {  	s13 =	sshrl.u32 s21, $0x2;
	s14 =	sadd.s32 $0x80, s11;
	s26 =	smul.u32 $0x4E0, s18  }
0xb: {  	s22 =	sadd.s32 $0x100, s11;
	s5 =	smul.u32 $0x27000, s18;
	s19 =	ssub.s32 s4, s6  }
0xc: {  	[dreg:$0x4] =	wrdreg s12;
	s15 =	sadd.s32 s13, s1;
	s17 =	sshll.u32 s14, $0x4  }
0xd: {  	s8 =	sshll.u32 s14, $0x7;
	s9 =	sshll.u32 s22, $0x4;
	s10 =	sshll.u32 s22, $0x7  }
0xe: {  	s12 =	sadd.s32 $0x180, s11;
	s13 =	sadd.s32 $0x200, s11;
	s14 =	sshll.u32 s25, $0x3  }
0xf: {  	s4 =	smul.u32 $0x4E, s20;
	[dreg:$0x5] =	wrdreg s15;
	s6 =	sadd.s32 s0, s17  }
0x10: {  	s7 =	sadd.s32 s8, s1;
	s8 =	sadd.s32 s0, s9;
	s9 =	sadd.s32 s10, s1  }
0x11: {  	s23 =	sshll.u32 s12, $0x4;
	s12 =	sshll.u32 s12, $0x7;
	s24 =	sshll.u32 s13, $0x4  }
0x12: {  	s13 =	sshll.u32 s13, $0x7;
	s15 =	sor.u32 $0x2700, s14;
	s17 =	sshll.u32 s18, $0x7  }
0x13: {  	s19 =	smax.u32 s19, $0x1;
	s10 =	sadd.s32 s0, s23;
	s11 =	sadd.s32 s12, s1  }
0x14: {  	s12 =	sadd.s32 s0, s24;
	s13 =	sadd.s32 s13, s1;
	s14 =	sshll.u32 s15, $0x4  }
0x15: {  	s22 =	sor.u32 $0x4E000, s17;
	s31 =	sshll.u32 s15, $0x7;
	s24 =	smul.u32 $0x9C, s25  }
0x16: {  	s15 =	sadd.s32 s16, s26;
	s26 =	sadd.s32 s2, s5;
	s25 =	simm.s32 $0x3  }
0x17: {  	s14 =	sadd.s32 s0, s14;
	s23 =	sshrl.u32 s22, $0x3;
	s17 =	sadd.s32 s31, s1  }
0x18: {  	s22 =	sshll.u32 s22, $0x4;
	s31 =	smul.u32 $0x27000, s20;
	s0 =	sadd.s32 s4, s24  }
0x19: {  	s20 =	sadd.s32 $0x26000, s26;
	s16 =	sadd.s32 s16, s23;
	s0 =	sshll.u32 s0, $0xB  }
0x1a: {  	s18 =	sadd.s32 s2, s22;
	s24 =	simm.s32 $0x2700;
	s0 =	sadd.s32 s0, s2  }
0x1b: {  	s2 =	sadd.s32 s21, s2;
	s21 =	sadd.s32 $0x26800, s26;
	s26 =	simm.s32 $0x1  }
0x1c: {  	s22 =	sadd.s32 $0x800, s0;
	s23 =	sadd.s32 s31, s2;
	s0 =	simm.s32 $0x0  }
.LBB2_1:
0x1d: {  	s2 =	rddreg [dreg:$0x4]  }
0x1e: {  	[tilespmem:s24], [sflag:$0x3] =	stream.linear.gather [hbm4b:s2+s3], $0x4000, $0x38;
	[tilespmem:$0x1DF80] =	vst v63  }
0x1f: {  	_ =	swait.ge [sflag:s25], $0x4000  }
0x20: {  	[sflag:s25] =	ssyncset.done $0x0  }
0x21: {  	s4 =	rddreg [dreg:$0x5];
	[sflag:s25] =	ssyncadd.s32 $0xFFFFC000  }
0x22: {  	[spmem:s4] =	stream.linear.scatter [tilespmem:s24], [sflag:$0x3], $0x4000, $0x38;
	[tilespmem:$0x1DF80] =	vst v63  }
0x23: {  	_ =	swait.ge [sflag:s25], $0x4000  }
0x24: {  	[sflag:s25] =	ssyncset.done $0x0  }
0x25: {  	[sflag:s25] =	ssyncadd.s32 $0xFFFFC000  }
0x26: {  	[tilespmem:s24], [sflag:$0x3] =	stream.linear.gather [hbm4b:s6+s3], $0x4000, $0x38;
	[tilespmem:$0x1DF80] =	vst v63  }
0x27: {  	_ =	swait.ge [sflag:s25], $0x4000  }
0x28: {  	[sflag:s25] =	ssyncset.done $0x0  }
0x29: {  	[sflag:s25] =	ssyncadd.s32 $0xFFFFC000  }
0x2a: {  	[spmem:s7] =	stream.linear.scatter [tilespmem:s24], [sflag:$0x3], $0x4000, $0x38;
	[tilespmem:$0x1DF80] =	vst v63  }
0x2b: {  	_ =	swait.ge [sflag:s25], $0x4000  }
0x2c: {  	[sflag:s25] =	ssyncset.done $0x0  }
0x2d: {  	[sflag:s25] =	ssyncadd.s32 $0xFFFFC000  }
0x2e: {  	[tilespmem:s24], [sflag:$0x3] =	stream.linear.gather [hbm4b:s8+s3], $0x4000, $0x38;
	[tilespmem:$0x1DF80] =	vst v63  }
0x2f: {  	_ =	swait.ge [sflag:s25], $0x4000  }
0x30: {  	[sflag:s25] =	ssyncset.done $0x0  }
0x31: {  	[sflag:s25] =	ssyncadd.s32 $0xFFFFC000  }
0x32: {  	[spmem:s9] =	stream.linear.scatter [tilespmem:s24], [sflag:$0x3], $0x4000, $0x38;
	[tilespmem:$0x1DF80] =	vst v63  }
0x33: {  	_ =	swait.ge [sflag:s25], $0x4000  }
0x34: {  	[sflag:s25] =	ssyncset.done $0x0  }
0x35: {  	[sflag:s25] =	ssyncadd.s32 $0xFFFFC000  }
0x36: {  	[tilespmem:s24], [sflag:$0x3] =	stream.linear.gather [hbm4b:s10+s3], $0x4000, $0x38;
	[tilespmem:$0x1DF80] =	vst v63  }
0x37: {  	_ =	swait.ge [sflag:s25], $0x4000  }
0x38: {  	[sflag:s25] =	ssyncset.done $0x0  }
0x39: {  	[sflag:s25] =	ssyncadd.s32 $0xFFFFC000  }
0x3a: {  	[spmem:s11] =	stream.linear.scatter [tilespmem:s24], [sflag:$0x3], $0x4000, $0x38;
	[tilespmem:$0x1DF80] =	vst v63  }
0x3b: {  	_ =	swait.ge [sflag:s25], $0x4000  }
0x3c: {  	[sflag:s25] =	ssyncset.done $0x0  }
0x3d: {  	[sflag:s25] =	ssyncadd.s32 $0xFFFFC000  }
0x3e: {  	[tilespmem:s24], [sflag:$0x3] =	stream.linear.gather [hbm4b:s12+s3], $0x3800, $0x38;
	[tilespmem:$0x1DF80] =	vst v63  }
0x3f: {  	_ =	swait.ge [sflag:s25], $0x3800  }
0x40: {  	[sflag:s25] =	ssyncset.done $0x0  }
0x41: {  	[sflag:s25] =	ssyncadd.s32 $0xFFFFC800  }
0x42: {  	[spmem:s13] =	stream.linear.scatter [tilespmem:s24], [sflag:$0x3], $0x3800, $0x38;
	[tilespmem:$0x1DF80] =	vst v63  }
0x43: {  	_ =	swait.ge [sflag:s25], $0x3800  }
0x44: {  	[sflag:s25] =	ssyncset.done $0x0  }
0x45: {  	s31 =	simm.s32 @!p0 $0x2700;
	s2 =	simm.s32 @!p0 $0x0;
	[sflag:s25] =	ssyncadd.s32 $0xFFFFC800  }
0x46: {  	[tilespmem:s31], [sflag:$0x3] =	stream.linear.gather @!p0 [hbm4b:s14+s2], $0x400, $0x38;
	[tilespmem:$0x1DF80] =	vst v63  }
0x47: {  	s2 =	simm.s32 @!p0 $0x3  }
0x48: {  	_ =	swait.ge @!p0 [sflag:s2], $0x400  }
0x49: {  	[sflag:s2] =	ssyncset.done @!p0 $0x0  }
0x4a: {  	[sflag:s2] =	ssyncadd.s32 @!p0 $0xFFFFFC00  }
0x4b: {  	[spmem:s17] =	stream.linear.scatter @!p0 [tilespmem:s31], [sflag:$0x3], $0x400, $0x38;
	[tilespmem:$0x1DF80] =	vst v63  }
0x4c: {  	_ =	swait.ge @!p0 [sflag:s2], $0x400  }
0x4d: {  	[sflag:s2] =	ssyncset.done @!p0 $0x0  }
0x4e: {  	[sflag:s2] =	ssyncadd.s32 @!p0 $0xFFFFFC00  }
0x4f: {  	[bflag:$0x0] =	sbarrier.arrive $0xFFFF  }
0x50: {  	[tilespmem:s3], [sflag:$0x3] =	stream.linear.gather [hbm4b:s15+s3], $0x2700, $0x38;
	[tilespmem:$0x1DF80] =	vst v63  }
0x51: {  	_ =	swait.ge [sflag:s25], $0x2700  }
0x52: {  	[sflag:s25] =	ssyncset.done $0x0  }
0x53: {  	[sflag:s25] =	ssyncadd.s32 $0xFFFFD900  }
0x54: {  	[tilespmem:s24], [sflag:$0x1] =	stream.indirect.gather [spmem:s1], $0x80, s3, s28, $0xb8;
	[tilespmem:$0x1DF80] =	vst v63  }
0x55: {  	_ =	swait.ge [sflag:s26], $0x4000  }
0x56: {  	[sflag:s26] =	ssyncset.done $0x0  }
0x57: {  	[sflag:s26] =	ssyncadd.s32 $0xFFFFC000  }
0x58: {  	[tilespmem:s29], [sflag:$0x2] =	stream.indirect.gather [spmem:s1], $0x80, s28, s28, $0xb8;
	[tilespmem:$0x1DF80] =	vst v63  }
0x59: {  	s5 =	sadd.s32 $0x0, s23  }
0x5a: {  	[hbm4b:s5+s3] =	stream.linear.scatter [tilespmem:s24], [sflag:$0x3], $0x4000, $0x38;
	[tilespmem:$0x1DF80] =	vst v63  }
0x5b: {  	_ =	swait.ge [sflag:s25], $0x4000  }
0x5c: {  	[sflag:s25] =	ssyncset.done $0x0  }
0x5d: {  	[sflag:s25] =	ssyncadd.s32 $0xFFFFC000  }
0x5e: {  	_ =	swait.ge [sflag:s30], $0x4000  }
0x5f: {  	[sflag:s30] =	ssyncset.done $0x0  }
0x60: {  	s4 =	simm.s32 $0x100;
	[sflag:s30] =	ssyncadd.s32 $0xFFFFC000  }
0x61: {  	[tilespmem:s24], [sflag:$0x1] =	stream.indirect.gather [spmem:s1], $0x80, s4, s28, $0xb8;
	[tilespmem:$0x1DF80] =	vst v63  }
0x62: {  	s5 =	sadd.s32 $0x0, s22  }
0x63: {  	[hbm4b:s5+s3] =	stream.linear.scatter [tilespmem:s29], [sflag:$0x3], $0x4000, $0x38;
	[tilespmem:$0x1DF80] =	vst v63  }
0x64: {  	_ =	swait.ge [sflag:s25], $0x4000  }
0x65: {  	s31 =	simm.s32 $0x80;
	s2 =	simm.s32 $0x1000;
	[sflag:s25] =	ssyncset.done $0x0  }
.LBB2_2:
0x66: {  	p1 =	sne.s32 s2, $0x25000;
	[sflag:s25] =	ssyncadd.s32 $0xFFFFC000;
	s31 =	sadd.s32 $0x100, s31  }
0x67: {  	s4 =	smov.u32 s2;
	s2 =	sadd.s32 $0x1000, s2  }
0x68: {  	_ =	swait.ge [sflag:s26], $0x4000  }
0x69: {  	[sflag:s26] =	ssyncset.done $0x0  }
0x6a: {  	[sflag:s26] =	ssyncadd.s32 $0xFFFFC000  }
0x6b: {  	[tilespmem:s29], [sflag:$0x2] =	stream.indirect.gather [spmem:s1], $0x80, s31, s28, $0xb8;
	[tilespmem:$0x1DF80] =	vst v63  }
0x6c: {  	s5 =	sadd.s32 s4, s23  }
0x6d: {  	[hbm4b:s5+s3] =	stream.linear.scatter [tilespmem:s24], [sflag:$0x3], $0x4000, $0x38;
	[tilespmem:$0x1DF80] =	vst v63  }
0x6e: {  	_ =	swait.ge [sflag:s25], $0x4000  }
0x6f: {  	[sflag:s25] =	ssyncset.done $0x0  }
0x70: {  	[sflag:s25] =	ssyncadd.s32 $0xFFFFC000  }
0x71: {  	_ =	swait.ge [sflag:s30], $0x4000  }
0x72: {  	[sflag:s30] =	ssyncset.done $0x0  }
0x73: {  	s5 =	sadd.s32 $0x80, s31;
	[sflag:s30] =	ssyncadd.s32 $0xFFFFC000  }
0x74: {  	[tilespmem:s24], [sflag:$0x1] =	stream.indirect.gather [spmem:s1], $0x80, s5, s28, $0xb8;
	[tilespmem:$0x1DF80] =	vst v63  }
.Ltmp0:
0x75: {  	_ = 	snop;
	(pc) =	sbr.rel @p1 .LBB2_2-.Ltmp0, $4  }
0x76: {  	s4 =	sadd.s32 s4, s22  }
0x77: {  	[hbm4b:s4+s3] =	stream.linear.scatter [tilespmem:s29], [sflag:$0x3], $0x4000, $0x38;
	[tilespmem:$0x1DF80] =	vst v63  }
0x78: {  	_ =	swait.ge [sflag:s25], $0x4000  }
0x79: {  	[sflag:s25] =	ssyncset.done $0x0  }
0x7a: {  	[sflag:s25] =	ssyncadd.s32 $0xFFFFC000  }
0x7b: {  	_ =	swait.ge [sflag:s26], $0x4000  }
0x7c: {  	[sflag:s26] =	ssyncset.done $0x0  }
0x7d: {  	s2 =	simm.s32 $0x2680;
	[sflag:s26] =	ssyncadd.s32 $0xFFFFC000  }
0x7e: {  	[tilespmem:s29], [sflag:$0x2] =	stream.indirect.gather [spmem:s1], $0x80, s2, s28, $0xb8;
	[tilespmem:$0x1DF80] =	vst v63  }
0x7f: {  	_ = 	snop  }
0x80: {  	[hbm4b:s20+s3] =	stream.linear.scatter [tilespmem:s24], [sflag:$0x3], $0x4000, $0x38;
	[tilespmem:$0x1DF80] =	vst v63  }
0x81: {  	_ =	swait.ge [sflag:s25], $0x4000  }
0x82: {  	[sflag:s25] =	ssyncset.done $0x0  }
0x83: {  	[sflag:s25] =	ssyncadd.s32 $0xFFFFC000  }
0x84: {  	_ =	swait.ge [sflag:s30], $0x4000  }
0x85: {  	[sflag:s30] =	ssyncset.done $0x0  }
0x86: {  	[sflag:s30] =	ssyncadd.s32 $0xFFFFC000  }
0x87: {  	[hbm4b:s21+s3] =	stream.linear.scatter [tilespmem:s29], [sflag:$0x3], $0x4000, $0x38;
	[tilespmem:$0x1DF80] =	vst v63  }
0x88: {  	_ =	swait.ge [sflag:s25], $0x4000  }
0x89: {  	[sflag:s25] =	ssyncset.done $0x0  }
0x8a: {  	s4 =	simm.s32 @!p0 $0x3;
	s2 =	simm.s32 @!p0 $0x0;
	[sflag:s25] =	ssyncadd.s32 $0xFFFFC000  }
0x8b: {  	[tilespmem:s2], [sflag:$0x3] =	stream.linear.gather @!p0 [hbm4b:s16+s2], $0x80, $0x38;
	[tilespmem:$0x1DF80] =	vst v63  }
0x8c: {  	_ =	swait.ge @!p0 [sflag:s4], $0x80  }
0x8d: {  	[sflag:s4] =	ssyncset.done @!p0 $0x0  }
0x8e: {  	s5 =	simm.s32 @!p0 $0x80;
	s31 =	simm.s32 @!p0 $0x2700;
	[sflag:s4] =	ssyncadd.s32 @!p0 $0xFFFFFF80  }
0x8f: {  	[tilespmem:s31], [sflag:$0x1] =	stream.indirect.gather @!p0 [spmem:s1], $0x80, s2, s5, $0xb8;
	[tilespmem:$0x1DF80] =	vst v63  }
0x90: {  	s5 =	simm.s32 @!p0 $0x1  }
0x91: {  	s0 =	sadd.s32 $0x1, s0;
	_ =	swait.ge @!p0 [sflag:s5], $0x4000  }
0x92: {  	p1 =	sne.s32 s0, s19;
	[sflag:s5] =	ssyncset.done @!p0 $0x0  }
.Ltmp1:
0x93: {  	[sflag:s5] =	ssyncadd.s32 @!p0 $0xFFFFC000;
	(pc) =	sbr.rel @p1 .LBB2_1-.Ltmp1, $4  }
0x94: {  	[hbm4b:s18+s2] =	stream.linear.scatter @!p0 [tilespmem:s31], [sflag:$0x3], $0x4000, $0x38;
	[tilespmem:$0x1DF80] =	vst v63  }
0x95: {  	_ =	swait.ge @!p0 [sflag:s4], $0x4000  }
0x96: {  	[sflag:s4] =	ssyncset.done @!p0 $0x0  }
0x97: {  	[sflag:s4] =	ssyncadd.s32 @!p0 $0xFFFFC000  }
0x98: {  	_ =	sfence.sel $0x180000  }
0x99: {  	[bflag:$0x0] =	sbarrier.arrive $0xFFFF  }
0x9a: {  	_ =	strace $0x9000004A  }
0x9b: {  	s0 =	stileid.u32;
	[bflag:$0x2] =	sbarrier.arrive $0xFFFF  }
0x9c: {  	p0 =	sne.s32 s0, $0x0;
	s0 =	rddreg [dreg:$0x3]  }
0x9d: {  	s0 =	sadd.s32 @!p0 $0x100000, s0  }
0x9e: {  	[sflag:s0] =	ssyncadd.tile.s32 @!p0 $0x1;
	_ =	shalt  }
.Lfunc_end2:
_tile_overlayer_lowered:
.L_overlay_start_2:
0x9f: {  	(tag) =	ssettag $0x2  }
0xa0: {  	s0 =	rddreg [dreg:$0x0];
	s2 =	stileid.u32  }
0xa1: {  	s1 =	rddreg [dreg:$0x1];
	p0 =	sne.s32 s2, $0x0  }
0xa2: {  	s3 =	rddreg [dreg:$0x2];
	[bflag:$0x3] =	sbarrier.arrive $0xFFFF;
	s2 =	simm.s32 @!p0 $0x1C03  }
0xa3: {  	[timem:s3], [sflag:s2] =	dma.local @!p0 [hbm:s0], s1  }
0xa4: {  	s0 =	simm.s32 @!p0 $0x3  }
0xa5: {  	_ =	swait.ge @!p0 [sflag:s0], s1  }
0xa6: {  	s1 =	ssub.s32 @!p0 $0x0, s1;
	[sflag:s0] =	ssyncset.done @!p0 $0x0  }
0xa7: {  	[sflag:s0] =	ssyncadd.s32 @!p0 s1  }
0xa8: {  	[bflag:$0x3] =	sbarrier.arrive $0xFFFF  }
0xa9: {  	_ =	shalt  }

// kernel: kernel.7.cloned.1.call-start
scs
__scs_entry_jumppad:
0x0: {  	(pc) =	sbr.rel $0x88, $3  }
0x1: {  	(tag) =	ssettag $0x0;
	lr =	simm.s32 $0x1  }
0x2: {  	[smem:$0x3F9C] =	sst lr;
	_ =	strace $0xD0000000  }
0x3: {  	_ = 	snop  }
0x4: {  	_ = 	snop  }
0x5: {  	_ = 	snop  }
0x6: {  	_ = 	snop  }
0x7: {  	_ = 	snop  }
__scs_overlays_trampoline_lowered:
0x8: {  	[smem:$0x3FAB] =	sst s0  }
0x9: {  	[smem:$0x3FAC] =	sst s1  }
0xa: {  	[smem:$0x3FAD] =	sst s2  }
0xb: {  	[smem:$0x3FAE] =	sst s3  }
0xc: {  	[smem:$0x3FAF] =	sst s4  }
0xd: {  	[smem:$0x3FB0] =	sst s5  }
0xe: {  	[smem:$0x3FB1] =	sst s6  }
0xf: {  	[smem:$0x3FB2] =	sst s7  }
0x10: {  	[smem:$0x3FB3] =	sst s8  }
0x11: {  	[smem:$0x3FB4] =	sst s9;
	s0 =	simm.s32 @!p0 $0x0  }
0x12: {  	s1 =	sld [smem:$0x3F9A];
	s0 =	simm.s32 @p0 $0x1  }
0x13: {  	[smem:$0x3FB5] =	sst s0;
	s0 =	simm.s32 @!p1 $0x0  }
0x14: {  	s2 =	sld [smem:$0x3F99];
	s0 =	simm.s32 @p1 $0x1  }
0x15: {  	[smem:$0x3FB6] =	sst s0;
	s0 =	simm.s32 @!p2 $0x0  }
0x16: {  	s3 =	sld [smem:$0x3FDB];
	s0 =	simm.s32 @p2 $0x1  }
0x17: {  	s4 =	simm.s32 $0x1BF5;
	[smem:$0x3FB8] =	sst s0  }
0x18: {  	s0 =	sld [smem:$0x3F9B];
	_ =	swait.ge [sflag:s4], $0x0  }
0x19: {  	s7 =	sld [smem:$0x3F9C]  }
0x1a: {  	s8 =	sadd.s32 $0xFFFFE003, lr  }
0x1b: {  	s9 =	sadd.s32 $0xFFFFFEF7, lr;
	s5 =	simm.s32 $0xFFFFFFFF;
	p2 =	slt.u32 s8, $0xFFFFF086  }
0x1c: {  	p1 =	slt.u32 s9, $0xF7A;
	s5 =	simm.s32 @!p2 $0x0  }
0x1d: {  	s5 =	simm.s32 @p1 $0x1;
	p0 =	seq.s32 s7, s2  }
0x1e: {  	s7 =	smul.u32 @!p0 $0xF7A, s2;
	p2 =	seq.s32 @!p0 s5, $0x0  }
0x1f: {  	s9 =	smul.u32 $0xF7A, s1;
	s8 =	simm.s32 @!p0 $0x1BF5;
	p2 =	por !p2, p0  }
0x20: {  	[sflag:s8] =	ssyncset.s32 @!p0 $0xFFFFF086;
	s6 =	sadd.s32 @!p0 s3, s7;
	s7 =	simm.s32 @!p0 $0x108  }
0x21: {  	s3 =	sadd.s32 s3, s9;
	s6 =	sadd.s32 @!p0 $0x88, s6;
	s7 =	simm.s32 @p2 $0x1082  }
0x22: {  	[simem:s7], [sflag:s8] =	dma.local @!p0 [hbm:s6], $0xF7A  }
0x23: {  	s9 =	sor.u32 $0xD0000000, s2;
	s6 =	simm.s32 $0x108;
	_ =	swait.ge @!p0 [sflag:s8], $0x0  }
0x24: {  	s3 =	sadd.s32 $0x88, s3;
	s6 =	simm.s32 @!p1 $0x1082;
	[sflag:s4] =	ssyncset.s32 $0xFFFFF086  }
0x25: {  	[simem:s6], [sflag:s4] =	dma.local [hbm:s3], $0xF7A  }
0x26: {  	[smem:$0x3F9C] =	sst s1;
	(tag) =	ssettag s2;
	_ =	strace s9  }
0x27: {  	s1 =	sld [smem:$0x3FAC]  }
0x28: {  	s2 =	sld [smem:$0x3FAD]  }
0x29: {  	s4 =	sld [smem:$0x3FAF]  }
0x2a: {  	p0 =	seq.s32 s5, $0x0;
	s5 =	sld [smem:$0x3FB0]  }
0x2b: {  	s6 =	sld [smem:$0x3FB1]  }
0x2c: {  	s7 =	sld [smem:$0x3FB2]  }
0x2d: {  	s3 =	simm.s32 $0x108;
	s8 =	sld [smem:$0x3FB3]  }
0x2e: {  	s3 =	simm.s32 @!p0 $0x1082;
	s9 =	sld [smem:$0x3FB4]  }
0x2f: {  	lr =	sadd.s32 s0, s3;
	s0 =	sld [smem:$0x3FAB]  }
0x30: {  	s3 =	sld [smem:$0x3FAE]  }
0x31: {  	[smem:$0x3FB7] =	sst s10  }
0x32: {  	s10 =	sld [smem:$0x3FB5];
	_ =	sdelay $0x3  }
0x33: {  	p0 =	seq.s32 s10, $0x1;
	s10 =	sld [smem:$0x3FB7];
	_ =	sdelay $0x3  }
0x34: {  	[smem:$0x3FB7] =	sst s10  }
0x35: {  	s10 =	sld [smem:$0x3FB6];
	_ =	sdelay $0x3  }
0x36: {  	p1 =	seq.s32 s10, $0x1;
	s10 =	sld [smem:$0x3FB7];
	_ =	sdelay $0x3  }
0x37: {  	[smem:$0x3FB7] =	sst s10  }
0x38: {  	s10 =	sld [smem:$0x3FB8]  }
0x39: {  	_ = 	snop;
	(pc) =	sbr.ind lr, $3  }
0x3a: {  	_ = 	snop  }
0x3b: {  	_ = 	snop  }
0x3c: {  	p2 =	seq.s32 s10, $0x1;
	s10 =	sld [smem:$0x3FB7]  }
0x3d: {  	_ =	shalt  }
0x3e: {  	_ =	shalt  }
0x3f: {  	_ =	shalt  }
0x40: {  	_ =	shalt  }
0x41: {  	_ =	shalt  }
0x42: {  	_ =	shalt  }
0x43: {  	_ =	shalt  }
0x44: {  	_ =	shalt  }
0x45: {  	_ =	shalt  }
0x46: {  	_ =	shalt  }
0x47: {  	_ =	shalt  }
0x48: {  	_ =	shalt  }
0x49: {  	_ =	shalt  }
0x4a: {  	_ =	shalt  }
0x4b: {  	_ =	shalt  }
0x4c: {  	_ =	shalt  }
0x4d: {  	_ =	shalt  }
0x4e: {  	_ =	shalt  }
0x4f: {  	_ =	shalt  }
0x50: {  	_ =	shalt  }
0x51: {  	_ =	shalt  }
0x52: {  	_ =	shalt  }
0x53: {  	_ =	shalt  }
0x54: {  	_ =	shalt  }
0x55: {  	_ =	shalt  }
0x56: {  	_ =	shalt  }
0x57: {  	_ =	shalt  }
0x58: {  	_ =	shalt  }
0x59: {  	_ =	shalt  }
0x5a: {  	_ =	shalt  }
0x5b: {  	_ =	shalt  }
0x5c: {  	_ =	shalt  }
0x5d: {  	_ =	shalt  }
0x5e: {  	_ =	shalt  }
0x5f: {  	_ =	shalt  }
0x60: {  	_ =	shalt  }
0x61: {  	_ =	shalt  }
0x62: {  	_ =	shalt  }
0x63: {  	_ =	shalt  }
0x64: {  	_ =	shalt  }
0x65: {  	_ =	shalt  }
0x66: {  	_ =	shalt  }
0x67: {  	_ =	shalt  }
0x68: {  	_ =	shalt  }
0x69: {  	_ =	shalt  }
0x6a: {  	_ =	shalt  }
0x6b: {  	_ =	shalt  }
0x6c: {  	_ =	shalt  }
0x6d: {  	_ =	shalt  }
0x6e: {  	_ =	shalt  }
0x6f: {  	_ =	shalt  }
0x70: {  	_ =	shalt  }
0x71: {  	_ =	shalt  }
0x72: {  	_ =	shalt  }
0x73: {  	_ =	shalt  }
0x74: {  	_ =	shalt  }
0x75: {  	_ =	shalt  }
0x76: {  	_ =	shalt  }
0x77: {  	_ =	shalt  }
0x78: {  	_ =	shalt  }
0x79: {  	_ =	shalt  }
0x7a: {  	_ =	shalt  }
0x7b: {  	_ =	shalt  }
0x7c: {  	_ =	shalt  }
0x7d: {  	_ =	shalt  }
0x7e: {  	_ =	shalt  }
0x7f: {  	_ =	shalt  }
0x80: {  	_ =	shalt  }
0x81: {  	_ =	shalt  }
0x82: {  	_ =	shalt  }
0x83: {  	_ =	shalt  }
0x84: {  	_ =	shalt  }
0x85: {  	_ =	shalt  }
0x86: {  	_ =	shalt  }
0x87: {  	_ =	shalt  }
.Lfunc_end0:
.L_simem_size_0:
called_computation_lowered:
.L_overlay_start_0:
0x88: {  	s2 =	sld [smem:$0x3FD9]  }
0x89: {  	s3 =	sld [smem:$0x3FFE];
	_ =	sdelay $0x1  }
0x8a: {  	s1 =	srdreg.scid  }
0x8b: {  	s0 =	sand.u32 $0x1, s1  }
0x8c: {  	s17 =	sshll.u32 s0, $0xA;
	s2 =	sadd.s32 s3, s2  }
0x8d: {  	s2 =	sadd.s32 s2, s17  }
0x8e: {  	[smem:$0x3FC3] =	sst s2  }
0x8f: {  	_ = 	snop  }
0x90: {  	s2 =	sld [smem:$0x3FC9]  }
0x91: {  	s18 =	sld [smem:$0x3FD0];
	(tm) =	ssettm $0x1  }
0x92: {  	s4 =	sld [smem:$0x3FFB];
	_ =	sdelay $0x3  }
0x93: {  	_ =	strace s4  }
0x94: {  	s4 =	sld [smem:$0x3FFC];
	_ =	sdelay $0x3  }
0x95: {  	_ =	strace s4  }
0x96: {  	s4 =	sld [smem:$0x3FFD];
	_ =	sdelay $0x3  }
0x97: {  	_ =	strace s4  }
0x98: {  	_ =	strace $0x8FFFFFFF  }
0x99: {  	s19 =	sld [smem:$0x3FDB];
	_ =	sdelay $0x1  }
0x9a: {  	s5 =	simm.s32 $_scs_section_size  }
0x9b: {  	s6 =	simm.s32 $_size__tile_overlayer_lowered;
	s7 =	simm.s32 $_tile_overlayer_lowered  }
0x9c: {  	s22 =	simm.s32 $0x1BFF;
	s21 =	sshll.u32 s7, $0x1;
	s4 =	sadd.s32 s5, s19  }
0x9d: {  	s8 =	simm.s32 $0x0;
	s20 =	sshll.u32 s6, $0x1;
	s6 =	sadd.s32 s21, s4  }
0x9e: {  	[timem:s8], [sflag:s22] =	dma.local [hbm:s6], s20  }
0x9f: {  	_ =	swait.ge [sflag:s22], s20  }
0xa0: {  	s5 =	ssub.s32 $0x0, s20;
	[sflag:s22] =	ssyncset.done $0x0  }
0xa1: {  	[sflag:s22] =	ssyncadd.s32 s5;
	_ =	sdelay $0x1  }
0xa2: {  	s23 =	simm.s32 $0x1B8B  }
0xa3: {  	_ =	swait.ge [sflag:s23], $0x1  }
0xa4: {  	[sflag:s23] =	ssyncset.done $0x0  }
0xa5: {  	s25 =	simm.s32 $0x1B8E;
	s24 =	sld [smem:$0x3FFE];
	[sflag:s23] =	ssyncadd.s32 $0xFFFFFFFF  }
0xa6: {  	s26 =	simm.s32 $execute0_lowered;
	[smem:$0x3FD2] =	sst s25  }
0xa7: {  	s6 =	sshll.u32 s26, $0x1;
	_ =	strace $0x80000046;
	[dreg:$0x1] =	wrdreg $0xFFFFFFFF  }
0xa8: {  	s28 =	simm.s32 $_size_execute0_lowered;
	s4 =	sadd.s32 s4, s6;
	[dreg:$0x0] =	wrdreg $0x0  }
0xa9: {  	s6 =	sshll.u32 s28, $0x1;
	[dreg:$0x2] =	wrdreg s4  }
0xaa: {  	[dreg:$0x3] =	wrdreg s6  }
0xab: {  	[dreg:$0x4] =	wrdreg $0xC0  }
0xac: {  	_ =	task [dreg:s8], $0x5FFFF  }
0xad: {  	[dreg:$0x1] =	wrdreg $0xFFFFFFFF  }
0xae: {  	[dreg:$0x0] =	wrdreg $0x60  }
0xaf: {  	[dreg:$0x2] =	wrdreg s2  }
0xb0: {  	[dreg:$0x3] =	wrdreg s24  }
0xb1: {  	[dreg:$0x4] =	wrdreg s18  }
0xb2: {  	[dreg:$0x5] =	wrdreg $0xA7000  }
0xb3: {  	[dreg:$0x6] =	wrdreg $0x9  }
0xb4: {  	_ =	task.clear_ibuf [dreg:s8], $0x7FFFF;
	_ =	strace $0x90000046  }
0xb5: {  	s29 =	simm.s32 $0x9;
	_ =	strace $0x80000048  }
0xb6: {  	_ =	swait.ge [sflag:s29], $0x1  }
0xb7: {  	[sflag:s29] =	ssyncadd.s32 $0xFFFFFFFF  }
0xb8: {  	_ =	strace $0x90000048  }
0xb9: {  	_ =	sfence  }
0xba: {  	s30 =	sld [smem:$0x0];
	_ =	sdelay $0x2  }
0xbb: {  	s31 =	sshll.u32 s1, $0xD;
	s1 =	sshrl.u32 s1, $0x2  }
0xbc: {  	s3 =	sand.u32 $0x4000, s31;
	s1 =	sadd.s32 s1, s30  }
0xbd: {  	s0 =	sor.u32 s3, s0;
	s1 =	sshll.u32 s1, $0x11  }
0xbe: {  	s0 =	sor.u32 s1, s0  }
0xbf: {  	s0 =	sadd.s32 $0x8F2B, s0  }
0xc0: {  	[sflag:s0] =	ssyncadd.remote.s32 $0x1  }
0xc1: {  	_ =	sfence.sel $0xFFFF  }
0xc2: {  	[dreg:$0x0] =	wrdreg $0xFFFFFFFF;
	(pc) =	sbr.abs _section_cstart, $3  }
0xc3: {  	[dreg:$0x1] =	wrdreg $0xFFFFFFFF  }
0xc4: {  	_ =	task.clear_ibuf [dreg:s8], $0x2FFFF;
	_ =	strace $0x9FFFFFFF  }
0xc5: {  	(tm) =	ssettm $0x7FFFFFFF  }
tec
execute0_lowered:
.L_overlay_start_1:
0x0: {  	(tag) =	ssettag $0x1  }
0x1: {  	s0 =	rddreg [dreg:$0x0]  }
0x2: {  	s2 =	rddreg [dreg:$0x1]  }
0x3: {  	s20 =	rddreg [dreg:$0x2]  }
0x4: {  	s1 =	rddreg [dreg:$0x3];
	s3 =	simm.s32 $0x0;
	s4 =	srdreg.scid  }
0x5: {  	s25 =	stileid.u32;
	s28 =	simm.s32 $0x6700;
	s29 =	simm.s32 $0x80  }
0x6: {  	s30 =	simm.s32 $0x2;
	[smem:$0x7FF] =	sst s3;
	s21 =	smul.u32 $0x4E000, s25  }
0x7: {  	s19 =	sand.u32 $0x1, s4;
	s2 =	sadd.s32 $0x1200, s2;
	s13 =	smul.u32 $0x13800, s25  }
0x8: {  	s6 =	sshll.u32 s25, $0x1;
	s18 =	sshll.u32 s25, $0xA;
	p0 =	sgt.u32 s25, $0x1  }
0x9: {  	s25 =	simm.s32 $0x3;
	_ =	strace $0x80000047;
	s4 =	ssub.s32 $0x2, s19  }
0xa: {  	s8 =	sor.u32 s19, s6;
	s11 =	sadd.s32 s18, s1;
	s24 =	smul.u32 $0x138800, s19  }
0xb: {  	s5 =	sshrl.u32 s4, $0x1;
	s7 =	sshrl.u32 s21, $0x2;
	s14 =	sadd.s32 $0x4000, s13  }
0xc: {  	s15 =	sadd.s32 $0x8000, s13;
	s16 =	sadd.s32 $0xC000, s13;
	s9 =	smul.u32 $0x4E0, s8  }
0xd: {  	s17 =	sadd.s32 $0x10000, s13;
	s10 =	sshll.u32 s8, $0x7;
	s12 =	smul.u32 $0x27000, s8  }
0xe: {  	s11 =	sadd.s32 $0x138000, s11;
	s22 =	ssub.s32 s4, s5;
	s4 =	sadd.s32 s7, s1  }
0xf: {  	s5 =	sadd.s32 s14, s1;
	s6 =	sadd.s32 s15, s1;
	s7 =	sadd.s32 s16, s1  }
0x10: {  	s23 =	sor.u32 $0x4E000, s10;
	s31 =	sadd.s32 s13, s24;
	s9 =	sadd.s32 s2, s9  }
0x11: {  	s10 =	sshrl.u32 s23, $0x3;
	s12 =	sadd.s32 s0, s12;
	s26 =	sshll.u32 s23, $0x4  }
0x12: {  	s8 =	sshrl.u32 s31, $0x3;
	s31 =	sadd.s32 s24, s15;
	[dreg:$0x5] =	wrdreg s9  }
0x13: {  	s2 =	sadd.s32 s2, s10;
	s10 =	sadd.s32 s17, s1;
	s13 =	sadd.s32 s0, s26  }
0x14: {  	s9 =	sadd.s32 s24, s14;
	s14 =	sadd.s32 s20, s8;
	s8 =	sshrl.u32 s31, $0x3  }
0x15: {  	s31 =	sadd.s32 s24, s17;
	s0 =	sadd.s32 s21, s0;
	s21 =	smax.u32 s22, $0x1  }
0x16: {  	s22 =	sadd.s32 $0x26800, s12;
	[dreg:$0x6] =	wrdreg s2;
	s26 =	sshrl.u32 s9, $0x3  }
0x17: {  	s9 =	sadd.s32 s24, s16;
	s16 =	sadd.s32 s20, s8;
	s8 =	sshrl.u32 s31, $0x3  }
0x18: {  	s31 =	smul.u32 $0x27000, s19;
	s15 =	sadd.s32 s20, s26;
	s26 =	sshrl.u32 s9, $0x3  }
0x19: {  	s9 =	sor.u32 $0x138000, s18;
	s18 =	sadd.s32 s20, s8;
	s17 =	sadd.s32 s20, s26  }
0x1a: {  	s26 =	sadd.s32 s24, s9;
	s19 =	sadd.s32 s9, s1;
	s0 =	sadd.s32 s31, s0  }
0x1b: {  	s24 =	simm.s32 $0x2700;
	s2 =	sshrl.u32 s26, $0x3;
	s0 =	sadd.s32 $0x1000, s0  }
0x1c: {  	v0 =	vimm.f32 $0.0e+00;
	s26 =	simm.s32 $0x1;
	s20 =	sadd.s32 s20, s2;
	s2 =	simm.s32 $0x0  }
.LBB2_1:
0x1d: {  	s23 =	simm.s32 $0x0;
	s31 =	simm.s32 $0x200  }
.LBB2_2:
0x1e: {  	p1 =	sne.s32 s31, $0xFE00;
	[tilespmem:s23+$0x2770] =	vst v0  }
0x1f: {  	[tilespmem:s23+$0x2700] =	vst v0  }
0x20: {  	[tilespmem:s23+$0x2710] =	vst v0  }
.Ltmp0:
0x21: {  	[tilespmem:s23+$0x2720] =	vst v0;
	(pc) =	sbr.rel @p1 .LBB2_2-.Ltmp0, $4  }
0x22: {  	[tilespmem:s23+$0x2730] =	vst v0  }
0x23: {  	[tilespmem:s23+$0x2740] =	vst v0  }
0x24: {  	[tilespmem:s23+$0x2750] =	vst v0  }
0x25: {  	[tilespmem:s23+$0x2760] =	vst v0;
	s23 =	sshra.s32 s31, $0x2;
	s31 =	sadd.s32 $0x200, s31  }
0x26: {  	[tilespmem:s23+$0x2770] =	vst v0  }
0x27: {  	[tilespmem:s23+$0x2700] =	vst v0  }
0x28: {  	[tilespmem:s23+$0x2710] =	vst v0  }
0x29: {  	[tilespmem:s23+$0x2720] =	vst v0  }
0x2a: {  	[tilespmem:s23+$0x2730] =	vst v0  }
0x2b: {  	[tilespmem:s23+$0x2740] =	vst v0  }
0x2c: {  	[tilespmem:s23+$0x2750] =	vst v0  }
0x2d: {  	[tilespmem:s23+$0x2760] =	vst v0  }
0x2e: {  	[spmem:s4] =	stream.linear.scatter [tilespmem:s24], [sflag:$0x3], $0x4000, $0x38;
	[tilespmem:$0x1DF80] =	vst v63  }
0x2f: {  	_ =	swait.ge [sflag:s25], $0x4000  }
0x30: {  	[sflag:s25] =	ssyncset.done $0x0  }
0x31: {  	[sflag:s25] =	ssyncadd.s32 $0xFFFFC000  }
0x32: {  	[spmem:s5] =	stream.linear.scatter [tilespmem:s24], [sflag:$0x3], $0x4000, $0x38;
	[tilespmem:$0x1DF80] =	vst v63  }
0x33: {  	_ =	swait.ge [sflag:s25], $0x4000  }
0x34: {  	[sflag:s25] =	ssyncset.done $0x0  }
0x35: {  	[sflag:s25] =	ssyncadd.s32 $0xFFFFC000  }
0x36: {  	[spmem:s6] =	stream.linear.scatter [tilespmem:s24], [sflag:$0x3], $0x4000, $0x38;
	[tilespmem:$0x1DF80] =	vst v63  }
0x37: {  	_ =	swait.ge [sflag:s25], $0x4000  }
0x38: {  	[sflag:s25] =	ssyncset.done $0x0  }
0x39: {  	[sflag:s25] =	ssyncadd.s32 $0xFFFFC000  }
0x3a: {  	[spmem:s7] =	stream.linear.scatter [tilespmem:s24], [sflag:$0x3], $0x4000, $0x38;
	[tilespmem:$0x1DF80] =	vst v63  }
0x3b: {  	_ =	swait.ge [sflag:s25], $0x4000  }
0x3c: {  	[sflag:s25] =	ssyncset.done $0x0  }
0x3d: {  	[sflag:s25] =	ssyncadd.s32 $0xFFFFC000  }
0x3e: {  	[spmem:s10] =	stream.linear.scatter [tilespmem:s24], [sflag:$0x3], $0x3800, $0x38;
	[tilespmem:$0x1DF80] =	vst v63  }
0x3f: {  	_ =	swait.ge [sflag:s25], $0x3800  }
0x40: {  	[sflag:s25] =	ssyncset.done $0x0  }
0x41: {  	s23 =	simm.s32 @!p0 $0x2700;
	[sflag:s25] =	ssyncadd.s32 $0xFFFFC800  }
0x42: {  	[spmem:s11] =	stream.linear.scatter @!p0 [tilespmem:s23], [sflag:$0x3], $0x400, $0x38;
	[tilespmem:$0x1DF80] =	vst v63  }
0x43: {  	s23 =	simm.s32 @!p0 $0x3  }
0x44: {  	_ =	swait.ge @!p0 [sflag:s23], $0x400  }
0x45: {  	[sflag:s23] =	ssyncset.done @!p0 $0x0  }
0x46: {  	[sflag:s23] =	ssyncadd.s32 @!p0 $0xFFFFFC00  }
0x47: {  	[bflag:$0x0] =	sbarrier.arrive $0xFFFF  }
0x48: {  	s9 =	simm.s32 $0x0;
	s8 =	rddreg [dreg:$0x5]  }
0x49: {  	[tilespmem:s9], [sflag:$0x3] =	stream.linear.gather [hbm4b:s8+s9], $0x2700, $0x38;
	[tilespmem:$0x1DF80] =	vst v63  }
0x4a: {  	_ =	swait.ge [sflag:s25], $0x2700  }
0x4b: {  	[sflag:s25] =	ssyncset.done $0x0  }
0x4c: {  	[sflag:s25] =	ssyncadd.s32 $0xFFFFD900  }
0x4d: {  	[tilespmem:s24], [sflag:$0x1] =	stream.linear.gather [hbm4b:s12+s9], $0x4000, $0x38;
	[tilespmem:$0x1DF80] =	vst v63  }
0x4e: {  	_ =	swait.ge [sflag:s26], $0x4000  }
0x4f: {  	[sflag:s26] =	ssyncset.done $0x0  }
0x50: {  	s9 =	sadd.s32 $0xFFFFF800, s0;
	[sflag:s26] =	ssyncadd.s32 $0xFFFFC000  }
0x51: {  	[tilespmem:s28], [sflag:$0x2] =	stream.linear.gather [hbm4b:s9+s3], $0x4000, $0x38;
	[tilespmem:$0x1DF80] =	vst v63  }
0x52: {  	s8 =	simm.s32 $0x0  }
0x53: {  	[spmem:s1] =	stream.indirect.scatter.add.f32 [tilespmem:s24], [sflag:$0x3], $0x80, s8, s29, $0xb8;
	[tilespmem:$0x1DF80] =	vst v63  }
0x54: {  	_ =	swait.ge [sflag:s25], $0x4000  }
0x55: {  	[sflag:s25] =	ssyncset.done $0x0  }
0x56: {  	[sflag:s25] =	ssyncadd.s32 $0xFFFFC000  }
0x57: {  	_ =	swait.ge [sflag:s30], $0x4000  }
0x58: {  	[sflag:s30] =	ssyncset.done $0x0  }
0x59: {  	[sflag:s30] =	ssyncadd.s32 $0xFFFFC000  }
0x5a: {  	[tilespmem:s24], [sflag:$0x1] =	stream.linear.gather [hbm4b:s0+s3], $0x4000, $0x38;
	[tilespmem:$0x1DF80] =	vst v63  }
0x5b: {  	s9 =	simm.s32 $0x80  }
0x5c: {  	[spmem:s1] =	stream.indirect.scatter.add.f32 [tilespmem:s28], [sflag:$0x3], $0x80, s9, s29, $0xb8;
	[tilespmem:$0x1DF80] =	vst v63  }
0x5d: {  	_ =	swait.ge [sflag:s25], $0x4000  }
0x5e: {  	s31 =	simm.s32 $0x400;
	s23 =	smov.u32 s0;
	[sflag:s25] =	ssyncset.done $0x0  }
.LBB2_4:
0x5f: {  	p1 =	sne.s32 s31, $0x9400;
	[sflag:s25] =	ssyncadd.s32 $0xFFFFC000;
	s23 =	sadd.s32 $0x1000, s23  }
0x60: {  	s8 =	smov.u32 s31;
	s31 =	sadd.s32 $0x400, s31  }
0x61: {  	_ =	swait.ge [sflag:s26], $0x4000  }
0x62: {  	[sflag:s26] =	ssyncset.done $0x0  }
0x63: {  	s9 =	sadd.s32 $0xFFFFF800, s23;
	[sflag:s26] =	ssyncadd.s32 $0xFFFFC000  }
0x64: {  	[tilespmem:s28], [sflag:$0x2] =	stream.linear.gather [hbm4b:s9+s3], $0x4000, $0x38;
	[tilespmem:$0x1DF80] =	vst v63  }
0x65: {  	s8 =	sshra.s32 s8, $0x2  }
0x66: {  	[spmem:s1] =	stream.indirect.scatter.add.f32 [tilespmem:s24], [sflag:$0x3], $0x80, s8, s29, $0xb8;
	[tilespmem:$0x1DF80] =	vst v63  }
0x67: {  	_ =	swait.ge [sflag:s25], $0x4000  }
0x68: {  	[sflag:s25] =	ssyncset.done $0x0  }
0x69: {  	[sflag:s25] =	ssyncadd.s32 $0xFFFFC000  }
0x6a: {  	_ =	swait.ge [sflag:s30], $0x4000  }
0x6b: {  	[sflag:s30] =	ssyncset.done $0x0  }
0x6c: {  	[sflag:s30] =	ssyncadd.s32 $0xFFFFC000  }
0x6d: {  	[tilespmem:s24], [sflag:$0x1] =	stream.linear.gather [hbm4b:s23+s3], $0x4000, $0x38;
	[tilespmem:$0x1DF80] =	vst v63  }
.Ltmp1:
0x6e: {  	_ = 	snop;
	(pc) =	sbr.rel @p1 .LBB2_4-.Ltmp1, $4  }
0x6f: {  	s8 =	sadd.s32 $0x80, s8  }
0x70: {  	[spmem:s1] =	stream.indirect.scatter.add.f32 [tilespmem:s28], [sflag:$0x3], $0x80, s8, s29, $0xb8;
	[tilespmem:$0x1DF80] =	vst v63  }
0x71: {  	_ =	swait.ge [sflag:s25], $0x4000  }
0x72: {  	[sflag:s25] =	ssyncset.done $0x0  }
0x73: {  	[sflag:s25] =	ssyncadd.s32 $0xFFFFC000  }
0x74: {  	_ =	swait.ge [sflag:s26], $0x4000  }
0x75: {  	[sflag:s26] =	ssyncset.done $0x0  }
0x76: {  	[sflag:s26] =	ssyncadd.s32 $0xFFFFC000  }
0x77: {  	[tilespmem:s28], [sflag:$0x2] =	stream.linear.gather [hbm4b:s22+s3], $0x4000, $0x38;
	[tilespmem:$0x1DF80] =	vst v63  }
0x78: {  	s8 =	simm.s32 $0x2600  }
0x79: {  	[spmem:s1] =	stream.indirect.scatter.add.f32 [tilespmem:s24], [sflag:$0x3], $0x80, s8, s29, $0xb8;
	[tilespmem:$0x1DF80] =	vst v63  }
0x7a: {  	_ =	swait.ge [sflag:s25], $0x4000  }
0x7b: {  	[sflag:s25] =	ssyncset.done $0x0  }
0x7c: {  	[sflag:s25] =	ssyncadd.s32 $0xFFFFC000  }
0x7d: {  	_ =	swait.ge [sflag:s30], $0x4000  }
0x7e: {  	[sflag:s30] =	ssyncset.done $0x0  }
0x7f: {  	s31 =	simm.s32 $0x2680;
	[sflag:s30] =	ssyncadd.s32 $0xFFFFC000  }
0x80: {  	[spmem:s1] =	stream.indirect.scatter.add.f32 [tilespmem:s28], [sflag:$0x3], $0x80, s31, s29, $0xb8;
	[tilespmem:$0x1DF80] =	vst v63  }
0x81: {  	_ =	swait.ge [sflag:s25], $0x4000  }
0x82: {  	s8 =	simm.s32 @!p0 $0x0;
	[sflag:s25] =	ssyncset.done $0x0  }
0x83: {  	s31 =	simm.s32 @!p0 $0x3;
	s9 =	rddreg [dreg:$0x6];
	[sflag:s25] =	ssyncadd.s32 $0xFFFFC000  }
0x84: {  	[tilespmem:s8], [sflag:$0x3] =	stream.linear.gather @!p0 [hbm4b:s9+s8], $0x80, $0x38;
	[tilespmem:$0x1DF80] =	vst v63  }
0x85: {  	_ =	swait.ge @!p0 [sflag:s31], $0x80  }
0x86: {  	[sflag:s31] =	ssyncset.done @!p0 $0x0  }
0x87: {  	s9 =	simm.s32 @!p0 $0x2700;
	[sflag:s31] =	ssyncadd.s32 @!p0 $0xFFFFFF80  }
0x88: {  	[tilespmem:s9], [sflag:$0x3] =	stream.linear.gather @!p0 [hbm4b:s13+s8], $0x4000, $0x38;
	[tilespmem:$0x1DF80] =	vst v63  }
0x89: {  	_ =	swait.ge @!p0 [sflag:s31], $0x4000  }
0x8a: {  	[sflag:s31] =	ssyncset.done @!p0 $0x0  }
0x8b: {  	s23 =	simm.s32 @!p0 $0x80;
	[sflag:s31] =	ssyncadd.s32 @!p0 $0xFFFFC000  }
0x8c: {  	[spmem:s1] =	stream.indirect.scatter.add.f32 @!p0 [tilespmem:s9], [sflag:$0x3], $0x80, s8, s23, $0xb8;
	[tilespmem:$0x1DF80] =	vst v63  }
0x8d: {  	_ =	swait.ge @!p0 [sflag:s31], $0x4000  }
0x8e: {  	[sflag:s31] =	ssyncset.done @!p0 $0x0  }
0x8f: {  	[sflag:s31] =	ssyncadd.s32 @!p0 $0xFFFFC000  }
0x90: {  	[bflag:$0x0] =	sbarrier.arrive $0xFFFF  }
0x91: {  	[tilespmem:s24], [sflag:$0x3] =	stream.linear.gather [spmem:s4], $0x4000, $0x38;
	[tilespmem:$0x1DF80] =	vst v63  }
0x92: {  	_ =	swait.ge [sflag:s25], $0x4000  }
0x93: {  	[sflag:s25] =	ssyncset.done $0x0  }
0x94: {  	[sflag:s25] =	ssyncadd.s32 $0xFFFFC000  }
0x95: {  	[hbm4b:s14+s3] =	stream.linear.scatter [tilespmem:s24], [sflag:$0x3], $0x4000, $0x38;
	[tilespmem:$0x1DF80] =	vst v63  }
0x96: {  	_ =	swait.ge [sflag:s25], $0x4000  }
0x97: {  	[sflag:s25] =	ssyncset.done $0x0  }
0x98: {  	[sflag:s25] =	ssyncadd.s32 $0xFFFFC000  }
0x99: {  	[tilespmem:s24], [sflag:$0x3] =	stream.linear.gather [spmem:s5], $0x4000, $0x38;
	[tilespmem:$0x1DF80] =	vst v63  }
0x9a: {  	_ =	swait.ge [sflag:s25], $0x4000  }
0x9b: {  	[sflag:s25] =	ssyncset.done $0x0  }
0x9c: {  	[sflag:s25] =	ssyncadd.s32 $0xFFFFC000  }
0x9d: {  	[hbm4b:s15+s3] =	stream.linear.scatter [tilespmem:s24], [sflag:$0x3], $0x4000, $0x38;
	[tilespmem:$0x1DF80] =	vst v63  }
0x9e: {  	_ =	swait.ge [sflag:s25], $0x4000  }
0x9f: {  	[sflag:s25] =	ssyncset.done $0x0  }
0xa0: {  	[sflag:s25] =	ssyncadd.s32 $0xFFFFC000  }
0xa1: {  	[tilespmem:s24], [sflag:$0x3] =	stream.linear.gather [spmem:s6], $0x4000, $0x38;
	[tilespmem:$0x1DF80] =	vst v63  }
0xa2: {  	_ =	swait.ge [sflag:s25], $0x4000  }
0xa3: {  	[sflag:s25] =	ssyncset.done $0x0  }
0xa4: {  	[sflag:s25] =	ssyncadd.s32 $0xFFFFC000  }
0xa5: {  	[hbm4b:s16+s3] =	stream.linear.scatter [tilespmem:s24], [sflag:$0x3], $0x4000, $0x38;
	[tilespmem:$0x1DF80] =	vst v63  }
0xa6: {  	_ =	swait.ge [sflag:s25], $0x4000  }
0xa7: {  	[sflag:s25] =	ssyncset.done $0x0  }
0xa8: {  	[sflag:s25] =	ssyncadd.s32 $0xFFFFC000  }
0xa9: {  	[tilespmem:s24], [sflag:$0x3] =	stream.linear.gather [spmem:s7], $0x4000, $0x38;
	[tilespmem:$0x1DF80] =	vst v63  }
0xaa: {  	_ =	swait.ge [sflag:s25], $0x4000  }
0xab: {  	[sflag:s25] =	ssyncset.done $0x0  }
0xac: {  	[sflag:s25] =	ssyncadd.s32 $0xFFFFC000  }
0xad: {  	[hbm4b:s17+s3] =	stream.linear.scatter [tilespmem:s24], [sflag:$0x3], $0x4000, $0x38;
	[tilespmem:$0x1DF80] =	vst v63  }
0xae: {  	_ =	swait.ge [sflag:s25], $0x4000  }
0xaf: {  	[sflag:s25] =	ssyncset.done $0x0  }
0xb0: {  	[sflag:s25] =	ssyncadd.s32 $0xFFFFC000  }
0xb1: {  	[tilespmem:s24], [sflag:$0x3] =	stream.linear.gather [spmem:s10], $0x3800, $0x38;
	[tilespmem:$0x1DF80] =	vst v63  }
0xb2: {  	_ =	swait.ge [sflag:s25], $0x3800  }
0xb3: {  	[sflag:s25] =	ssyncset.done $0x0  }
0xb4: {  	[sflag:s25] =	ssyncadd.s32 $0xFFFFC800  }
0xb5: {  	[hbm4b:s18+s3] =	stream.linear.scatter [tilespmem:s24], [sflag:$0x3], $0x3800, $0x38;
	[tilespmem:$0x1DF80] =	vst v63  }
0xb6: {  	_ =	swait.ge [sflag:s25], $0x3800  }
0xb7: {  	[sflag:s25] =	ssyncset.done $0x0  }
0xb8: {  	[sflag:s25] =	ssyncadd.s32 $0xFFFFC800  }
0xb9: {  	[tilespmem:s9], [sflag:$0x3] =	stream.linear.gather @!p0 [spmem:s19], $0x400, $0x38;
	[tilespmem:$0x1DF80] =	vst v63  }
0xba: {  	s2 =	sadd.s32 $0x1, s2;
	_ =	swait.ge @!p0 [sflag:s31], $0x400  }
0xbb: {  	p1 =	sne.s32 s2, s21;
	[sflag:s31] =	ssyncset.done @!p0 $0x0  }
.Ltmp2:
0xbc: {  	[sflag:s31] =	ssyncadd.s32 @!p0 $0xFFFFFC00;
	(pc) =	sbr.rel @p1 .LBB2_1-.Ltmp2, $4  }
0xbd: {  	[hbm4b:s20+s8] =	stream.linear.scatter @!p0 [tilespmem:s9], [sflag:$0x3], $0x400, $0x38;
	[tilespmem:$0x1DF80] =	vst v63  }
0xbe: {  	_ =	swait.ge @!p0 [sflag:s31], $0x400  }
0xbf: {  	[sflag:s31] =	ssyncset.done @!p0 $0x0  }
0xc0: {  	[sflag:s31] =	ssyncadd.s32 @!p0 $0xFFFFFC00  }
0xc1: {  	_ =	sfence.sel $0x180000  }
0xc2: {  	[bflag:$0x0] =	sbarrier.arrive $0xFFFF  }
0xc3: {  	_ =	strace $0x90000047  }
0xc4: {  	s0 =	stileid.u32;
	[bflag:$0x2] =	sbarrier.arrive $0xFFFF  }
0xc5: {  	p0 =	sne.s32 s0, $0x0;
	s0 =	rddreg [dreg:$0x4]  }
0xc6: {  	s0 =	sadd.s32 @!p0 $0x100000, s0  }
0xc7: {  	[sflag:s0] =	ssyncadd.tile.s32 @!p0 $0x1;
	_ =	shalt  }
.Lfunc_end2:
_tile_overlayer_lowered:
.L_overlay_start_2:
0xc8: {  	(tag) =	ssettag $0x2  }
0xc9: {  	s0 =	rddreg [dreg:$0x0];
	s2 =	stileid.u32  }
0xca: {  	s1 =	rddreg [dreg:$0x1];
	p0 =	sne.s32 s2, $0x0  }
0xcb: {  	s3 =	rddreg [dreg:$0x2];
	[bflag:$0x3] =	sbarrier.arrive $0xFFFF;
	s2 =	simm.s32 @!p0 $0x1C03  }
0xcc: {  	[timem:s3], [sflag:s2] =	dma.local @!p0 [hbm:s0], s1  }
0xcd: {  	s0 =	simm.s32 @!p0 $0x3  }
0xce: {  	_ =	swait.ge @!p0 [sflag:s0], s1  }
0xcf: {  	s1 =	ssub.s32 @!p0 $0x0, s1;
	[sflag:s0] =	ssyncset.done @!p0 $0x0  }
0xd0: {  	[sflag:s0] =	ssyncadd.s32 @!p0 s1  }
0xd1: {  	[bflag:$0x3] =	sbarrier.arrive $0xFFFF  }
0xd2: {  	_ =	shalt  }

</sc_bundles>
